<compile_context>
chip_gen: v7x
topology: tpu7x:2x2x1
jax: 0.10.2.dev20260603
libtpu: 0.0.44.dev20260713+nightly
codegen_flags: <defaults>
</compile_context>

<pallas_src>
import functools

import jax
import jax.numpy as jnp
from jax import lax
from jax.experimental import pallas as pl
from jax.experimental.pallas import tpu as pltpu
from jax.experimental.pallas import tpu_sc as plsc

VOCAB = 9
NSEG = 2
NROWS = VOCAB * NSEG
D = 1024


def _prep_kernel(nworkers, wdiv, x_ref, seg_ref, tok_ref, segt_ref,
                 gamma_ref, beta_ref, idx_ref, f_ref):
    t = tok_ref[...]
    s0 = segt_ref[0:1, :]
    s1 = segt_ref[1:2, :]
    e = jnp.concatenate([t + s0, t + s1], axis=0)
    mean = jnp.mean(e, axis=-1, keepdims=True)
    ctr = e - mean
    var = jnp.mean(ctr * ctr, axis=-1, keepdims=True)
    normed = ctr * lax.rsqrt(var + 1e-5)
    f = normed * gamma_ref[...] + beta_ref[...]
    f_ref[...] = jnp.broadcast_to(f[None], (nworkers, NROWS, D)).reshape(
        nworkers * NROWS, D)
    w = lax.broadcasted_iota(jnp.int32, x_ref.shape, 0) // wdiv
    idx_ref[...] = x_ref[...] + VOCAB * seg_ref[...] + NROWS * w


def _make_sc_gather(n_tokens):
    info = plsc.get_sparse_core_info()
    nc, ns = info.num_cores, info.num_subcores
    nw = nc * ns
    per_w = n_tokens // nw
    chunk = 32
    n_chunks = per_w // chunk

    mesh = plsc.VectorSubcoreMesh(core_axis_name="c", subcore_axis_name="s")

    @functools.partial(
        pl.kernel,
        mesh=mesh,
        out_type=jax.ShapeDtypeStruct((n_tokens, D), jnp.float32),
        scratch_types=[
            pltpu.VMEM((per_w,), jnp.int32),
            pltpu.VMEM((chunk, D), jnp.float32),
            pltpu.VMEM((chunk, D), jnp.float32),
            pltpu.VMEM((chunk, D), jnp.float32),
            pltpu.SemaphoreType.DMA,
            pltpu.SemaphoreType.DMA,
            pltpu.SemaphoreType.DMA,
            pltpu.SemaphoreType.DMA,
            pltpu.SemaphoreType.DMA,
            pltpu.SemaphoreType.DMA,
        ],
    )
    def sc_gather(f_hbm, idx_hbm, out_hbm, idx_v,
                  buf0, buf1, buf2, gs0, gs1, gs2, ws0, ws1, ws2):
        wid = lax.axis_index("s") * nc + lax.axis_index("c")
        base = wid * per_w
        pltpu.sync_copy(idx_hbm.at[pl.ds(base, per_w)], idx_v)
        bufs = (buf0, buf1, buf2)
        gsems = (gs0, gs1, gs2)
        wsems = (ws0, ws1, ws2)

        def gather(c):
            return pltpu.async_copy(
                f_hbm.at[idx_v.at[pl.ds(c * chunk, chunk)]],
                bufs[c % 3], gsems[c % 3])

        def write(c):
            return pltpu.async_copy(
                bufs[c % 3], out_hbm.at[pl.ds(base + c * chunk, chunk)],
                wsems[c % 3])

        gcopies = [None, None, None]
        wcopies = [None, None, None]
        gcopies[0] = gather(0)
        gcopies[1] = gather(1)
        for c in range(n_chunks):
            nxt = c + 2
            if nxt < n_chunks:
                if c >= 1:
                    wcopies[nxt % 3].wait()
                gcopies[nxt % 3] = gather(nxt)
            gcopies[c % 3].wait()
            wcopies[c % 3] = write(c)
        for c in range(max(0, n_chunks - 3), n_chunks):
            wcopies[c % 3].wait()

    return sc_gather, nw, per_w


def kernel(x, seg, tok_table, seg_table, gamma, beta):
    B, L = x.shape
    n_tokens = B * L
    sc_gather, nw, per_w = _make_sc_gather(n_tokens)
    wdiv = per_w // 128

    idx2d, ftab = pl.pallas_call(
        functools.partial(_prep_kernel, nw, wdiv),
        out_shape=(
            jax.ShapeDtypeStruct((n_tokens // 128, 128), jnp.int32),
            jax.ShapeDtypeStruct((nw * NROWS, D), jnp.float32),
        ),
    )(
        x.reshape(n_tokens // 128, 128),
        seg.reshape(n_tokens // 128, 128),
        tok_table,
        seg_table,
        gamma.reshape(1, D),
        beta.reshape(1, D),
    )

    idx = idx2d.reshape(n_tokens)
    out = sc_gather(ftab, idx)
    return out.reshape(B, L, D)

# --- scband reference (transcript-rebuilt; emitter-appended) ---
"""Pipeline reference for scband-embedding-34325378629713 (READ-ONLY COPY).

The authoritative reference and input builder live on the scoring server;
editing this copy changes nothing except your own understanding.
"""

import jax, jax.numpy as jnp
import numpy as np

VOCAB = 9
D_MODEL = 1024
B, L = 4, 8192

def setup_inputs(seed: int = 0) -> dict:
    key = jax.random.key(seed)
    k1, k2, k3, k4 = jax.random.split(key, 4)
    x = jax.random.randint(k1, (B, L), 0, VOCAB, dtype=jnp.int32)
    seg = jax.random.randint(k2, (B, L), 0, 2, dtype=jnp.int32)
    tok_table = jax.random.normal(k3, (VOCAB, D_MODEL), dtype=jnp.float32)
    seg_table = jax.random.normal(k4, (2, D_MODEL), dtype=jnp.float32)
    gamma = jnp.ones((D_MODEL,), dtype=jnp.float32)
    beta = jnp.zeros((D_MODEL,), dtype=jnp.float32)
    return {"x": x, "seg": seg, "tok_table": tok_table, "seg_table": seg_table, "gamma": gamma, "beta": beta}

def reference(x, seg, tok_table, seg_table, gamma, beta):
    emb = jnp.take(tok_table, x, axis=0) + jnp.take(seg_table, seg, axis=0)
    mean = jnp.mean(emb, axis=-1, keepdims=True)
    var = jnp.mean((emb - mean) ** 2, axis=-1, keepdims=True)
    normed = (emb - mean) / jnp.sqrt(var + 1e-5)
    return normed * gamma + beta

if __name__ == "__main__":
    import jax
    _d = setup_inputs()
    print(jax.jit(kernel)(*tuple(_d.values())))

</pallas_src>

<mosaic_0001>
#map = affine_map<(d0, d1) -> (0, 0)>
#map1 = affine_map<(d0, d1) -> (0)>
module attributes {stable_mosaic.version = 14 : i64} {
  func.func @sc_gather(%arg0: i32, %arg1: i32, %arg2: memref<576x1024xf32, #tpu.memory_space<hbm>>, %arg3: memref<32768xi32, #tpu.memory_space<hbm>>, %arg4: memref<32768x1024xf32, #tpu.memory_space<hbm>>, %arg5: memref<1024xi32, #tpu.memory_space<vmem>>, %arg6: memref<32x1024xf32, #tpu.memory_space<vmem>>, %arg7: memref<32x1024xf32, #tpu.memory_space<vmem>>, %arg8: memref<32x1024xf32, #tpu.memory_space<vmem>>, %arg9: memref<!tpu.dma_semaphore, #tpu.memory_space<semaphore_mem>>, %arg10: memref<!tpu.dma_semaphore, #tpu.memory_space<semaphore_mem>>, %arg11: memref<!tpu.dma_semaphore, #tpu.memory_space<semaphore_mem>>, %arg12: memref<!tpu.dma_semaphore, #tpu.memory_space<semaphore_mem>>, %arg13: memref<!tpu.dma_semaphore, #tpu.memory_space<semaphore_mem>>, %arg14: memref<!tpu.dma_semaphore, #tpu.memory_space<semaphore_mem>>) attributes {dimension_semantics = [#tpu.dimension_semantics<core_parallel>, #tpu.dimension_semantics<subcore_parallel>], iteration_bounds = array<i64: 2, 16>, scalar_prefetch = 0 : i64, scratch_operands = 10 : i64, tpu.core_type = #tpu.core_type<sc_vector_subcore>, window_params = [{transform_indices = #map}, {transform_indices = #map1}, {transform_indices = #map}]} {
    %mul3A = arith.constant 2 : i32
    %mul3A_0 = arith.muli %arg1, %mul3A : i32
    %add3A = arith.addi %mul3A_0, %arg0 : i32
    %mul3A_1 = arith.constant 1024 : i32
    %mul3A_2 = arith.muli %add3A, %mul3A_1 : i32
    "tpu.region"() ({
      %run_scoped3A = tpu.sem_alloc : memref<!tpu.dma_semaphore, #tpu.memory_space<semaphore_mem>>
      %dma_start3A_641 = tpu.memref_slice %arg3[%mul3A_2] : memref<32768xi32, #tpu.memory_space<hbm>> -> memref<1024xi32, #tpu.memory_space<hbm>>
      %dma_start3A_642 = tpu.memref_slice %arg3[%mul3A_2] : memref<32768xi32, #tpu.memory_space<hbm>> -> memref<1024xi32, #tpu.memory_space<hbm>>
      tpu.enqueue_dma source(%dma_start3A_642 : memref<1024xi32, #tpu.memory_space<hbm>>) target(%arg5 : memref<1024xi32, #tpu.memory_space<vmem>>) target_semaphore(%run_scoped3A : memref<!tpu.dma_semaphore, #tpu.memory_space<semaphore_mem>>)
      %dma_wait3A_643 = tpu.memref_slice %arg3[%mul3A_2] : memref<32768xi32, #tpu.memory_space<hbm>> -> memref<1024xi32, #tpu.memory_space<hbm>>
      %dma_wait3A_644 = tpu.memref_slice %arg3[%mul3A_2] : memref<32768xi32, #tpu.memory_space<hbm>> -> memref<1024xi32, #tpu.memory_space<hbm>>
      tpu.wait_dma2 semaphore(%run_scoped3A : memref<!tpu.dma_semaphore, #tpu.memory_space<semaphore_mem>>) src(%dma_wait3A_644 : memref<1024xi32, #tpu.memory_space<hbm>>) dst(%arg5 : memref<1024xi32, #tpu.memory_space<vmem>>)
      tpu.yield
    }) : () -> ()
    %dma_start3A = arith.constant 0 : i32
    %dma_start3A_3 = tpu.memref_slice %arg5[%dma_start3A] : memref<1024xi32, #tpu.memory_space<vmem>> -> memref<32xi32, #tpu.memory_space<vmem>>
    %dma_start3A_4 = arith.constant 0 : i32
    %dma_start3A_5 = arith.constant 0 : i32
    %dma_start3A_6 = tpu.memref_slice %arg2[%dma_start3A_4, %dma_start3A_5] : memref<576x1024xf32, #tpu.memory_space<hbm>> -> memref<576x1024xf32, #tpu.memory_space<hbm>>
    tpu.enqueue_indirect_dma source(%dma_start3A_6 : memref<576x1024xf32, #tpu.memory_space<hbm>>) target(%arg6 : memref<32x1024xf32, #tpu.memory_space<vmem>>) offsets(%dma_start3A_3 : memref<32xi32, #tpu.memory_space<vmem>>) semaphore(%arg9 : memref<!tpu.dma_semaphore, #tpu.memory_space<semaphore_mem>>)
    %dma_start3A_7 = arith.constant 32 : i32
    %dma_start3A_8 = tpu.memref_slice %arg5[%dma_start3A_7] : memref<1024xi32, #tpu.memory_space<vmem>> -> memref<32xi32, #tpu.memory_space<vmem>>
    %dma_start3A_9 = arith.constant 0 : i32
    %dma_start3A_10 = arith.constant 0 : i32
    %dma_start3A_11 = tpu.memref_slice %arg2[%dma_start3A_9, %dma_start3A_10] : memref<576x1024xf32, #tpu.memory_space<hbm>> -> memref<576x1024xf32, #tpu.memory_space<hbm>>
    tpu.enqueue_indirect_dma source(%dma_start3A_11 : memref<576x1024xf32, #tpu.memory_space<hbm>>) target(%arg7 : memref<32x1024xf32, #tpu.memory_space<vmem>>) offsets(%dma_start3A_8 : memref<32xi32, #tpu.memory_space<vmem>>) semaphore(%arg10 : memref<!tpu.dma_semaphore, #tpu.memory_space<semaphore_mem>>)
    %dma_start3A_12 = arith.constant 64 : i32
    %dma_start3A_13 = tpu.memref_slice %arg5[%dma_start3A_12] : memref<1024xi32, #tpu.memory_space<vmem>> -> memref<32xi32, #tpu.memory_space<vmem>>
    %dma_start3A_14 = arith.constant 0 : i32
    %dma_start3A_15 = arith.constant 0 : i32
    %dma_start3A_16 = tpu.memref_slice %arg2[%dma_start3A_14, %dma_start3A_15] : memref<576x1024xf32, #tpu.memory_space<hbm>> -> memref<576x1024xf32, #tpu.memory_space<hbm>>
    tpu.enqueue_indirect_dma source(%dma_start3A_16 : memref<576x1024xf32, #tpu.memory_space<hbm>>) target(%arg8 : memref<32x1024xf32, #tpu.memory_space<vmem>>) offsets(%dma_start3A_13 : memref<32xi32, #tpu.memory_space<vmem>>) semaphore(%arg11 : memref<!tpu.dma_semaphore, #tpu.memory_space<semaphore_mem>>)
    %dma_wait3A = arith.constant 0 : i32
    %dma_wait3A_17 = tpu.memref_slice %arg5[%dma_wait3A] : memref<1024xi32, #tpu.memory_space<vmem>> -> memref<32xi32, #tpu.memory_space<vmem>>
    %dma_wait3A_18 = arith.constant 0 : i32
    %dma_wait3A_19 = arith.constant 0 : i32
    %dma_wait3A_20 = tpu.memref_slice %arg2[%dma_wait3A_18, %dma_wait3A_19] : memref<576x1024xf32, #tpu.memory_space<hbm>> -> memref<576x1024xf32, #tpu.memory_space<hbm>>
    tpu.wait_indirect_dma semaphore(%arg9 : memref<!tpu.dma_semaphore, #tpu.memory_space<semaphore_mem>>) src(%dma_wait3A_20 : memref<576x1024xf32, #tpu.memory_space<hbm>>) dst(%arg6 : memref<32x1024xf32, #tpu.memory_space<vmem>>)
    %add3A_21 = arith.constant 0 : i32
    %add3A_22 = arith.addi %mul3A_2, %add3A_21 : i32
    %dma_start3A_23 = arith.constant 0 : i32
    %dma_start3A_24 = tpu.memref_slice %arg4[%add3A_22, %dma_start3A_23] : memref<32768x1024xf32, #tpu.memory_space<hbm>> -> memref<32x1024xf32, #tpu.memory_space<hbm>>
    %dma_start3A_25 = arith.constant 0 : i32
    %dma_start3A_26 = tpu.memref_slice %arg4[%add3A_22, %dma_start3A_25] : memref<32768x1024xf32, #tpu.memory_space<hbm>> -> memref<32x1024xf32, #tpu.memory_space<hbm>>
    tpu.enqueue_dma source(%arg6 : memref<32x1024xf32, #tpu.memory_space<vmem>>) target(%dma_start3A_26 : memref<32x1024xf32, #tpu.memory_space<hbm>>) target_semaphore(%arg12 : memref<!tpu.dma_semaphore, #tpu.memory_space<semaphore_mem>>)
    %dma_wait3A_27 = arith.constant 0 : i32
    %dma_wait3A_28 = tpu.memref_slice %arg4[%add3A_22, %dma_wait3A_27] : memref<32768x1024xf32, #tpu.memory_space<hbm>> -> memref<32x1024xf32, #tpu.memory_space<hbm>>
    %dma_wait3A_29 = arith.constant 0 : i32
    %dma_wait3A_30 = tpu.memref_slice %arg4[%add3A_22, %dma_wait3A_29] : memref<32768x1024xf32, #tpu.memory_space<hbm>> -> memref<32x1024xf32, #tpu.memory_space<hbm>>
    tpu.wait_dma2 semaphore(%arg12 : memref<!tpu.dma_semaphore, #tpu.memory_space<semaphore_mem>>) src(%arg6 : memref<32x1024xf32, #tpu.memory_space<vmem>>) dst(%dma_wait3A_30 : memref<32x1024xf32, #tpu.memory_space<hbm>>)
    %dma_start3A_31 = arith.constant 96 : i32
    %dma_start3A_32 = tpu.memref_slice %arg5[%dma_start3A_31] : memref<1024xi32, #tpu.memory_space<vmem>> -> memref<32xi32, #tpu.memory_space<vmem>>
    %dma_start3A_33 = arith.constant 0 : i32
    %dma_start3A_34 = arith.constant 0 : i32
    %dma_start3A_35 = tpu.memref_slice %arg2[%dma_start3A_33, %dma_start3A_34] : memref<576x1024xf32, #tpu.memory_space<hbm>> -> memref<576x1024xf32, #tpu.memory_space<hbm>>
    tpu.enqueue_indirect_dma source(%dma_start3A_35 : memref<576x1024xf32, #tpu.memory_space<hbm>>) target(%arg6 : memref<32x1024xf32, #tpu.memory_space<vmem>>) offsets(%dma_start3A_32 : memref<32xi32, #tpu.memory_space<vmem>>) semaphore(%arg9 : memref<!tpu.dma_semaphore, #tpu.memory_space<semaphore_mem>>)
    %dma_wait3A_36 = arith.constant 32 : i32
    %dma_wait3A_37 = tpu.memref_slice %arg5[%dma_wait3A_36] : memref<1024xi32, #tpu.memory_space<vmem>> -> memref<32xi32, #tpu.memory_space<vmem>>
    %dma_wait3A_38 = arith.constant 0 : i32
    %dma_wait3A_39 = arith.constant 0 : i32
    %dma_wait3A_40 = tpu.memref_slice %arg2[%dma_wait3A_38, %dma_wait3A_39] : memref<576x1024xf32, #tpu.memory_space<hbm>> -> memref<576x1024xf32, #tpu.memory_space<hbm>>
    tpu.wait_indirect_dma semaphore(%arg10 : memref<!tpu.dma_semaphore, #tpu.memory_space<semaphore_mem>>) src(%dma_wait3A_40 : memref<576x1024xf32, #tpu.memory_space<hbm>>) dst(%arg7 : memref<32x1024xf32, #tpu.memory_space<vmem>>)
    %add3A_41 = arith.constant 32 : i32
    %add3A_42 = arith.addi %mul3A_2, %add3A_41 : i32
    %dma_start3A_43 = arith.constant 0 : i32
    %dma_start3A_44 = tpu.memref_slice %arg4[%add3A_42, %dma_start3A_43] : memref<32768x1024xf32, #tpu.memory_space<hbm>> -> memref<32x1024xf32, #tpu.memory_space<hbm>>
    %dma_start3A_45 = arith.constant 0 : i32
    %dma_start3A_46 = tpu.memref_slice %arg4[%add3A_42, %dma_start3A_45] : memref<32768x1024xf32, #tpu.memory_space<hbm>> -> memref<32x1024xf32, #tpu.memory_space<hbm>>
    tpu.enqueue_dma source(%arg7 : memref<32x1024xf32, #tpu.memory_space<vmem>>) target(%dma_start3A_46 : memref<32x1024xf32, #tpu.memory_space<hbm>>) target_semaphore(%arg13 : memref<!tpu.dma_semaphore, #tpu.memory_space<semaphore_mem>>)
    %dma_wait3A_47 = arith.constant 0 : i32
    %dma_wait3A_48 = tpu.memref_slice %arg4[%add3A_42, %dma_wait3A_47] : memref<32768x1024xf32, #tpu.memory_space<hbm>> -> memref<32x1024xf32, #tpu.memory_space<hbm>>
    %dma_wait3A_49 = arith.constant 0 : i32
    %dma_wait3A_50 = tpu.memref_slice %arg4[%add3A_42, %dma_wait3A_49] : memref<32768x1024xf32, #tpu.memory_space<hbm>> -> memref<32x1024xf32, #tpu.memory_space<hbm>>
    tpu.wait_dma2 semaphore(%arg13 : memref<!tpu.dma_semaphore, #tpu.memory_space<semaphore_mem>>) src(%arg7 : memref<32x1024xf32, #tpu.memory_space<vmem>>) dst(%dma_wait3A_50 : memref<32x1024xf32, #tpu.memory_space<hbm>>)
    %dma_start3A_51 = arith.constant 128 : i32
    %dma_start3A_52 = tpu.memref_slice %arg5[%dma_start3A_51] : memref<1024xi32, #tpu.memory_space<vmem>> -> memref<32xi32, #tpu.memory_space<vmem>>
    %dma_start3A_53 = arith.constant 0 : i32
    %dma_start3A_54 = arith.constant 0 : i32
    %dma_start3A_55 = tpu.memref_slice %arg2[%dma_start3A_53, %dma_start3A_54] : memref<576x1024xf32, #tpu.memory_space<hbm>> -> memref<576x1024xf32, #tpu.memory_space<hbm>>
    tpu.enqueue_indirect_dma source(%dma_start3A_55 : memref<576x1024xf32, #tpu.memory_space<hbm>>) target(%arg7 : memref<32x1024xf32, #tpu.memory_space<vmem>>) offsets(%dma_start3A_52 : memref<32xi32, #tpu.memory_space<vmem>>) semaphore(%arg10 : memref<!tpu.dma_semaphore, #tpu.memory_space<semaphore_mem>>)
    %dma_wait3A_56 = arith.constant 64 : i32
    %dma_wait3A_57 = tpu.memref_slice %arg5[%dma_wait3A_56] : memref<1024xi32, #tpu.memory_space<vmem>> -> memref<32xi32, #tpu.memory_space<vmem>>
    %dma_wait3A_58 = arith.constant 0 : i32
    %dma_wait3A_59 = arith.constant 0 : i32
    %dma_wait3A_60 = tpu.memref_slice %arg2[%dma_wait3A_58, %dma_wait3A_59] : memref<576x1024xf32, #tpu.memory_space<hbm>> -> memref<576x1024xf32, #tpu.memory_space<hbm>>
    tpu.wait_indirect_dma semaphore(%arg11 : memref<!tpu.dma_semaphore, #tpu.memory_space<semaphore_mem>>) src(%dma_wait3A_60 : memref<576x1024xf32, #tpu.memory_space<hbm>>) dst(%arg8 : memref<32x1024xf32, #tpu.memory_space<vmem>>)
    %add3A_61 = arith.constant 64 : i32
    %add3A_62 = arith.addi %mul3A_2, %add3A_61 : i32
    %dma_start3A_63 = arith.constant 0 : i32
    %dma_start3A_64 = tpu.memref_slice %arg4[%add3A_62, %dma_start3A_63] : memref<32768x1024xf32, #tpu.memory_space<hbm>> -> memref<32x1024xf32, #tpu.memory_space<hbm>>
    %dma_start3A_65 = arith.constant 0 : i32
    %dma_start3A_66 = tpu.memref_slice %arg4[%add3A_62, %dma_start3A_65] : memref<32768x1024xf32, #tpu.memory_space<hbm>> -> memref<32x1024xf32, #tpu.memory_space<hbm>>
    tpu.enqueue_dma source(%arg8 : memref<32x1024xf32, #tpu.memory_space<vmem>>) target(%dma_start3A_66 : memref<32x1024xf32, #tpu.memory_space<hbm>>) target_semaphore(%arg14 : memref<!tpu.dma_semaphore, #tpu.memory_space<semaphore_mem>>)
    %dma_wait3A_67 = arith.constant 0 : i32
    %dma_wait3A_68 = tpu.memref_slice %arg4[%add3A_62, %dma_wait3A_67] : memref<32768x1024xf32, #tpu.memory_space<hbm>> -> memref<32x1024xf32, #tpu.memory_space<hbm>>
    %dma_wait3A_69 = arith.constant 0 : i32
    %dma_wait3A_70 = tpu.memref_slice %arg4[%add3A_62, %dma_wait3A_69] : memref<32768x1024xf32, #tpu.memory_space<hbm>> -> memref<32x1024xf32, #tpu.memory_space<hbm>>
    tpu.wait_dma2 semaphore(%arg14 : memref<!tpu.dma_semaphore, #tpu.memory_space<semaphore_mem>>) src(%arg8 : memref<32x1024xf32, #tpu.memory_space<vmem>>) dst(%dma_wait3A_70 : memref<32x1024xf32, #tpu.memory_space<hbm>>)
    %dma_start3A_71 = arith.constant 160 : i32
    %dma_start3A_72 = tpu.memref_slice %arg5[%dma_start3A_71] : memref<1024xi32, #tpu.memory_space<vmem>> -> memref<32xi32, #tpu.memory_space<vmem>>
    %dma_start3A_73 = arith.constant 0 : i32
    %dma_start3A_74 = arith.constant 0 : i32
    %dma_start3A_75 = tpu.memref_slice %arg2[%dma_start3A_73, %dma_start3A_74] : memref<576x1024xf32, #tpu.memory_space<hbm>> -> memref<576x1024xf32, #tpu.memory_space<hbm>>
    tpu.enqueue_indirect_dma source(%dma_start3A_75 : memref<576x1024xf32, #tpu.memory_space<hbm>>) target(%arg8 : memref<32x1024xf32, #tpu.memory_space<vmem>>) offsets(%dma_start3A_72 : memref<32xi32, #tpu.memory_space<vmem>>) semaphore(%arg11 : memref<!tpu.dma_semaphore, #tpu.memory_space<semaphore_mem>>)
    %dma_wait3A_76 = arith.constant 96 : i32
    %dma_wait3A_77 = tpu.memref_slice %arg5[%dma_wait3A_76] : memref<1024xi32, #tpu.memory_space<vmem>> -> memref<32xi32, #tpu.memory_space<vmem>>
    %dma_wait3A_78 = arith.constant 0 : i32
    %dma_wait3A_79 = arith.constant 0 : i32
    %dma_wait3A_80 = tpu.memref_slice %arg2[%dma_wait3A_78, %dma_wait3A_79] : memref<576x1024xf32, #tpu.memory_space<hbm>> -> memref<576x1024xf32, #tpu.memory_space<hbm>>
    tpu.wait_indirect_dma semaphore(%arg9 : memref<!tpu.dma_semaphore, #tpu.memory_space<semaphore_mem>>) src(%dma_wait3A_80 : memref<576x1024xf32, #tpu.memory_space<hbm>>) dst(%arg6 : memref<32x1024xf32, #tpu.memory_space<vmem>>)
    %add3A_81 = arith.constant 96 : i32
    %add3A_82 = arith.addi %mul3A_2, %add3A_81 : i32
    %dma_start3A_83 = arith.constant 0 : i32
    %dma_start3A_84 = tpu.memref_slice %arg4[%add3A_82, %dma_start3A_83] : memref<32768x1024xf32, #tpu.memory_space<hbm>> -> memref<32x1024xf32, #tpu.memory_space<hbm>>
    %dma_start3A_85 = arith.constant 0 : i32
    %dma_start3A_86 = tpu.memref_slice %arg4[%add3A_82, %dma_start3A_85] : memref<32768x1024xf32, #tpu.memory_space<hbm>> -> memref<32x1024xf32, #tpu.memory_space<hbm>>
    tpu.enqueue_dma source(%arg6 : memref<32x1024xf32, #tpu.memory_space<vmem>>) target(%dma_start3A_86 : memref<32x1024xf32, #tpu.memory_space<hbm>>) target_semaphore(%arg12 : memref<!tpu.dma_semaphore, #tpu.memory_space<semaphore_mem>>)
    %dma_wait3A_87 = arith.constant 0 : i32
    %dma_wait3A_88 = tpu.memref_slice %arg4[%add3A_82, %dma_wait3A_87] : memref<32768x1024xf32, #tpu.memory_space<hbm>> -> memref<32x1024xf32, #tpu.memory_space<hbm>>
    %dma_wait3A_89 = arith.constant 0 : i32
    %dma_wait3A_90 = tpu.memref_slice %arg4[%add3A_82, %dma_wait3A_89] : memref<32768x1024xf32, #tpu.memory_space<hbm>> -> memref<32x1024xf32, #tpu.memory_space<hbm>>
    tpu.wait_dma2 semaphore(%arg12 : memref<!tpu.dma_semaphore, #tpu.memory_space<semaphore_mem>>) src(%arg6 : memref<32x1024xf32, #tpu.memory_space<vmem>>) dst(%dma_wait3A_90 : memref<32x1024xf32, #tpu.memory_space<hbm>>)
    %dma_start3A_91 = arith.constant 192 : i32
    %dma_start3A_92 = tpu.memref_slice %arg5[%dma_start3A_91] : memref<1024xi32, #tpu.memory_space<vmem>> -> memref<32xi32, #tpu.memory_space<vmem>>
    %dma_start3A_93 = arith.constant 0 : i32
    %dma_start3A_94 = arith.constant 0 : i32
    %dma_start3A_95 = tpu.memref_slice %arg2[%dma_start3A_93, %dma_start3A_94] : memref<576x1024xf32, #tpu.memory_space<hbm>> -> memref<576x1024xf32, #tpu.memory_space<hbm>>
    tpu.enqueue_indirect_dma source(%dma_start3A_95 : memref<576x1024xf32, #tpu.memory_space<hbm>>) target(%arg6 : memref<32x1024xf32, #tpu.memory_space<vmem>>) offsets(%dma_start3A_92 : memref<32xi32, #tpu.memory_space<vmem>>) semaphore(%arg9 : memref<!tpu.dma_semaphore, #tpu.memory_space<semaphore_mem>>)
    %dma_wait3A_96 = arith.constant 128 : i32
    %dma_wait3A_97 = tpu.memref_slice %arg5[%dma_wait3A_96] : memref<1024xi32, #tpu.memory_space<vmem>> -> memref<32xi32, #tpu.memory_space<vmem>>
    %dma_wait3A_98 = arith.constant 0 : i32
    %dma_wait3A_99 = arith.constant 0 : i32
    %dma_wait3A_100 = tpu.memref_slice %arg2[%dma_wait3A_98, %dma_wait3A_99] : memref<576x1024xf32, #tpu.memory_space<hbm>> -> memref<576x1024xf32, #tpu.memory_space<hbm>>
    tpu.wait_indirect_dma semaphore(%arg10 : memref<!tpu.dma_semaphore, #tpu.memory_space<semaphore_mem>>) src(%dma_wait3A_100 : memref<576x1024xf32, #tpu.memory_space<hbm>>) dst(%arg7 : memref<32x1024xf32, #tpu.memory_space<vmem>>)
    %add3A_101 = arith.constant 128 : i32
    %add3A_102 = arith.addi %mul3A_2, %add3A_101 : i32
    %dma_start3A_103 = arith.constant 0 : i32
    %dma_start3A_104 = tpu.memref_slice %arg4[%add3A_102, %dma_start3A_103] : memref<32768x1024xf32, #tpu.memory_space<hbm>> -> memref<32x1024xf32, #tpu.memory_space<hbm>>
    %dma_start3A_105 = arith.constant 0 : i32
    %dma_start3A_106 = tpu.memref_slice %arg4[%add3A_102, %dma_start3A_105] : memref<32768x1024xf32, #tpu.memory_space<hbm>> -> memref<32x1024xf32, #tpu.memory_space<hbm>>
    tpu.enqueue_dma source(%arg7 : memref<32x1024xf32, #tpu.memory_space<vmem>>) target(%dma_start3A_106 : memref<32x1024xf32, #tpu.memory_space<hbm>>) target_semaphore(%arg13 : memref<!tpu.dma_semaphore, #tpu.memory_space<semaphore_mem>>)
    %dma_wait3A_107 = arith.constant 0 : i32
    %dma_wait3A_108 = tpu.memref_slice %arg4[%add3A_102, %dma_wait3A_107] : memref<32768x1024xf32, #tpu.memory_space<hbm>> -> memref<32x1024xf32, #tpu.memory_space<hbm>>
    %dma_wait3A_109 = arith.constant 0 : i32
    %dma_wait3A_110 = tpu.memref_slice %arg4[%add3A_102, %dma_wait3A_109] : memref<32768x1024xf32, #tpu.memory_space<hbm>> -> memref<32x1024xf32, #tpu.memory_space<hbm>>
    tpu.wait_dma2 semaphore(%arg13 : memref<!tpu.dma_semaphore, #tpu.memory_space<semaphore_mem>>) src(%arg7 : memref<32x1024xf32, #tpu.memory_space<vmem>>) dst(%dma_wait3A_110 : memref<32x1024xf32, #tpu.memory_space<hbm>>)
    %dma_start3A_111 = arith.constant 224 : i32
    %dma_start3A_112 = tpu.memref_slice %arg5[%dma_start3A_111] : memref<1024xi32, #tpu.memory_space<vmem>> -> memref<32xi32, #tpu.memory_space<vmem>>
    %dma_start3A_113 = arith.constant 0 : i32
    %dma_start3A_114 = arith.constant 0 : i32
    %dma_start3A_115 = tpu.memref_slice %arg2[%dma_start3A_113, %dma_start3A_114] : memref<576x1024xf32, #tpu.memory_space<hbm>> -> memref<576x1024xf32, #tpu.memory_space<hbm>>
    tpu.enqueue_indirect_dma source(%dma_start3A_115 : memref<576x1024xf32, #tpu.memory_space<hbm>>) target(%arg7 : memref<32x1024xf32, #tpu.memory_space<vmem>>) offsets(%dma_start3A_112 : memref<32xi32, #tpu.memory_space<vmem>>) semaphore(%arg10 : memref<!tpu.dma_semaphore, #tpu.memory_space<semaphore_mem>>)
    %dma_wait3A_116 = arith.constant 160 : i32
    %dma_wait3A_117 = tpu.memref_slice %arg5[%dma_wait3A_116] : memref<1024xi32, #tpu.memory_space<vmem>> -> memref<32xi32, #tpu.memory_space<vmem>>
    %dma_wait3A_118 = arith.constant 0 : i32
    %dma_wait3A_119 = arith.constant 0 : i32
    %dma_wait3A_120 = tpu.memref_slice %arg2[%dma_wait3A_118, %dma_wait3A_119] : memref<576x1024xf32, #tpu.memory_space<hbm>> -> memref<576x1024xf32, #tpu.memory_space<hbm>>
    tpu.wait_indirect_dma semaphore(%arg11 : memref<!tpu.dma_semaphore, #tpu.memory_space<semaphore_mem>>) src(%dma_wait3A_120 : memref<576x1024xf32, #tpu.memory_space<hbm>>) dst(%arg8 : memref<32x1024xf32, #tpu.memory_space<vmem>>)
    %add3A_121 = arith.constant 160 : i32
    %add3A_122 = arith.addi %mul3A_2, %add3A_121 : i32
    %dma_start3A_123 = arith.constant 0 : i32
    %dma_start3A_124 = tpu.memref_slice %arg4[%add3A_122, %dma_start3A_123] : memref<32768x1024xf32, #tpu.memory_space<hbm>> -> memref<32x1024xf32, #tpu.memory_space<hbm>>
    %dma_start3A_125 = arith.constant 0 : i32
    %dma_start3A_126 = tpu.memref_slice %arg4[%add3A_122, %dma_start3A_125] : memref<32768x1024xf32, #tpu.memory_space<hbm>> -> memref<32x1024xf32, #tpu.memory_space<hbm>>
    tpu.enqueue_dma source(%arg8 : memref<32x1024xf32, #tpu.memory_space<vmem>>) target(%dma_start3A_126 : memref<32x1024xf32, #tpu.memory_space<hbm>>) target_semaphore(%arg14 : memref<!tpu.dma_semaphore, #tpu.memory_space<semaphore_mem>>)
    %dma_wait3A_127 = arith.constant 0 : i32
    %dma_wait3A_128 = tpu.memref_slice %arg4[%add3A_122, %dma_wait3A_127] : memref<32768x1024xf32, #tpu.memory_space<hbm>> -> memref<32x1024xf32, #tpu.memory_space<hbm>>
    %dma_wait3A_129 = arith.constant 0 : i32
    %dma_wait3A_130 = tpu.memref_slice %arg4[%add3A_122, %dma_wait3A_129] : memref<32768x1024xf32, #tpu.memory_space<hbm>> -> memref<32x1024xf32, #tpu.memory_space<hbm>>
    tpu.wait_dma2 semaphore(%arg14 : memref<!tpu.dma_semaphore, #tpu.memory_space<semaphore_mem>>) src(%arg8 : memref<32x1024xf32, #tpu.memory_space<vmem>>) dst(%dma_wait3A_130 : memref<32x1024xf32, #tpu.memory_space<hbm>>)
    %dma_start3A_131 = arith.constant 256 : i32
    %dma_start3A_132 = tpu.memref_slice %arg5[%dma_start3A_131] : memref<1024xi32, #tpu.memory_space<vmem>> -> memref<32xi32, #tpu.memory_space<vmem>>
    %dma_start3A_133 = arith.constant 0 : i32
    %dma_start3A_134 = arith.constant 0 : i32
    %dma_start3A_135 = tpu.memref_slice %arg2[%dma_start3A_133, %dma_start3A_134] : memref<576x1024xf32, #tpu.memory_space<hbm>> -> memref<576x1024xf32, #tpu.memory_space<hbm>>
    tpu.enqueue_indirect_dma source(%dma_start3A_135 : memref<576x1024xf32, #tpu.memory_space<hbm>>) target(%arg8 : memref<32x1024xf32, #tpu.memory_space<vmem>>) offsets(%dma_start3A_132 : memref<32xi32, #tpu.memory_space<vmem>>) semaphore(%arg11 : memref<!tpu.dma_semaphore, #tpu.memory_space<semaphore_mem>>)
    %dma_wait3A_136 = arith.constant 192 : i32
    %dma_wait3A_137 = tpu.memref_slice %arg5[%dma_wait3A_136] : memref<1024xi32, #tpu.memory_space<vmem>> -> memref<32xi32, #tpu.memory_space<vmem>>
    %dma_wait3A_138 = arith.constant 0 : i32
    %dma_wait3A_139 = arith.constant 0 : i32
    %dma_wait3A_140 = tpu.memref_slice %arg2[%dma_wait3A_138, %dma_wait3A_139] : memref<576x1024xf32, #tpu.memory_space<hbm>> -> memref<576x1024xf32, #tpu.memory_space<hbm>>
    tpu.wait_indirect_dma semaphore(%arg9 : memref<!tpu.dma_semaphore, #tpu.memory_space<semaphore_mem>>) src(%dma_wait3A_140 : memref<576x1024xf32, #tpu.memory_space<hbm>>) dst(%arg6 : memref<32x1024xf32, #tpu.memory_space<vmem>>)
    %add3A_141 = arith.constant 192 : i32
    %add3A_142 = arith.addi %mul3A_2, %add3A_141 : i32
    %dma_start3A_143 = arith.constant 0 : i32
    %dma_start3A_144 = tpu.memref_slice %arg4[%add3A_142, %dma_start3A_143] : memref<32768x1024xf32, #tpu.memory_space<hbm>> -> memref<32x1024xf32, #tpu.memory_space<hbm>>
    %dma_start3A_145 = arith.constant 0 : i32
    %dma_start3A_146 = tpu.memref_slice %arg4[%add3A_142, %dma_start3A_145] : memref<32768x1024xf32, #tpu.memory_space<hbm>> -> memref<32x1024xf32, #tpu.memory_space<hbm>>
    tpu.enqueue_dma source(%arg6 : memref<32x1024xf32, #tpu.memory_space<vmem>>) target(%dma_start3A_146 : memref<32x1024xf32, #tpu.memory_space<hbm>>) target_semaphore(%arg12 : memref<!tpu.dma_semaphore, #tpu.memory_space<semaphore_mem>>)
    %dma_wait3A_147 = arith.constant 0 : i32
    %dma_wait3A_148 = tpu.memref_slice %arg4[%add3A_142, %dma_wait3A_147] : memref<32768x1024xf32, #tpu.memory_space<hbm>> -> memref<32x1024xf32, #tpu.memory_space<hbm>>
    %dma_wait3A_149 = arith.constant 0 : i32
    %dma_wait3A_150 = tpu.memref_slice %arg4[%add3A_142, %dma_wait3A_149] : memref<32768x1024xf32, #tpu.memory_space<hbm>> -> memref<32x1024xf32, #tpu.memory_space<hbm>>
    tpu.wait_dma2 semaphore(%arg12 : memref<!tpu.dma_semaphore, #tpu.memory_space<semaphore_mem>>) src(%arg6 : memref<32x1024xf32, #tpu.memory_space<vmem>>) dst(%dma_wait3A_150 : memref<32x1024xf32, #tpu.memory_space<hbm>>)
    %dma_start3A_151 = arith.constant 288 : i32
    %dma_start3A_152 = tpu.memref_slice %arg5[%dma_start3A_151] : memref<1024xi32, #tpu.memory_space<vmem>> -> memref<32xi32, #tpu.memory_space<vmem>>
    %dma_start3A_153 = arith.constant 0 : i32
    %dma_start3A_154 = arith.constant 0 : i32
    %dma_start3A_155 = tpu.memref_slice %arg2[%dma_start3A_153, %dma_start3A_154] : memref<576x1024xf32, #tpu.memory_space<hbm>> -> memref<576x1024xf32, #tpu.memory_space<hbm>>
    tpu.enqueue_indirect_dma source(%dma_start3A_155 : memref<576x1024xf32, #tpu.memory_space<hbm>>) target(%arg6 : memref<32x1024xf32, #tpu.memory_space<vmem>>) offsets(%dma_start3A_152 : memref<32xi32, #tpu.memory_space<vmem>>) semaphore(%arg9 : memref<!tpu.dma_semaphore, #tpu.memory_space<semaphore_mem>>)
    %dma_wait3A_156 = arith.constant 224 : i32
    %dma_wait3A_157 = tpu.memref_slice %arg5[%dma_wait3A_156] : memref<1024xi32, #tpu.memory_space<vmem>> -> memref<32xi32, #tpu.memory_space<vmem>>
    %dma_wait3A_158 = arith.constant 0 : i32
    %dma_wait3A_159 = arith.constant 0 : i32
    %dma_wait3A_160 = tpu.memref_slice %arg2[%dma_wait3A_158, %dma_wait3A_159] : memref<576x1024xf32, #tpu.memory_space<hbm>> -> memref<576x1024xf32, #tpu.memory_space<hbm>>
    tpu.wait_indirect_dma semaphore(%arg10 : memref<!tpu.dma_semaphore, #tpu.memory_space<semaphore_mem>>) src(%dma_wait3A_160 : memref<576x1024xf32, #tpu.memory_space<hbm>>) dst(%arg7 : memref<32x1024xf32, #tpu.memory_space<vmem>>)
    %add3A_161 = arith.constant 224 : i32
    %add3A_162 = arith.addi %mul3A_2, %add3A_161 : i32
    %dma_start3A_163 = arith.constant 0 : i32
    %dma_start3A_164 = tpu.memref_slice %arg4[%add3A_162, %dma_start3A_163] : memref<32768x1024xf32, #tpu.memory_space<hbm>> -> memref<32x1024xf32, #tpu.memory_space<hbm>>
    %dma_start3A_165 = arith.constant 0 : i32
    %dma_start3A_166 = tpu.memref_slice %arg4[%add3A_162, %dma_start3A_165] : memref<32768x1024xf32, #tpu.memory_space<hbm>> -> memref<32x1024xf32, #tpu.memory_space<hbm>>
    tpu.enqueue_dma source(%arg7 : memref<32x1024xf32, #tpu.memory_space<vmem>>) target(%dma_start3A_166 : memref<32x1024xf32, #tpu.memory_space<hbm>>) target_semaphore(%arg13 : memref<!tpu.dma_semaphore, #tpu.memory_space<semaphore_mem>>)
    %dma_wait3A_167 = arith.constant 0 : i32
    %dma_wait3A_168 = tpu.memref_slice %arg4[%add3A_162, %dma_wait3A_167] : memref<32768x1024xf32, #tpu.memory_space<hbm>> -> memref<32x1024xf32, #tpu.memory_space<hbm>>
    %dma_wait3A_169 = arith.constant 0 : i32
    %dma_wait3A_170 = tpu.memref_slice %arg4[%add3A_162, %dma_wait3A_169] : memref<32768x1024xf32, #tpu.memory_space<hbm>> -> memref<32x1024xf32, #tpu.memory_space<hbm>>
    tpu.wait_dma2 semaphore(%arg13 : memref<!tpu.dma_semaphore, #tpu.memory_space<semaphore_mem>>) src(%arg7 : memref<32x1024xf32, #tpu.memory_space<vmem>>) dst(%dma_wait3A_170 : memref<32x1024xf32, #tpu.memory_space<hbm>>)
    %dma_start3A_171 = arith.constant 320 : i32
    %dma_start3A_172 = tpu.memref_slice %arg5[%dma_start3A_171] : memref<1024xi32, #tpu.memory_space<vmem>> -> memref<32xi32, #tpu.memory_space<vmem>>
    %dma_start3A_173 = arith.constant 0 : i32
    %dma_start3A_174 = arith.constant 0 : i32
    %dma_start3A_175 = tpu.memref_slice %arg2[%dma_start3A_173, %dma_start3A_174] : memref<576x1024xf32, #tpu.memory_space<hbm>> -> memref<576x1024xf32, #tpu.memory_space<hbm>>
    tpu.enqueue_indirect_dma source(%dma_start3A_175 : memref<576x1024xf32, #tpu.memory_space<hbm>>) target(%arg7 : memref<32x1024xf32, #tpu.memory_space<vmem>>) offsets(%dma_start3A_172 : memref<32xi32, #tpu.memory_space<vmem>>) semaphore(%arg10 : memref<!tpu.dma_semaphore, #tpu.memory_space<semaphore_mem>>)
    %dma_wait3A_176 = arith.constant 256 : i32
    %dma_wait3A_177 = tpu.memref_slice %arg5[%dma_wait3A_176] : memref<1024xi32, #tpu.memory_space<vmem>> -> memref<32xi32, #tpu.memory_space<vmem>>
    %dma_wait3A_178 = arith.constant 0 : i32
    %dma_wait3A_179 = arith.constant 0 : i32
    %dma_wait3A_180 = tpu.memref_slice %arg2[%dma_wait3A_178, %dma_wait3A_179] : memref<576x1024xf32, #tpu.memory_space<hbm>> -> memref<576x1024xf32, #tpu.memory_space<hbm>>
    tpu.wait_indirect_dma semaphore(%arg11 : memref<!tpu.dma_semaphore, #tpu.memory_space<semaphore_mem>>) src(%dma_wait3A_180 : memref<576x1024xf32, #tpu.memory_space<hbm>>) dst(%arg8 : memref<32x1024xf32, #tpu.memory_space<vmem>>)
    %add3A_181 = arith.constant 256 : i32
    %add3A_182 = arith.addi %mul3A_2, %add3A_181 : i32
    %dma_start3A_183 = arith.constant 0 : i32
    %dma_start3A_184 = tpu.memref_slice %arg4[%add3A_182, %dma_start3A_183] : memref<32768x1024xf32, #tpu.memory_space<hbm>> -> memref<32x1024xf32, #tpu.memory_space<hbm>>
    %dma_start3A_185 = arith.constant 0 : i32
    %dma_start3A_186 = tpu.memref_slice %arg4[%add3A_182, %dma_start3A_185] : memref<32768x1024xf32, #tpu.memory_space<hbm>> -> memref<32x1024xf32, #tpu.memory_space<hbm>>
    tpu.enqueue_dma source(%arg8 : memref<32x1024xf32, #tpu.memory_space<vmem>>) target(%dma_start3A_186 : memref<32x1024xf32, #tpu.memory_space<hbm>>) target_semaphore(%arg14 : memref<!tpu.dma_semaphore, #tpu.memory_space<semaphore_mem>>)
    %dma_wait3A_187 = arith.constant 0 : i32
    %dma_wait3A_188 = tpu.memref_slice %arg4[%add3A_182, %dma_wait3A_187] : memref<32768x1024xf32, #tpu.memory_space<hbm>> -> memref<32x1024xf32, #tpu.memory_space<hbm>>
    %dma_wait3A_189 = arith.constant 0 : i32
    %dma_wait3A_190 = tpu.memref_slice %arg4[%add3A_182, %dma_wait3A_189] : memref<32768x1024xf32, #tpu.memory_space<hbm>> -> memref<32x1024xf32, #tpu.memory_space<hbm>>
    tpu.wait_dma2 semaphore(%arg14 : memref<!tpu.dma_semaphore, #tpu.memory_space<semaphore_mem>>) src(%arg8 : memref<32x1024xf32, #tpu.memory_space<vmem>>) dst(%dma_wait3A_190 : memref<32x1024xf32, #tpu.memory_space<hbm>>)
    %dma_start3A_191 = arith.constant 352 : i32
    %dma_start3A_192 = tpu.memref_slice %arg5[%dma_start3A_191] : memref<1024xi32, #tpu.memory_space<vmem>> -> memref<32xi32, #tpu.memory_space<vmem>>
    %dma_start3A_193 = arith.constant 0 : i32
    %dma_start3A_194 = arith.constant 0 : i32
    %dma_start3A_195 = tpu.memref_slice %arg2[%dma_start3A_193, %dma_start3A_194] : memref<576x1024xf32, #tpu.memory_space<hbm>> -> memref<576x1024xf32, #tpu.memory_space<hbm>>
    tpu.enqueue_indirect_dma source(%dma_start3A_195 : memref<576x1024xf32, #tpu.memory_space<hbm>>) target(%arg8 : memref<32x1024xf32, #tpu.memory_space<vmem>>) offsets(%dma_start3A_192 : memref<32xi32, #tpu.memory_space<vmem>>) semaphore(%arg11 : memref<!tpu.dma_semaphore, #tpu.memory_space<semaphore_mem>>)
    %dma_wait3A_196 = arith.constant 288 : i32
    %dma_wait3A_197 = tpu.memref_slice %arg5[%dma_wait3A_196] : memref<1024xi32, #tpu.memory_space<vmem>> -> memref<32xi32, #tpu.memory_space<vmem>>
    %dma_wait3A_198 = arith.constant 0 : i32
    %dma_wait3A_199 = arith.constant 0 : i32
    %dma_wait3A_200 = tpu.memref_slice %arg2[%dma_wait3A_198, %dma_wait3A_199] : memref<576x1024xf32, #tpu.memory_space<hbm>> -> memref<576x1024xf32, #tpu.memory_space<hbm>>
    tpu.wait_indirect_dma semaphore(%arg9 : memref<!tpu.dma_semaphore, #tpu.memory_space<semaphore_mem>>) src(%dma_wait3A_200 : memref<576x1024xf32, #tpu.memory_space<hbm>>) dst(%arg6 : memref<32x1024xf32, #tpu.memory_space<vmem>>)
    %add3A_201 = arith.constant 288 : i32
    %add3A_202 = arith.addi %mul3A_2, %add3A_201 : i32
    %dma_start3A_203 = arith.constant 0 : i32
    %dma_start3A_204 = tpu.memref_slice %arg4[%add3A_202, %dma_start3A_203] : memref<32768x1024xf32, #tpu.memory_space<hbm>> -> memref<32x1024xf32, #tpu.memory_space<hbm>>
    %dma_start3A_205 = arith.constant 0 : i32
    %dma_start3A_206 = tpu.memref_slice %arg4[%add3A_202, %dma_start3A_205] : memref<32768x1024xf32, #tpu.memory_space<hbm>> -> memref<32x1024xf32, #tpu.memory_space<hbm>>
    tpu.enqueue_dma source(%arg6 : memref<32x1024xf32, #tpu.memory_space<vmem>>) target(%dma_start3A_206 : memref<32x1024xf32, #tpu.memory_space<hbm>>) target_semaphore(%arg12 : memref<!tpu.dma_semaphore, #tpu.memory_space<semaphore_mem>>)
    %dma_wait3A_207 = arith.constant 0 : i32
    %dma_wait3A_208 = tpu.memref_slice %arg4[%add3A_202, %dma_wait3A_207] : memref<32768x1024xf32, #tpu.memory_space<hbm>> -> memref<32x1024xf32, #tpu.memory_space<hbm>>
    %dma_wait3A_209 = arith.constant 0 : i32
    %dma_wait3A_210 = tpu.memref_slice %arg4[%add3A_202, %dma_wait3A_209] : memref<32768x1024xf32, #tpu.memory_space<hbm>> -> memref<32x1024xf32, #tpu.memory_space<hbm>>
    tpu.wait_dma2 semaphore(%arg12 : memref<!tpu.dma_semaphore, #tpu.memory_space<semaphore_mem>>) src(%arg6 : memref<32x1024xf32, #tpu.memory_space<vmem>>) dst(%dma_wait3A_210 : memref<32x1024xf32, #tpu.memory_space<hbm>>)
    %dma_start3A_211 = arith.constant 384 : i32
    %dma_start3A_212 = tpu.memref_slice %arg5[%dma_start3A_211] : memref<1024xi32, #tpu.memory_space<vmem>> -> memref<32xi32, #tpu.memory_space<vmem>>
    %dma_start3A_213 = arith.constant 0 : i32
    %dma_start3A_214 = arith.constant 0 : i32
    %dma_start3A_215 = tpu.memref_slice %arg2[%dma_start3A_213, %dma_start3A_214] : memref<576x1024xf32, #tpu.memory_space<hbm>> -> memref<576x1024xf32, #tpu.memory_space<hbm>>
    tpu.enqueue_indirect_dma source(%dma_start3A_215 : memref<576x1024xf32, #tpu.memory_space<hbm>>) target(%arg6 : memref<32x1024xf32, #tpu.memory_space<vmem>>) offsets(%dma_start3A_212 : memref<32xi32, #tpu.memory_space<vmem>>) semaphore(%arg9 : memref<!tpu.dma_semaphore, #tpu.memory_space<semaphore_mem>>)
    %dma_wait3A_216 = arith.constant 320 : i32
    %dma_wait3A_217 = tpu.memref_slice %arg5[%dma_wait3A_216] : memref<1024xi32, #tpu.memory_space<vmem>> -> memref<32xi32, #tpu.memory_space<vmem>>
    %dma_wait3A_218 = arith.constant 0 : i32
    %dma_wait3A_219 = arith.constant 0 : i32
    %dma_wait3A_220 = tpu.memref_slice %arg2[%dma_wait3A_218, %dma_wait3A_219] : memref<576x1024xf32, #tpu.memory_space<hbm>> -> memref<576x1024xf32, #tpu.memory_space<hbm>>
    tpu.wait_indirect_dma semaphore(%arg10 : memref<!tpu.dma_semaphore, #tpu.memory_space<semaphore_mem>>) src(%dma_wait3A_220 : memref<576x1024xf32, #tpu.memory_space<hbm>>) dst(%arg7 : memref<32x1024xf32, #tpu.memory_space<vmem>>)
    %add3A_221 = arith.constant 320 : i32
    %add3A_222 = arith.addi %mul3A_2, %add3A_221 : i32
    %dma_start3A_223 = arith.constant 0 : i32
    %dma_start3A_224 = tpu.memref_slice %arg4[%add3A_222, %dma_start3A_223] : memref<32768x1024xf32, #tpu.memory_space<hbm>> -> memref<32x1024xf32, #tpu.memory_space<hbm>>
    %dma_start3A_225 = arith.constant 0 : i32
    %dma_start3A_226 = tpu.memref_slice %arg4[%add3A_222, %dma_start3A_225] : memref<32768x1024xf32, #tpu.memory_space<hbm>> -> memref<32x1024xf32, #tpu.memory_space<hbm>>
    tpu.enqueue_dma source(%arg7 : memref<32x1024xf32, #tpu.memory_space<vmem>>) target(%dma_start3A_226 : memref<32x1024xf32, #tpu.memory_space<hbm>>) target_semaphore(%arg13 : memref<!tpu.dma_semaphore, #tpu.memory_space<semaphore_mem>>)
    %dma_wait3A_227 = arith.constant 0 : i32
    %dma_wait3A_228 = tpu.memref_slice %arg4[%add3A_222, %dma_wait3A_227] : memref<32768x1024xf32, #tpu.memory_space<hbm>> -> memref<32x1024xf32, #tpu.memory_space<hbm>>
    %dma_wait3A_229 = arith.constant 0 : i32
    %dma_wait3A_230 = tpu.memref_slice %arg4[%add3A_222, %dma_wait3A_229] : memref<32768x1024xf32, #tpu.memory_space<hbm>> -> memref<32x1024xf32, #tpu.memory_space<hbm>>
    tpu.wait_dma2 semaphore(%arg13 : memref<!tpu.dma_semaphore, #tpu.memory_space<semaphore_mem>>) src(%arg7 : memref<32x1024xf32, #tpu.memory_space<vmem>>) dst(%dma_wait3A_230 : memref<32x1024xf32, #tpu.memory_space<hbm>>)
    %dma_start3A_231 = arith.constant 416 : i32
    %dma_start3A_232 = tpu.memref_slice %arg5[%dma_start3A_231] : memref<1024xi32, #tpu.memory_space<vmem>> -> memref<32xi32, #tpu.memory_space<vmem>>
    %dma_start3A_233 = arith.constant 0 : i32
    %dma_start3A_234 = arith.constant 0 : i32
    %dma_start3A_235 = tpu.memref_slice %arg2[%dma_start3A_233, %dma_start3A_234] : memref<576x1024xf32, #tpu.memory_space<hbm>> -> memref<576x1024xf32, #tpu.memory_space<hbm>>
    tpu.enqueue_indirect_dma source(%dma_start3A_235 : memref<576x1024xf32, #tpu.memory_space<hbm>>) target(%arg7 : memref<32x1024xf32, #tpu.memory_space<vmem>>) offsets(%dma_start3A_232 : memref<32xi32, #tpu.memory_space<vmem>>) semaphore(%arg10 : memref<!tpu.dma_semaphore, #tpu.memory_space<semaphore_mem>>)
    %dma_wait3A_236 = arith.constant 352 : i32
    %dma_wait3A_237 = tpu.memref_slice %arg5[%dma_wait3A_236] : memref<1024xi32, #tpu.memory_space<vmem>> -> memref<32xi32, #tpu.memory_space<vmem>>
    %dma_wait3A_238 = arith.constant 0 : i32
    %dma_wait3A_239 = arith.constant 0 : i32
    %dma_wait3A_240 = tpu.memref_slice %arg2[%dma_wait3A_238, %dma_wait3A_239] : memref<576x1024xf32, #tpu.memory_space<hbm>> -> memref<576x1024xf32, #tpu.memory_space<hbm>>
    tpu.wait_indirect_dma semaphore(%arg11 : memref<!tpu.dma_semaphore, #tpu.memory_space<semaphore_mem>>) src(%dma_wait3A_240 : memref<576x1024xf32, #tpu.memory_space<hbm>>) dst(%arg8 : memref<32x1024xf32, #tpu.memory_space<vmem>>)
    %add3A_241 = arith.constant 352 : i32
    %add3A_242 = arith.addi %mul3A_2, %add3A_241 : i32
    %dma_start3A_243 = arith.constant 0 : i32
    %dma_start3A_244 = tpu.memref_slice %arg4[%add3A_242, %dma_start3A_243] : memref<32768x1024xf32, #tpu.memory_space<hbm>> -> memref<32x1024xf32, #tpu.memory_space<hbm>>
    %dma_start3A_245 = arith.constant 0 : i32
    %dma_start3A_246 = tpu.memref_slice %arg4[%add3A_242, %dma_start3A_245] : memref<32768x1024xf32, #tpu.memory_space<hbm>> -> memref<32x1024xf32, #tpu.memory_space<hbm>>
    tpu.enqueue_dma source(%arg8 : memref<32x1024xf32, #tpu.memory_space<vmem>>) target(%dma_start3A_246 : memref<32x1024xf32, #tpu.memory_space<hbm>>) target_semaphore(%arg14 : memref<!tpu.dma_semaphore, #tpu.memory_space<semaphore_mem>>)
    %dma_wait3A_247 = arith.constant 0 : i32
    %dma_wait3A_248 = tpu.memref_slice %arg4[%add3A_242, %dma_wait3A_247] : memref<32768x1024xf32, #tpu.memory_space<hbm>> -> memref<32x1024xf32, #tpu.memory_space<hbm>>
    %dma_wait3A_249 = arith.constant 0 : i32
    %dma_wait3A_250 = tpu.memref_slice %arg4[%add3A_242, %dma_wait3A_249] : memref<32768x1024xf32, #tpu.memory_space<hbm>> -> memref<32x1024xf32, #tpu.memory_space<hbm>>
    tpu.wait_dma2 semaphore(%arg14 : memref<!tpu.dma_semaphore, #tpu.memory_space<semaphore_mem>>) src(%arg8 : memref<32x1024xf32, #tpu.memory_space<vmem>>) dst(%dma_wait3A_250 : memref<32x1024xf32, #tpu.memory_space<hbm>>)
    %dma_start3A_251 = arith.constant 448 : i32
    %dma_start3A_252 = tpu.memref_slice %arg5[%dma_start3A_251] : memref<1024xi32, #tpu.memory_space<vmem>> -> memref<32xi32, #tpu.memory_space<vmem>>
    %dma_start3A_253 = arith.constant 0 : i32
    %dma_start3A_254 = arith.constant 0 : i32
    %dma_start3A_255 = tpu.memref_slice %arg2[%dma_start3A_253, %dma_start3A_254] : memref<576x1024xf32, #tpu.memory_space<hbm>> -> memref<576x1024xf32, #tpu.memory_space<hbm>>
    tpu.enqueue_indirect_dma source(%dma_start3A_255 : memref<576x1024xf32, #tpu.memory_space<hbm>>) target(%arg8 : memref<32x1024xf32, #tpu.memory_space<vmem>>) offsets(%dma_start3A_252 : memref<32xi32, #tpu.memory_space<vmem>>) semaphore(%arg11 : memref<!tpu.dma_semaphore, #tpu.memory_space<semaphore_mem>>)
    %dma_wait3A_256 = arith.constant 384 : i32
    %dma_wait3A_257 = tpu.memref_slice %arg5[%dma_wait3A_256] : memref<1024xi32, #tpu.memory_space<vmem>> -> memref<32xi32, #tpu.memory_space<vmem>>
    %dma_wait3A_258 = arith.constant 0 : i32
    %dma_wait3A_259 = arith.constant 0 : i32
    %dma_wait3A_260 = tpu.memref_slice %arg2[%dma_wait3A_258, %dma_wait3A_259] : memref<576x1024xf32, #tpu.memory_space<hbm>> -> memref<576x1024xf32, #tpu.memory_space<hbm>>
    tpu.wait_indirect_dma semaphore(%arg9 : memref<!tpu.dma_semaphore, #tpu.memory_space<semaphore_mem>>) src(%dma_wait3A_260 : memref<576x1024xf32, #tpu.memory_space<hbm>>) dst(%arg6 : memref<32x1024xf32, #tpu.memory_space<vmem>>)
    %add3A_261 = arith.constant 384 : i32
    %add3A_262 = arith.addi %mul3A_2, %add3A_261 : i32
    %dma_start3A_263 = arith.constant 0 : i32
    %dma_start3A_264 = tpu.memref_slice %arg4[%add3A_262, %dma_start3A_263] : memref<32768x1024xf32, #tpu.memory_space<hbm>> -> memref<32x1024xf32, #tpu.memory_space<hbm>>
    %dma_start3A_265 = arith.constant 0 : i32
    %dma_start3A_266 = tpu.memref_slice %arg4[%add3A_262, %dma_start3A_265] : memref<32768x1024xf32, #tpu.memory_space<hbm>> -> memref<32x1024xf32, #tpu.memory_space<hbm>>
    tpu.enqueue_dma source(%arg6 : memref<32x1024xf32, #tpu.memory_space<vmem>>) target(%dma_start3A_266 : memref<32x1024xf32, #tpu.memory_space<hbm>>) target_semaphore(%arg12 : memref<!tpu.dma_semaphore, #tpu.memory_space<semaphore_mem>>)
    %dma_wait3A_267 = arith.constant 0 : i32
    %dma_wait3A_268 = tpu.memref_slice %arg4[%add3A_262, %dma_wait3A_267] : memref<32768x1024xf32, #tpu.memory_space<hbm>> -> memref<32x1024xf32, #tpu.memory_space<hbm>>
    %dma_wait3A_269 = arith.constant 0 : i32
    %dma_wait3A_270 = tpu.memref_slice %arg4[%add3A_262, %dma_wait3A_269] : memref<32768x1024xf32, #tpu.memory_space<hbm>> -> memref<32x1024xf32, #tpu.memory_space<hbm>>
    tpu.wait_dma2 semaphore(%arg12 : memref<!tpu.dma_semaphore, #tpu.memory_space<semaphore_mem>>) src(%arg6 : memref<32x1024xf32, #tpu.memory_space<vmem>>) dst(%dma_wait3A_270 : memref<32x1024xf32, #tpu.memory_space<hbm>>)
    %dma_start3A_271 = arith.constant 480 : i32
    %dma_start3A_272 = tpu.memref_slice %arg5[%dma_start3A_271] : memref<1024xi32, #tpu.memory_space<vmem>> -> memref<32xi32, #tpu.memory_space<vmem>>
    %dma_start3A_273 = arith.constant 0 : i32
    %dma_start3A_274 = arith.constant 0 : i32
    %dma_start3A_275 = tpu.memref_slice %arg2[%dma_start3A_273, %dma_start3A_274] : memref<576x1024xf32, #tpu.memory_space<hbm>> -> memref<576x1024xf32, #tpu.memory_space<hbm>>
    tpu.enqueue_indirect_dma source(%dma_start3A_275 : memref<576x1024xf32, #tpu.memory_space<hbm>>) target(%arg6 : memref<32x1024xf32, #tpu.memory_space<vmem>>) offsets(%dma_start3A_272 : memref<32xi32, #tpu.memory_space<vmem>>) semaphore(%arg9 : memref<!tpu.dma_semaphore, #tpu.memory_space<semaphore_mem>>)
    %dma_wait3A_276 = arith.constant 416 : i32
    %dma_wait3A_277 = tpu.memref_slice %arg5[%dma_wait3A_276] : memref<1024xi32, #tpu.memory_space<vmem>> -> memref<32xi32, #tpu.memory_space<vmem>>
    %dma_wait3A_278 = arith.constant 0 : i32
    %dma_wait3A_279 = arith.constant 0 : i32
    %dma_wait3A_280 = tpu.memref_slice %arg2[%dma_wait3A_278, %dma_wait3A_279] : memref<576x1024xf32, #tpu.memory_space<hbm>> -> memref<576x1024xf32, #tpu.memory_space<hbm>>
    tpu.wait_indirect_dma semaphore(%arg10 : memref<!tpu.dma_semaphore, #tpu.memory_space<semaphore_mem>>) src(%dma_wait3A_280 : memref<576x1024xf32, #tpu.memory_space<hbm>>) dst(%arg7 : memref<32x1024xf32, #tpu.memory_space<vmem>>)
    %add3A_281 = arith.constant 416 : i32
    %add3A_282 = arith.addi %mul3A_2, %add3A_281 : i32
    %dma_start3A_283 = arith.constant 0 : i32
    %dma_start3A_284 = tpu.memref_slice %arg4[%add3A_282, %dma_start3A_283] : memref<32768x1024xf32, #tpu.memory_space<hbm>> -> memref<32x1024xf32, #tpu.memory_space<hbm>>
    %dma_start3A_285 = arith.constant 0 : i32
    %dma_start3A_286 = tpu.memref_slice %arg4[%add3A_282, %dma_start3A_285] : memref<32768x1024xf32, #tpu.memory_space<hbm>> -> memref<32x1024xf32, #tpu.memory_space<hbm>>
    tpu.enqueue_dma source(%arg7 : memref<32x1024xf32, #tpu.memory_space<vmem>>) target(%dma_start3A_286 : memref<32x1024xf32, #tpu.memory_space<hbm>>) target_semaphore(%arg13 : memref<!tpu.dma_semaphore, #tpu.memory_space<semaphore_mem>>)
    %dma_wait3A_287 = arith.constant 0 : i32
    %dma_wait3A_288 = tpu.memref_slice %arg4[%add3A_282, %dma_wait3A_287] : memref<32768x1024xf32, #tpu.memory_space<hbm>> -> memref<32x1024xf32, #tpu.memory_space<hbm>>
    %dma_wait3A_289 = arith.constant 0 : i32
    %dma_wait3A_290 = tpu.memref_slice %arg4[%add3A_282, %dma_wait3A_289] : memref<32768x1024xf32, #tpu.memory_space<hbm>> -> memref<32x1024xf32, #tpu.memory_space<hbm>>
    tpu.wait_dma2 semaphore(%arg13 : memref<!tpu.dma_semaphore, #tpu.memory_space<semaphore_mem>>) src(%arg7 : memref<32x1024xf32, #tpu.memory_space<vmem>>) dst(%dma_wait3A_290 : memref<32x1024xf32, #tpu.memory_space<hbm>>)
    %dma_start3A_291 = arith.constant 512 : i32
    %dma_start3A_292 = tpu.memref_slice %arg5[%dma_start3A_291] : memref<1024xi32, #tpu.memory_space<vmem>> -> memref<32xi32, #tpu.memory_space<vmem>>
    %dma_start3A_293 = arith.constant 0 : i32
    %dma_start3A_294 = arith.constant 0 : i32
    %dma_start3A_295 = tpu.memref_slice %arg2[%dma_start3A_293, %dma_start3A_294] : memref<576x1024xf32, #tpu.memory_space<hbm>> -> memref<576x1024xf32, #tpu.memory_space<hbm>>
    tpu.enqueue_indirect_dma source(%dma_start3A_295 : memref<576x1024xf32, #tpu.memory_space<hbm>>) target(%arg7 : memref<32x1024xf32, #tpu.memory_space<vmem>>) offsets(%dma_start3A_292 : memref<32xi32, #tpu.memory_space<vmem>>) semaphore(%arg10 : memref<!tpu.dma_semaphore, #tpu.memory_space<semaphore_mem>>)
    %dma_wait3A_296 = arith.constant 448 : i32
    %dma_wait3A_297 = tpu.memref_slice %arg5[%dma_wait3A_296] : memref<1024xi32, #tpu.memory_space<vmem>> -> memref<32xi32, #tpu.memory_space<vmem>>
    %dma_wait3A_298 = arith.constant 0 : i32
    %dma_wait3A_299 = arith.constant 0 : i32
    %dma_wait3A_300 = tpu.memref_slice %arg2[%dma_wait3A_298, %dma_wait3A_299] : memref<576x1024xf32, #tpu.memory_space<hbm>> -> memref<576x1024xf32, #tpu.memory_space<hbm>>
    tpu.wait_indirect_dma semaphore(%arg11 : memref<!tpu.dma_semaphore, #tpu.memory_space<semaphore_mem>>) src(%dma_wait3A_300 : memref<576x1024xf32, #tpu.memory_space<hbm>>) dst(%arg8 : memref<32x1024xf32, #tpu.memory_space<vmem>>)
    %add3A_301 = arith.constant 448 : i32
    %add3A_302 = arith.addi %mul3A_2, %add3A_301 : i32
    %dma_start3A_303 = arith.constant 0 : i32
    %dma_start3A_304 = tpu.memref_slice %arg4[%add3A_302, %dma_start3A_303] : memref<32768x1024xf32, #tpu.memory_space<hbm>> -> memref<32x1024xf32, #tpu.memory_space<hbm>>
    %dma_start3A_305 = arith.constant 0 : i32
    %dma_start3A_306 = tpu.memref_slice %arg4[%add3A_302, %dma_start3A_305] : memref<32768x1024xf32, #tpu.memory_space<hbm>> -> memref<32x1024xf32, #tpu.memory_space<hbm>>
    tpu.enqueue_dma source(%arg8 : memref<32x1024xf32, #tpu.memory_space<vmem>>) target(%dma_start3A_306 : memref<32x1024xf32, #tpu.memory_space<hbm>>) target_semaphore(%arg14 : memref<!tpu.dma_semaphore, #tpu.memory_space<semaphore_mem>>)
    %dma_wait3A_307 = arith.constant 0 : i32
    %dma_wait3A_308 = tpu.memref_slice %arg4[%add3A_302, %dma_wait3A_307] : memref<32768x1024xf32, #tpu.memory_space<hbm>> -> memref<32x1024xf32, #tpu.memory_space<hbm>>
    %dma_wait3A_309 = arith.constant 0 : i32
    %dma_wait3A_310 = tpu.memref_slice %arg4[%add3A_302, %dma_wait3A_309] : memref<32768x1024xf32, #tpu.memory_space<hbm>> -> memref<32x1024xf32, #tpu.memory_space<hbm>>
    tpu.wait_dma2 semaphore(%arg14 : memref<!tpu.dma_semaphore, #tpu.memory_space<semaphore_mem>>) src(%arg8 : memref<32x1024xf32, #tpu.memory_space<vmem>>) dst(%dma_wait3A_310 : memref<32x1024xf32, #tpu.memory_space<hbm>>)
    %dma_start3A_311 = arith.constant 544 : i32
    %dma_start3A_312 = tpu.memref_slice %arg5[%dma_start3A_311] : memref<1024xi32, #tpu.memory_space<vmem>> -> memref<32xi32, #tpu.memory_space<vmem>>
    %dma_start3A_313 = arith.constant 0 : i32
    %dma_start3A_314 = arith.constant 0 : i32
    %dma_start3A_315 = tpu.memref_slice %arg2[%dma_start3A_313, %dma_start3A_314] : memref<576x1024xf32, #tpu.memory_space<hbm>> -> memref<576x1024xf32, #tpu.memory_space<hbm>>
    tpu.enqueue_indirect_dma source(%dma_start3A_315 : memref<576x1024xf32, #tpu.memory_space<hbm>>) target(%arg8 : memref<32x1024xf32, #tpu.memory_space<vmem>>) offsets(%dma_start3A_312 : memref<32xi32, #tpu.memory_space<vmem>>) semaphore(%arg11 : memref<!tpu.dma_semaphore, #tpu.memory_space<semaphore_mem>>)
    %dma_wait3A_316 = arith.constant 480 : i32
    %dma_wait3A_317 = tpu.memref_slice %arg5[%dma_wait3A_316] : memref<1024xi32, #tpu.memory_space<vmem>> -> memref<32xi32, #tpu.memory_space<vmem>>
    %dma_wait3A_318 = arith.constant 0 : i32
    %dma_wait3A_319 = arith.constant 0 : i32
    %dma_wait3A_320 = tpu.memref_slice %arg2[%dma_wait3A_318, %dma_wait3A_319] : memref<576x1024xf32, #tpu.memory_space<hbm>> -> memref<576x1024xf32, #tpu.memory_space<hbm>>
    tpu.wait_indirect_dma semaphore(%arg9 : memref<!tpu.dma_semaphore, #tpu.memory_space<semaphore_mem>>) src(%dma_wait3A_320 : memref<576x1024xf32, #tpu.memory_space<hbm>>) dst(%arg6 : memref<32x1024xf32, #tpu.memory_space<vmem>>)
    %add3A_321 = arith.constant 480 : i32
    %add3A_322 = arith.addi %mul3A_2, %add3A_321 : i32
    %dma_start3A_323 = arith.constant 0 : i32
    %dma_start3A_324 = tpu.memref_slice %arg4[%add3A_322, %dma_start3A_323] : memref<32768x1024xf32, #tpu.memory_space<hbm>> -> memref<32x1024xf32, #tpu.memory_space<hbm>>
    %dma_start3A_325 = arith.constant 0 : i32
    %dma_start3A_326 = tpu.memref_slice %arg4[%add3A_322, %dma_start3A_325] : memref<32768x1024xf32, #tpu.memory_space<hbm>> -> memref<32x1024xf32, #tpu.memory_space<hbm>>
    tpu.enqueue_dma source(%arg6 : memref<32x1024xf32, #tpu.memory_space<vmem>>) target(%dma_start3A_326 : memref<32x1024xf32, #tpu.memory_space<hbm>>) target_semaphore(%arg12 : memref<!tpu.dma_semaphore, #tpu.memory_space<semaphore_mem>>)
    %dma_wait3A_327 = arith.constant 0 : i32
    %dma_wait3A_328 = tpu.memref_slice %arg4[%add3A_322, %dma_wait3A_327] : memref<32768x1024xf32, #tpu.memory_space<hbm>> -> memref<32x1024xf32, #tpu.memory_space<hbm>>
    %dma_wait3A_329 = arith.constant 0 : i32
    %dma_wait3A_330 = tpu.memref_slice %arg4[%add3A_322, %dma_wait3A_329] : memref<32768x1024xf32, #tpu.memory_space<hbm>> -> memref<32x1024xf32, #tpu.memory_space<hbm>>
    tpu.wait_dma2 semaphore(%arg12 : memref<!tpu.dma_semaphore, #tpu.memory_space<semaphore_mem>>) src(%arg6 : memref<32x1024xf32, #tpu.memory_space<vmem>>) dst(%dma_wait3A_330 : memref<32x1024xf32, #tpu.memory_space<hbm>>)
    %dma_start3A_331 = arith.constant 576 : i32
    %dma_start3A_332 = tpu.memref_slice %arg5[%dma_start3A_331] : memref<1024xi32, #tpu.memory_space<vmem>> -> memref<32xi32, #tpu.memory_space<vmem>>
    %dma_start3A_333 = arith.constant 0 : i32
    %dma_start3A_334 = arith.constant 0 : i32
    %dma_start3A_335 = tpu.memref_slice %arg2[%dma_start3A_333, %dma_start3A_334] : memref<576x1024xf32, #tpu.memory_space<hbm>> -> memref<576x1024xf32, #tpu.memory_space<hbm>>
    tpu.enqueue_indirect_dma source(%dma_start3A_335 : memref<576x1024xf32, #tpu.memory_space<hbm>>) target(%arg6 : memref<32x1024xf32, #tpu.memory_space<vmem>>) offsets(%dma_start3A_332 : memref<32xi32, #tpu.memory_space<vmem>>) semaphore(%arg9 : memref<!tpu.dma_semaphore, #tpu.memory_space<semaphore_mem>>)
    %dma_wait3A_336 = arith.constant 512 : i32
    %dma_wait3A_337 = tpu.memref_slice %arg5[%dma_wait3A_336] : memref<1024xi32, #tpu.memory_space<vmem>> -> memref<32xi32, #tpu.memory_space<vmem>>
    %dma_wait3A_338 = arith.constant 0 : i32
    %dma_wait3A_339 = arith.constant 0 : i32
    %dma_wait3A_340 = tpu.memref_slice %arg2[%dma_wait3A_338, %dma_wait3A_339] : memref<576x1024xf32, #tpu.memory_space<hbm>> -> memref<576x1024xf32, #tpu.memory_space<hbm>>
    tpu.wait_indirect_dma semaphore(%arg10 : memref<!tpu.dma_semaphore, #tpu.memory_space<semaphore_mem>>) src(%dma_wait3A_340 : memref<576x1024xf32, #tpu.memory_space<hbm>>) dst(%arg7 : memref<32x1024xf32, #tpu.memory_space<vmem>>)
    %add3A_341 = arith.constant 512 : i32
    %add3A_342 = arith.addi %mul3A_2, %add3A_341 : i32
    %dma_start3A_343 = arith.constant 0 : i32
    %dma_start3A_344 = tpu.memref_slice %arg4[%add3A_342, %dma_start3A_343] : memref<32768x1024xf32, #tpu.memory_space<hbm>> -> memref<32x1024xf32, #tpu.memory_space<hbm>>
    %dma_start3A_345 = arith.constant 0 : i32
    %dma_start3A_346 = tpu.memref_slice %arg4[%add3A_342, %dma_start3A_345] : memref<32768x1024xf32, #tpu.memory_space<hbm>> -> memref<32x1024xf32, #tpu.memory_space<hbm>>
    tpu.enqueue_dma source(%arg7 : memref<32x1024xf32, #tpu.memory_space<vmem>>) target(%dma_start3A_346 : memref<32x1024xf32, #tpu.memory_space<hbm>>) target_semaphore(%arg13 : memref<!tpu.dma_semaphore, #tpu.memory_space<semaphore_mem>>)
    %dma_wait3A_347 = arith.constant 0 : i32
    %dma_wait3A_348 = tpu.memref_slice %arg4[%add3A_342, %dma_wait3A_347] : memref<32768x1024xf32, #tpu.memory_space<hbm>> -> memref<32x1024xf32, #tpu.memory_space<hbm>>
    %dma_wait3A_349 = arith.constant 0 : i32
    %dma_wait3A_350 = tpu.memref_slice %arg4[%add3A_342, %dma_wait3A_349] : memref<32768x1024xf32, #tpu.memory_space<hbm>> -> memref<32x1024xf32, #tpu.memory_space<hbm>>
    tpu.wait_dma2 semaphore(%arg13 : memref<!tpu.dma_semaphore, #tpu.memory_space<semaphore_mem>>) src(%arg7 : memref<32x1024xf32, #tpu.memory_space<vmem>>) dst(%dma_wait3A_350 : memref<32x1024xf32, #tpu.memory_space<hbm>>)
    %dma_start3A_351 = arith.constant 608 : i32
    %dma_start3A_352 = tpu.memref_slice %arg5[%dma_start3A_351] : memref<1024xi32, #tpu.memory_space<vmem>> -> memref<32xi32, #tpu.memory_space<vmem>>
    %dma_start3A_353 = arith.constant 0 : i32
    %dma_start3A_354 = arith.constant 0 : i32
    %dma_start3A_355 = tpu.memref_slice %arg2[%dma_start3A_353, %dma_start3A_354] : memref<576x1024xf32, #tpu.memory_space<hbm>> -> memref<576x1024xf32, #tpu.memory_space<hbm>>
    tpu.enqueue_indirect_dma source(%dma_start3A_355 : memref<576x1024xf32, #tpu.memory_space<hbm>>) target(%arg7 : memref<32x1024xf32, #tpu.memory_space<vmem>>) offsets(%dma_start3A_352 : memref<32xi32, #tpu.memory_space<vmem>>) semaphore(%arg10 : memref<!tpu.dma_semaphore, #tpu.memory_space<semaphore_mem>>)
    %dma_wait3A_356 = arith.constant 544 : i32
    %dma_wait3A_357 = tpu.memref_slice %arg5[%dma_wait3A_356] : memref<1024xi32, #tpu.memory_space<vmem>> -> memref<32xi32, #tpu.memory_space<vmem>>
    %dma_wait3A_358 = arith.constant 0 : i32
    %dma_wait3A_359 = arith.constant 0 : i32
    %dma_wait3A_360 = tpu.memref_slice %arg2[%dma_wait3A_358, %dma_wait3A_359] : memref<576x1024xf32, #tpu.memory_space<hbm>> -> memref<576x1024xf32, #tpu.memory_space<hbm>>
    tpu.wait_indirect_dma semaphore(%arg11 : memref<!tpu.dma_semaphore, #tpu.memory_space<semaphore_mem>>) src(%dma_wait3A_360 : memref<576x1024xf32, #tpu.memory_space<hbm>>) dst(%arg8 : memref<32x1024xf32, #tpu.memory_space<vmem>>)
    %add3A_361 = arith.constant 544 : i32
    %add3A_362 = arith.addi %mul3A_2, %add3A_361 : i32
    %dma_start3A_363 = arith.constant 0 : i32
    %dma_start3A_364 = tpu.memref_slice %arg4[%add3A_362, %dma_start3A_363] : memref<32768x1024xf32, #tpu.memory_space<hbm>> -> memref<32x1024xf32, #tpu.memory_space<hbm>>
    %dma_start3A_365 = arith.constant 0 : i32
    %dma_start3A_366 = tpu.memref_slice %arg4[%add3A_362, %dma_start3A_365] : memref<32768x1024xf32, #tpu.memory_space<hbm>> -> memref<32x1024xf32, #tpu.memory_space<hbm>>
    tpu.enqueue_dma source(%arg8 : memref<32x1024xf32, #tpu.memory_space<vmem>>) target(%dma_start3A_366 : memref<32x1024xf32, #tpu.memory_space<hbm>>) target_semaphore(%arg14 : memref<!tpu.dma_semaphore, #tpu.memory_space<semaphore_mem>>)
    %dma_wait3A_367 = arith.constant 0 : i32
    %dma_wait3A_368 = tpu.memref_slice %arg4[%add3A_362, %dma_wait3A_367] : memref<32768x1024xf32, #tpu.memory_space<hbm>> -> memref<32x1024xf32, #tpu.memory_space<hbm>>
    %dma_wait3A_369 = arith.constant 0 : i32
    %dma_wait3A_370 = tpu.memref_slice %arg4[%add3A_362, %dma_wait3A_369] : memref<32768x1024xf32, #tpu.memory_space<hbm>> -> memref<32x1024xf32, #tpu.memory_space<hbm>>
    tpu.wait_dma2 semaphore(%arg14 : memref<!tpu.dma_semaphore, #tpu.memory_space<semaphore_mem>>) src(%arg8 : memref<32x1024xf32, #tpu.memory_space<vmem>>) dst(%dma_wait3A_370 : memref<32x1024xf32, #tpu.memory_space<hbm>>)
    %dma_start3A_371 = arith.constant 640 : i32
    %dma_start3A_372 = tpu.memref_slice %arg5[%dma_start3A_371] : memref<1024xi32, #tpu.memory_space<vmem>> -> memref<32xi32, #tpu.memory_space<vmem>>
    %dma_start3A_373 = arith.constant 0 : i32
    %dma_start3A_374 = arith.constant 0 : i32
    %dma_start3A_375 = tpu.memref_slice %arg2[%dma_start3A_373, %dma_start3A_374] : memref<576x1024xf32, #tpu.memory_space<hbm>> -> memref<576x1024xf32, #tpu.memory_space<hbm>>
    tpu.enqueue_indirect_dma source(%dma_start3A_375 : memref<576x1024xf32, #tpu.memory_space<hbm>>) target(%arg8 : memref<32x1024xf32, #tpu.memory_space<vmem>>) offsets(%dma_start3A_372 : memref<32xi32, #tpu.memory_space<vmem>>) semaphore(%arg11 : memref<!tpu.dma_semaphore, #tpu.memory_space<semaphore_mem>>)
    %dma_wait3A_376 = arith.constant 576 : i32
    %dma_wait3A_377 = tpu.memref_slice %arg5[%dma_wait3A_376] : memref<1024xi32, #tpu.memory_space<vmem>> -> memref<32xi32, #tpu.memory_space<vmem>>
    %dma_wait3A_378 = arith.constant 0 : i32
    %dma_wait3A_379 = arith.constant 0 : i32
    %dma_wait3A_380 = tpu.memref_slice %arg2[%dma_wait3A_378, %dma_wait3A_379] : memref<576x1024xf32, #tpu.memory_space<hbm>> -> memref<576x1024xf32, #tpu.memory_space<hbm>>
    tpu.wait_indirect_dma semaphore(%arg9 : memref<!tpu.dma_semaphore, #tpu.memory_space<semaphore_mem>>) src(%dma_wait3A_380 : memref<576x1024xf32, #tpu.memory_space<hbm>>) dst(%arg6 : memref<32x1024xf32, #tpu.memory_space<vmem>>)
    %add3A_381 = arith.constant 576 : i32
    %add3A_382 = arith.addi %mul3A_2, %add3A_381 : i32
    %dma_start3A_383 = arith.constant 0 : i32
    %dma_start3A_384 = tpu.memref_slice %arg4[%add3A_382, %dma_start3A_383] : memref<32768x1024xf32, #tpu.memory_space<hbm>> -> memref<32x1024xf32, #tpu.memory_space<hbm>>
    %dma_start3A_385 = arith.constant 0 : i32
    %dma_start3A_386 = tpu.memref_slice %arg4[%add3A_382, %dma_start3A_385] : memref<32768x1024xf32, #tpu.memory_space<hbm>> -> memref<32x1024xf32, #tpu.memory_space<hbm>>
    tpu.enqueue_dma source(%arg6 : memref<32x1024xf32, #tpu.memory_space<vmem>>) target(%dma_start3A_386 : memref<32x1024xf32, #tpu.memory_space<hbm>>) target_semaphore(%arg12 : memref<!tpu.dma_semaphore, #tpu.memory_space<semaphore_mem>>)
    %dma_wait3A_387 = arith.constant 0 : i32
    %dma_wait3A_388 = tpu.memref_slice %arg4[%add3A_382, %dma_wait3A_387] : memref<32768x1024xf32, #tpu.memory_space<hbm>> -> memref<32x1024xf32, #tpu.memory_space<hbm>>
    %dma_wait3A_389 = arith.constant 0 : i32
    %dma_wait3A_390 = tpu.memref_slice %arg4[%add3A_382, %dma_wait3A_389] : memref<32768x1024xf32, #tpu.memory_space<hbm>> -> memref<32x1024xf32, #tpu.memory_space<hbm>>
    tpu.wait_dma2 semaphore(%arg12 : memref<!tpu.dma_semaphore, #tpu.memory_space<semaphore_mem>>) src(%arg6 : memref<32x1024xf32, #tpu.memory_space<vmem>>) dst(%dma_wait3A_390 : memref<32x1024xf32, #tpu.memory_space<hbm>>)
    %dma_start3A_391 = arith.constant 672 : i32
    %dma_start3A_392 = tpu.memref_slice %arg5[%dma_start3A_391] : memref<1024xi32, #tpu.memory_space<vmem>> -> memref<32xi32, #tpu.memory_space<vmem>>
    %dma_start3A_393 = arith.constant 0 : i32
    %dma_start3A_394 = arith.constant 0 : i32
    %dma_start3A_395 = tpu.memref_slice %arg2[%dma_start3A_393, %dma_start3A_394] : memref<576x1024xf32, #tpu.memory_space<hbm>> -> memref<576x1024xf32, #tpu.memory_space<hbm>>
    tpu.enqueue_indirect_dma source(%dma_start3A_395 : memref<576x1024xf32, #tpu.memory_space<hbm>>) target(%arg6 : memref<32x1024xf32, #tpu.memory_space<vmem>>) offsets(%dma_start3A_392 : memref<32xi32, #tpu.memory_space<vmem>>) semaphore(%arg9 : memref<!tpu.dma_semaphore, #tpu.memory_space<semaphore_mem>>)
    %dma_wait3A_396 = arith.constant 608 : i32
    %dma_wait3A_397 = tpu.memref_slice %arg5[%dma_wait3A_396] : memref<1024xi32, #tpu.memory_space<vmem>> -> memref<32xi32, #tpu.memory_space<vmem>>
    %dma_wait3A_398 = arith.constant 0 : i32
    %dma_wait3A_399 = arith.constant 0 : i32
    %dma_wait3A_400 = tpu.memref_slice %arg2[%dma_wait3A_398, %dma_wait3A_399] : memref<576x1024xf32, #tpu.memory_space<hbm>> -> memref<576x1024xf32, #tpu.memory_space<hbm>>
    tpu.wait_indirect_dma semaphore(%arg10 : memref<!tpu.dma_semaphore, #tpu.memory_space<semaphore_mem>>) src(%dma_wait3A_400 : memref<576x1024xf32, #tpu.memory_space<hbm>>) dst(%arg7 : memref<32x1024xf32, #tpu.memory_space<vmem>>)
    %add3A_401 = arith.constant 608 : i32
    %add3A_402 = arith.addi %mul3A_2, %add3A_401 : i32
    %dma_start3A_403 = arith.constant 0 : i32
    %dma_start3A_404 = tpu.memref_slice %arg4[%add3A_402, %dma_start3A_403] : memref<32768x1024xf32, #tpu.memory_space<hbm>> -> memref<32x1024xf32, #tpu.memory_space<hbm>>
    %dma_start3A_405 = arith.constant 0 : i32
    %dma_start3A_406 = tpu.memref_slice %arg4[%add3A_402, %dma_start3A_405] : memref<32768x1024xf32, #tpu.memory_space<hbm>> -> memref<32x1024xf32, #tpu.memory_space<hbm>>
    tpu.enqueue_dma source(%arg7 : memref<32x1024xf32, #tpu.memory_space<vmem>>) target(%dma_start3A_406 : memref<32x1024xf32, #tpu.memory_space<hbm>>) target_semaphore(%arg13 : memref<!tpu.dma_semaphore, #tpu.memory_space<semaphore_mem>>)
    %dma_wait3A_407 = arith.constant 0 : i32
    %dma_wait3A_408 = tpu.memref_slice %arg4[%add3A_402, %dma_wait3A_407] : memref<32768x1024xf32, #tpu.memory_space<hbm>> -> memref<32x1024xf32, #tpu.memory_space<hbm>>
    %dma_wait3A_409 = arith.constant 0 : i32
    %dma_wait3A_410 = tpu.memref_slice %arg4[%add3A_402, %dma_wait3A_409] : memref<32768x1024xf32, #tpu.memory_space<hbm>> -> memref<32x1024xf32, #tpu.memory_space<hbm>>
    tpu.wait_dma2 semaphore(%arg13 : memref<!tpu.dma_semaphore, #tpu.memory_space<semaphore_mem>>) src(%arg7 : memref<32x1024xf32, #tpu.memory_space<vmem>>) dst(%dma_wait3A_410 : memref<32x1024xf32, #tpu.memory_space<hbm>>)
    %dma_start3A_411 = arith.constant 704 : i32
    %dma_start3A_412 = tpu.memref_slice %arg5[%dma_start3A_411] : memref<1024xi32, #tpu.memory_space<vmem>> -> memref<32xi32, #tpu.memory_space<vmem>>
    %dma_start3A_413 = arith.constant 0 : i32
    %dma_start3A_414 = arith.constant 0 : i32
    %dma_start3A_415 = tpu.memref_slice %arg2[%dma_start3A_413, %dma_start3A_414] : memref<576x1024xf32, #tpu.memory_space<hbm>> -> memref<576x1024xf32, #tpu.memory_space<hbm>>
    tpu.enqueue_indirect_dma source(%dma_start3A_415 : memref<576x1024xf32, #tpu.memory_space<hbm>>) target(%arg7 : memref<32x1024xf32, #tpu.memory_space<vmem>>) offsets(%dma_start3A_412 : memref<32xi32, #tpu.memory_space<vmem>>) semaphore(%arg10 : memref<!tpu.dma_semaphore, #tpu.memory_space<semaphore_mem>>)
    %dma_wait3A_416 = arith.constant 640 : i32
    %dma_wait3A_417 = tpu.memref_slice %arg5[%dma_wait3A_416] : memref<1024xi32, #tpu.memory_space<vmem>> -> memref<32xi32, #tpu.memory_space<vmem>>
    %dma_wait3A_418 = arith.constant 0 : i32
    %dma_wait3A_419 = arith.constant 0 : i32
    %dma_wait3A_420 = tpu.memref_slice %arg2[%dma_wait3A_418, %dma_wait3A_419] : memref<576x1024xf32, #tpu.memory_space<hbm>> -> memref<576x1024xf32, #tpu.memory_space<hbm>>
    tpu.wait_indirect_dma semaphore(%arg11 : memref<!tpu.dma_semaphore, #tpu.memory_space<semaphore_mem>>) src(%dma_wait3A_420 : memref<576x1024xf32, #tpu.memory_space<hbm>>) dst(%arg8 : memref<32x1024xf32, #tpu.memory_space<vmem>>)
    %add3A_421 = arith.constant 640 : i32
    %add3A_422 = arith.addi %mul3A_2, %add3A_421 : i32
    %dma_start3A_423 = arith.constant 0 : i32
    %dma_start3A_424 = tpu.memref_slice %arg4[%add3A_422, %dma_start3A_423] : memref<32768x1024xf32, #tpu.memory_space<hbm>> -> memref<32x1024xf32, #tpu.memory_space<hbm>>
    %dma_start3A_425 = arith.constant 0 : i32
    %dma_start3A_426 = tpu.memref_slice %arg4[%add3A_422, %dma_start3A_425] : memref<32768x1024xf32, #tpu.memory_space<hbm>> -> memref<32x1024xf32, #tpu.memory_space<hbm>>
    tpu.enqueue_dma source(%arg8 : memref<32x1024xf32, #tpu.memory_space<vmem>>) target(%dma_start3A_426 : memref<32x1024xf32, #tpu.memory_space<hbm>>) target_semaphore(%arg14 : memref<!tpu.dma_semaphore, #tpu.memory_space<semaphore_mem>>)
    %dma_wait3A_427 = arith.constant 0 : i32
    %dma_wait3A_428 = tpu.memref_slice %arg4[%add3A_422, %dma_wait3A_427] : memref<32768x1024xf32, #tpu.memory_space<hbm>> -> memref<32x1024xf32, #tpu.memory_space<hbm>>
    %dma_wait3A_429 = arith.constant 0 : i32
    %dma_wait3A_430 = tpu.memref_slice %arg4[%add3A_422, %dma_wait3A_429] : memref<32768x1024xf32, #tpu.memory_space<hbm>> -> memref<32x1024xf32, #tpu.memory_space<hbm>>
    tpu.wait_dma2 semaphore(%arg14 : memref<!tpu.dma_semaphore, #tpu.memory_space<semaphore_mem>>) src(%arg8 : memref<32x1024xf32, #tpu.memory_space<vmem>>) dst(%dma_wait3A_430 : memref<32x1024xf32, #tpu.memory_space<hbm>>)
    %dma_start3A_431 = arith.constant 736 : i32
    %dma_start3A_432 = tpu.memref_slice %arg5[%dma_start3A_431] : memref<1024xi32, #tpu.memory_space<vmem>> -> memref<32xi32, #tpu.memory_space<vmem>>
    %dma_start3A_433 = arith.constant 0 : i32
    %dma_start3A_434 = arith.constant 0 : i32
    %dma_start3A_435 = tpu.memref_slice %arg2[%dma_start3A_433, %dma_start3A_434] : memref<576x1024xf32, #tpu.memory_space<hbm>> -> memref<576x1024xf32, #tpu.memory_space<hbm>>
    tpu.enqueue_indirect_dma source(%dma_start3A_435 : memref<576x1024xf32, #tpu.memory_space<hbm>>) target(%arg8 : memref<32x1024xf32, #tpu.memory_space<vmem>>) offsets(%dma_start3A_432 : memref<32xi32, #tpu.memory_space<vmem>>) semaphore(%arg11 : memref<!tpu.dma_semaphore, #tpu.memory_space<semaphore_mem>>)
    %dma_wait3A_436 = arith.constant 672 : i32
    %dma_wait3A_437 = tpu.memref_slice %arg5[%dma_wait3A_436] : memref<1024xi32, #tpu.memory_space<vmem>> -> memref<32xi32, #tpu.memory_space<vmem>>
    %dma_wait3A_438 = arith.constant 0 : i32
    %dma_wait3A_439 = arith.constant 0 : i32
    %dma_wait3A_440 = tpu.memref_slice %arg2[%dma_wait3A_438, %dma_wait3A_439] : memref<576x1024xf32, #tpu.memory_space<hbm>> -> memref<576x1024xf32, #tpu.memory_space<hbm>>
    tpu.wait_indirect_dma semaphore(%arg9 : memref<!tpu.dma_semaphore, #tpu.memory_space<semaphore_mem>>) src(%dma_wait3A_440 : memref<576x1024xf32, #tpu.memory_space<hbm>>) dst(%arg6 : memref<32x1024xf32, #tpu.memory_space<vmem>>)
    %add3A_441 = arith.constant 672 : i32
    %add3A_442 = arith.addi %mul3A_2, %add3A_441 : i32
    %dma_start3A_443 = arith.constant 0 : i32
    %dma_start3A_444 = tpu.memref_slice %arg4[%add3A_442, %dma_start3A_443] : memref<32768x1024xf32, #tpu.memory_space<hbm>> -> memref<32x1024xf32, #tpu.memory_space<hbm>>
    %dma_start3A_445 = arith.constant 0 : i32
    %dma_start3A_446 = tpu.memref_slice %arg4[%add3A_442, %dma_start3A_445] : memref<32768x1024xf32, #tpu.memory_space<hbm>> -> memref<32x1024xf32, #tpu.memory_space<hbm>>
    tpu.enqueue_dma source(%arg6 : memref<32x1024xf32, #tpu.memory_space<vmem>>) target(%dma_start3A_446 : memref<32x1024xf32, #tpu.memory_space<hbm>>) target_semaphore(%arg12 : memref<!tpu.dma_semaphore, #tpu.memory_space<semaphore_mem>>)
    %dma_wait3A_447 = arith.constant 0 : i32
    %dma_wait3A_448 = tpu.memref_slice %arg4[%add3A_442, %dma_wait3A_447] : memref<32768x1024xf32, #tpu.memory_space<hbm>> -> memref<32x1024xf32, #tpu.memory_space<hbm>>
    %dma_wait3A_449 = arith.constant 0 : i32
    %dma_wait3A_450 = tpu.memref_slice %arg4[%add3A_442, %dma_wait3A_449] : memref<32768x1024xf32, #tpu.memory_space<hbm>> -> memref<32x1024xf32, #tpu.memory_space<hbm>>
    tpu.wait_dma2 semaphore(%arg12 : memref<!tpu.dma_semaphore, #tpu.memory_space<semaphore_mem>>) src(%arg6 : memref<32x1024xf32, #tpu.memory_space<vmem>>) dst(%dma_wait3A_450 : memref<32x1024xf32, #tpu.memory_space<hbm>>)
    %dma_start3A_451 = arith.constant 768 : i32
    %dma_start3A_452 = tpu.memref_slice %arg5[%dma_start3A_451] : memref<1024xi32, #tpu.memory_space<vmem>> -> memref<32xi32, #tpu.memory_space<vmem>>
    %dma_start3A_453 = arith.constant 0 : i32
    %dma_start3A_454 = arith.constant 0 : i32
    %dma_start3A_455 = tpu.memref_slice %arg2[%dma_start3A_453, %dma_start3A_454] : memref<576x1024xf32, #tpu.memory_space<hbm>> -> memref<576x1024xf32, #tpu.memory_space<hbm>>
    tpu.enqueue_indirect_dma source(%dma_start3A_455 : memref<576x1024xf32, #tpu.memory_space<hbm>>) target(%arg6 : memref<32x1024xf32, #tpu.memory_space<vmem>>) offsets(%dma_start3A_452 : memref<32xi32, #tpu.memory_space<vmem>>) semaphore(%arg9 : memref<!tpu.dma_semaphore, #tpu.memory_space<semaphore_mem>>)
    %dma_wait3A_456 = arith.constant 704 : i32
    %dma_wait3A_457 = tpu.memref_slice %arg5[%dma_wait3A_456] : memref<1024xi32, #tpu.memory_space<vmem>> -> memref<32xi32, #tpu.memory_space<vmem>>
    %dma_wait3A_458 = arith.constant 0 : i32
    %dma_wait3A_459 = arith.constant 0 : i32
    %dma_wait3A_460 = tpu.memref_slice %arg2[%dma_wait3A_458, %dma_wait3A_459] : memref<576x1024xf32, #tpu.memory_space<hbm>> -> memref<576x1024xf32, #tpu.memory_space<hbm>>
    tpu.wait_indirect_dma semaphore(%arg10 : memref<!tpu.dma_semaphore, #tpu.memory_space<semaphore_mem>>) src(%dma_wait3A_460 : memref<576x1024xf32, #tpu.memory_space<hbm>>) dst(%arg7 : memref<32x1024xf32, #tpu.memory_space<vmem>>)
    %add3A_461 = arith.constant 704 : i32
    %add3A_462 = arith.addi %mul3A_2, %add3A_461 : i32
    %dma_start3A_463 = arith.constant 0 : i32
    %dma_start3A_464 = tpu.memref_slice %arg4[%add3A_462, %dma_start3A_463] : memref<32768x1024xf32, #tpu.memory_space<hbm>> -> memref<32x1024xf32, #tpu.memory_space<hbm>>
    %dma_start3A_465 = arith.constant 0 : i32
    %dma_start3A_466 = tpu.memref_slice %arg4[%add3A_462, %dma_start3A_465] : memref<32768x1024xf32, #tpu.memory_space<hbm>> -> memref<32x1024xf32, #tpu.memory_space<hbm>>
    tpu.enqueue_dma source(%arg7 : memref<32x1024xf32, #tpu.memory_space<vmem>>) target(%dma_start3A_466 : memref<32x1024xf32, #tpu.memory_space<hbm>>) target_semaphore(%arg13 : memref<!tpu.dma_semaphore, #tpu.memory_space<semaphore_mem>>)
    %dma_wait3A_467 = arith.constant 0 : i32
    %dma_wait3A_468 = tpu.memref_slice %arg4[%add3A_462, %dma_wait3A_467] : memref<32768x1024xf32, #tpu.memory_space<hbm>> -> memref<32x1024xf32, #tpu.memory_space<hbm>>
    %dma_wait3A_469 = arith.constant 0 : i32
    %dma_wait3A_470 = tpu.memref_slice %arg4[%add3A_462, %dma_wait3A_469] : memref<32768x1024xf32, #tpu.memory_space<hbm>> -> memref<32x1024xf32, #tpu.memory_space<hbm>>
    tpu.wait_dma2 semaphore(%arg13 : memref<!tpu.dma_semaphore, #tpu.memory_space<semaphore_mem>>) src(%arg7 : memref<32x1024xf32, #tpu.memory_space<vmem>>) dst(%dma_wait3A_470 : memref<32x1024xf32, #tpu.memory_space<hbm>>)
    %dma_start3A_471 = arith.constant 800 : i32
    %dma_start3A_472 = tpu.memref_slice %arg5[%dma_start3A_471] : memref<1024xi32, #tpu.memory_space<vmem>> -> memref<32xi32, #tpu.memory_space<vmem>>
    %dma_start3A_473 = arith.constant 0 : i32
    %dma_start3A_474 = arith.constant 0 : i32
    %dma_start3A_475 = tpu.memref_slice %arg2[%dma_start3A_473, %dma_start3A_474] : memref<576x1024xf32, #tpu.memory_space<hbm>> -> memref<576x1024xf32, #tpu.memory_space<hbm>>
    tpu.enqueue_indirect_dma source(%dma_start3A_475 : memref<576x1024xf32, #tpu.memory_space<hbm>>) target(%arg7 : memref<32x1024xf32, #tpu.memory_space<vmem>>) offsets(%dma_start3A_472 : memref<32xi32, #tpu.memory_space<vmem>>) semaphore(%arg10 : memref<!tpu.dma_semaphore, #tpu.memory_space<semaphore_mem>>)
    %dma_wait3A_476 = arith.constant 736 : i32
    %dma_wait3A_477 = tpu.memref_slice %arg5[%dma_wait3A_476] : memref<1024xi32, #tpu.memory_space<vmem>> -> memref<32xi32, #tpu.memory_space<vmem>>
    %dma_wait3A_478 = arith.constant 0 : i32
    %dma_wait3A_479 = arith.constant 0 : i32
    %dma_wait3A_480 = tpu.memref_slice %arg2[%dma_wait3A_478, %dma_wait3A_479] : memref<576x1024xf32, #tpu.memory_space<hbm>> -> memref<576x1024xf32, #tpu.memory_space<hbm>>
    tpu.wait_indirect_dma semaphore(%arg11 : memref<!tpu.dma_semaphore, #tpu.memory_space<semaphore_mem>>) src(%dma_wait3A_480 : memref<576x1024xf32, #tpu.memory_space<hbm>>) dst(%arg8 : memref<32x1024xf32, #tpu.memory_space<vmem>>)
    %add3A_481 = arith.constant 736 : i32
    %add3A_482 = arith.addi %mul3A_2, %add3A_481 : i32
    %dma_start3A_483 = arith.constant 0 : i32
    %dma_start3A_484 = tpu.memref_slice %arg4[%add3A_482, %dma_start3A_483] : memref<32768x1024xf32, #tpu.memory_space<hbm>> -> memref<32x1024xf32, #tpu.memory_space<hbm>>
    %dma_start3A_485 = arith.constant 0 : i32
    %dma_start3A_486 = tpu.memref_slice %arg4[%add3A_482, %dma_start3A_485] : memref<32768x1024xf32, #tpu.memory_space<hbm>> -> memref<32x1024xf32, #tpu.memory_space<hbm>>
    tpu.enqueue_dma source(%arg8 : memref<32x1024xf32, #tpu.memory_space<vmem>>) target(%dma_start3A_486 : memref<32x1024xf32, #tpu.memory_space<hbm>>) target_semaphore(%arg14 : memref<!tpu.dma_semaphore, #tpu.memory_space<semaphore_mem>>)
    %dma_wait3A_487 = arith.constant 0 : i32
    %dma_wait3A_488 = tpu.memref_slice %arg4[%add3A_482, %dma_wait3A_487] : memref<32768x1024xf32, #tpu.memory_space<hbm>> -> memref<32x1024xf32, #tpu.memory_space<hbm>>
    %dma_wait3A_489 = arith.constant 0 : i32
    %dma_wait3A_490 = tpu.memref_slice %arg4[%add3A_482, %dma_wait3A_489] : memref<32768x1024xf32, #tpu.memory_space<hbm>> -> memref<32x1024xf32, #tpu.memory_space<hbm>>
    tpu.wait_dma2 semaphore(%arg14 : memref<!tpu.dma_semaphore, #tpu.memory_space<semaphore_mem>>) src(%arg8 : memref<32x1024xf32, #tpu.memory_space<vmem>>) dst(%dma_wait3A_490 : memref<32x1024xf32, #tpu.memory_space<hbm>>)
    %dma_start3A_491 = arith.constant 832 : i32
    %dma_start3A_492 = tpu.memref_slice %arg5[%dma_start3A_491] : memref<1024xi32, #tpu.memory_space<vmem>> -> memref<32xi32, #tpu.memory_space<vmem>>
    %dma_start3A_493 = arith.constant 0 : i32
    %dma_start3A_494 = arith.constant 0 : i32
    %dma_start3A_495 = tpu.memref_slice %arg2[%dma_start3A_493, %dma_start3A_494] : memref<576x1024xf32, #tpu.memory_space<hbm>> -> memref<576x1024xf32, #tpu.memory_space<hbm>>
    tpu.enqueue_indirect_dma source(%dma_start3A_495 : memref<576x1024xf32, #tpu.memory_space<hbm>>) target(%arg8 : memref<32x1024xf32, #tpu.memory_space<vmem>>) offsets(%dma_start3A_492 : memref<32xi32, #tpu.memory_space<vmem>>) semaphore(%arg11 : memref<!tpu.dma_semaphore, #tpu.memory_space<semaphore_mem>>)
    %dma_wait3A_496 = arith.constant 768 : i32
    %dma_wait3A_497 = tpu.memref_slice %arg5[%dma_wait3A_496] : memref<1024xi32, #tpu.memory_space<vmem>> -> memref<32xi32, #tpu.memory_space<vmem>>
    %dma_wait3A_498 = arith.constant 0 : i32
    %dma_wait3A_499 = arith.constant 0 : i32
    %dma_wait3A_500 = tpu.memref_slice %arg2[%dma_wait3A_498, %dma_wait3A_499] : memref<576x1024xf32, #tpu.memory_space<hbm>> -> memref<576x1024xf32, #tpu.memory_space<hbm>>
    tpu.wait_indirect_dma semaphore(%arg9 : memref<!tpu.dma_semaphore, #tpu.memory_space<semaphore_mem>>) src(%dma_wait3A_500 : memref<576x1024xf32, #tpu.memory_space<hbm>>) dst(%arg6 : memref<32x1024xf32, #tpu.memory_space<vmem>>)
    %add3A_501 = arith.constant 768 : i32
    %add3A_502 = arith.addi %mul3A_2, %add3A_501 : i32
    %dma_start3A_503 = arith.constant 0 : i32
    %dma_start3A_504 = tpu.memref_slice %arg4[%add3A_502, %dma_start3A_503] : memref<32768x1024xf32, #tpu.memory_space<hbm>> -> memref<32x1024xf32, #tpu.memory_space<hbm>>
    %dma_start3A_505 = arith.constant 0 : i32
    %dma_start3A_506 = tpu.memref_slice %arg4[%add3A_502, %dma_start3A_505] : memref<32768x1024xf32, #tpu.memory_space<hbm>> -> memref<32x1024xf32, #tpu.memory_space<hbm>>
    tpu.enqueue_dma source(%arg6 : memref<32x1024xf32, #tpu.memory_space<vmem>>) target(%dma_start3A_506 : memref<32x1024xf32, #tpu.memory_space<hbm>>) target_semaphore(%arg12 : memref<!tpu.dma_semaphore, #tpu.memory_space<semaphore_mem>>)
    %dma_wait3A_507 = arith.constant 0 : i32
    %dma_wait3A_508 = tpu.memref_slice %arg4[%add3A_502, %dma_wait3A_507] : memref<32768x1024xf32, #tpu.memory_space<hbm>> -> memref<32x1024xf32, #tpu.memory_space<hbm>>
    %dma_wait3A_509 = arith.constant 0 : i32
    %dma_wait3A_510 = tpu.memref_slice %arg4[%add3A_502, %dma_wait3A_509] : memref<32768x1024xf32, #tpu.memory_space<hbm>> -> memref<32x1024xf32, #tpu.memory_space<hbm>>
    tpu.wait_dma2 semaphore(%arg12 : memref<!tpu.dma_semaphore, #tpu.memory_space<semaphore_mem>>) src(%arg6 : memref<32x1024xf32, #tpu.memory_space<vmem>>) dst(%dma_wait3A_510 : memref<32x1024xf32, #tpu.memory_space<hbm>>)
    %dma_start3A_511 = arith.constant 864 : i32
    %dma_start3A_512 = tpu.memref_slice %arg5[%dma_start3A_511] : memref<1024xi32, #tpu.memory_space<vmem>> -> memref<32xi32, #tpu.memory_space<vmem>>
    %dma_start3A_513 = arith.constant 0 : i32
    %dma_start3A_514 = arith.constant 0 : i32
    %dma_start3A_515 = tpu.memref_slice %arg2[%dma_start3A_513, %dma_start3A_514] : memref<576x1024xf32, #tpu.memory_space<hbm>> -> memref<576x1024xf32, #tpu.memory_space<hbm>>
    tpu.enqueue_indirect_dma source(%dma_start3A_515 : memref<576x1024xf32, #tpu.memory_space<hbm>>) target(%arg6 : memref<32x1024xf32, #tpu.memory_space<vmem>>) offsets(%dma_start3A_512 : memref<32xi32, #tpu.memory_space<vmem>>) semaphore(%arg9 : memref<!tpu.dma_semaphore, #tpu.memory_space<semaphore_mem>>)
    %dma_wait3A_516 = arith.constant 800 : i32
    %dma_wait3A_517 = tpu.memref_slice %arg5[%dma_wait3A_516] : memref<1024xi32, #tpu.memory_space<vmem>> -> memref<32xi32, #tpu.memory_space<vmem>>
    %dma_wait3A_518 = arith.constant 0 : i32
    %dma_wait3A_519 = arith.constant 0 : i32
    %dma_wait3A_520 = tpu.memref_slice %arg2[%dma_wait3A_518, %dma_wait3A_519] : memref<576x1024xf32, #tpu.memory_space<hbm>> -> memref<576x1024xf32, #tpu.memory_space<hbm>>
    tpu.wait_indirect_dma semaphore(%arg10 : memref<!tpu.dma_semaphore, #tpu.memory_space<semaphore_mem>>) src(%dma_wait3A_520 : memref<576x1024xf32, #tpu.memory_space<hbm>>) dst(%arg7 : memref<32x1024xf32, #tpu.memory_space<vmem>>)
    %add3A_521 = arith.constant 800 : i32
    %add3A_522 = arith.addi %mul3A_2, %add3A_521 : i32
    %dma_start3A_523 = arith.constant 0 : i32
    %dma_start3A_524 = tpu.memref_slice %arg4[%add3A_522, %dma_start3A_523] : memref<32768x1024xf32, #tpu.memory_space<hbm>> -> memref<32x1024xf32, #tpu.memory_space<hbm>>
    %dma_start3A_525 = arith.constant 0 : i32
    %dma_start3A_526 = tpu.memref_slice %arg4[%add3A_522, %dma_start3A_525] : memref<32768x1024xf32, #tpu.memory_space<hbm>> -> memref<32x1024xf32, #tpu.memory_space<hbm>>
    tpu.enqueue_dma source(%arg7 : memref<32x1024xf32, #tpu.memory_space<vmem>>) target(%dma_start3A_526 : memref<32x1024xf32, #tpu.memory_space<hbm>>) target_semaphore(%arg13 : memref<!tpu.dma_semaphore, #tpu.memory_space<semaphore_mem>>)
    %dma_wait3A_527 = arith.constant 0 : i32
    %dma_wait3A_528 = tpu.memref_slice %arg4[%add3A_522, %dma_wait3A_527] : memref<32768x1024xf32, #tpu.memory_space<hbm>> -> memref<32x1024xf32, #tpu.memory_space<hbm>>
    %dma_wait3A_529 = arith.constant 0 : i32
    %dma_wait3A_530 = tpu.memref_slice %arg4[%add3A_522, %dma_wait3A_529] : memref<32768x1024xf32, #tpu.memory_space<hbm>> -> memref<32x1024xf32, #tpu.memory_space<hbm>>
    tpu.wait_dma2 semaphore(%arg13 : memref<!tpu.dma_semaphore, #tpu.memory_space<semaphore_mem>>) src(%arg7 : memref<32x1024xf32, #tpu.memory_space<vmem>>) dst(%dma_wait3A_530 : memref<32x1024xf32, #tpu.memory_space<hbm>>)
    %dma_start3A_531 = arith.constant 896 : i32
    %dma_start3A_532 = tpu.memref_slice %arg5[%dma_start3A_531] : memref<1024xi32, #tpu.memory_space<vmem>> -> memref<32xi32, #tpu.memory_space<vmem>>
    %dma_start3A_533 = arith.constant 0 : i32
    %dma_start3A_534 = arith.constant 0 : i32
    %dma_start3A_535 = tpu.memref_slice %arg2[%dma_start3A_533, %dma_start3A_534] : memref<576x1024xf32, #tpu.memory_space<hbm>> -> memref<576x1024xf32, #tpu.memory_space<hbm>>
    tpu.enqueue_indirect_dma source(%dma_start3A_535 : memref<576x1024xf32, #tpu.memory_space<hbm>>) target(%arg7 : memref<32x1024xf32, #tpu.memory_space<vmem>>) offsets(%dma_start3A_532 : memref<32xi32, #tpu.memory_space<vmem>>) semaphore(%arg10 : memref<!tpu.dma_semaphore, #tpu.memory_space<semaphore_mem>>)
    %dma_wait3A_536 = arith.constant 832 : i32
    %dma_wait3A_537 = tpu.memref_slice %arg5[%dma_wait3A_536] : memref<1024xi32, #tpu.memory_space<vmem>> -> memref<32xi32, #tpu.memory_space<vmem>>
    %dma_wait3A_538 = arith.constant 0 : i32
    %dma_wait3A_539 = arith.constant 0 : i32
    %dma_wait3A_540 = tpu.memref_slice %arg2[%dma_wait3A_538, %dma_wait3A_539] : memref<576x1024xf32, #tpu.memory_space<hbm>> -> memref<576x1024xf32, #tpu.memory_space<hbm>>
    tpu.wait_indirect_dma semaphore(%arg11 : memref<!tpu.dma_semaphore, #tpu.memory_space<semaphore_mem>>) src(%dma_wait3A_540 : memref<576x1024xf32, #tpu.memory_space<hbm>>) dst(%arg8 : memref<32x1024xf32, #tpu.memory_space<vmem>>)
    %add3A_541 = arith.constant 832 : i32
    %add3A_542 = arith.addi %mul3A_2, %add3A_541 : i32
    %dma_start3A_543 = arith.constant 0 : i32
    %dma_start3A_544 = tpu.memref_slice %arg4[%add3A_542, %dma_start3A_543] : memref<32768x1024xf32, #tpu.memory_space<hbm>> -> memref<32x1024xf32, #tpu.memory_space<hbm>>
    %dma_start3A_545 = arith.constant 0 : i32
    %dma_start3A_546 = tpu.memref_slice %arg4[%add3A_542, %dma_start3A_545] : memref<32768x1024xf32, #tpu.memory_space<hbm>> -> memref<32x1024xf32, #tpu.memory_space<hbm>>
    tpu.enqueue_dma source(%arg8 : memref<32x1024xf32, #tpu.memory_space<vmem>>) target(%dma_start3A_546 : memref<32x1024xf32, #tpu.memory_space<hbm>>) target_semaphore(%arg14 : memref<!tpu.dma_semaphore, #tpu.memory_space<semaphore_mem>>)
    %dma_wait3A_547 = arith.constant 0 : i32
    %dma_wait3A_548 = tpu.memref_slice %arg4[%add3A_542, %dma_wait3A_547] : memref<32768x1024xf32, #tpu.memory_space<hbm>> -> memref<32x1024xf32, #tpu.memory_space<hbm>>
    %dma_wait3A_549 = arith.constant 0 : i32
    %dma_wait3A_550 = tpu.memref_slice %arg4[%add3A_542, %dma_wait3A_549] : memref<32768x1024xf32, #tpu.memory_space<hbm>> -> memref<32x1024xf32, #tpu.memory_space<hbm>>
    tpu.wait_dma2 semaphore(%arg14 : memref<!tpu.dma_semaphore, #tpu.memory_space<semaphore_mem>>) src(%arg8 : memref<32x1024xf32, #tpu.memory_space<vmem>>) dst(%dma_wait3A_550 : memref<32x1024xf32, #tpu.memory_space<hbm>>)
    %dma_start3A_551 = arith.constant 928 : i32
    %dma_start3A_552 = tpu.memref_slice %arg5[%dma_start3A_551] : memref<1024xi32, #tpu.memory_space<vmem>> -> memref<32xi32, #tpu.memory_space<vmem>>
    %dma_start3A_553 = arith.constant 0 : i32
    %dma_start3A_554 = arith.constant 0 : i32
    %dma_start3A_555 = tpu.memref_slice %arg2[%dma_start3A_553, %dma_start3A_554] : memref<576x1024xf32, #tpu.memory_space<hbm>> -> memref<576x1024xf32, #tpu.memory_space<hbm>>
    tpu.enqueue_indirect_dma source(%dma_start3A_555 : memref<576x1024xf32, #tpu.memory_space<hbm>>) target(%arg8 : memref<32x1024xf32, #tpu.memory_space<vmem>>) offsets(%dma_start3A_552 : memref<32xi32, #tpu.memory_space<vmem>>) semaphore(%arg11 : memref<!tpu.dma_semaphore, #tpu.memory_space<semaphore_mem>>)
    %dma_wait3A_556 = arith.constant 864 : i32
    %dma_wait3A_557 = tpu.memref_slice %arg5[%dma_wait3A_556] : memref<1024xi32, #tpu.memory_space<vmem>> -> memref<32xi32, #tpu.memory_space<vmem>>
    %dma_wait3A_558 = arith.constant 0 : i32
    %dma_wait3A_559 = arith.constant 0 : i32
    %dma_wait3A_560 = tpu.memref_slice %arg2[%dma_wait3A_558, %dma_wait3A_559] : memref<576x1024xf32, #tpu.memory_space<hbm>> -> memref<576x1024xf32, #tpu.memory_space<hbm>>
    tpu.wait_indirect_dma semaphore(%arg9 : memref<!tpu.dma_semaphore, #tpu.memory_space<semaphore_mem>>) src(%dma_wait3A_560 : memref<576x1024xf32, #tpu.memory_space<hbm>>) dst(%arg6 : memref<32x1024xf32, #tpu.memory_space<vmem>>)
    %add3A_561 = arith.constant 864 : i32
    %add3A_562 = arith.addi %mul3A_2, %add3A_561 : i32
    %dma_start3A_563 = arith.constant 0 : i32
    %dma_start3A_564 = tpu.memref_slice %arg4[%add3A_562, %dma_start3A_563] : memref<32768x1024xf32, #tpu.memory_space<hbm>> -> memref<32x1024xf32, #tpu.memory_space<hbm>>
    %dma_start3A_565 = arith.constant 0 : i32
    %dma_start3A_566 = tpu.memref_slice %arg4[%add3A_562, %dma_start3A_565] : memref<32768x1024xf32, #tpu.memory_space<hbm>> -> memref<32x1024xf32, #tpu.memory_space<hbm>>
    tpu.enqueue_dma source(%arg6 : memref<32x1024xf32, #tpu.memory_space<vmem>>) target(%dma_start3A_566 : memref<32x1024xf32, #tpu.memory_space<hbm>>) target_semaphore(%arg12 : memref<!tpu.dma_semaphore, #tpu.memory_space<semaphore_mem>>)
    %dma_wait3A_567 = arith.constant 0 : i32
    %dma_wait3A_568 = tpu.memref_slice %arg4[%add3A_562, %dma_wait3A_567] : memref<32768x1024xf32, #tpu.memory_space<hbm>> -> memref<32x1024xf32, #tpu.memory_space<hbm>>
    %dma_wait3A_569 = arith.constant 0 : i32
    %dma_wait3A_570 = tpu.memref_slice %arg4[%add3A_562, %dma_wait3A_569] : memref<32768x1024xf32, #tpu.memory_space<hbm>> -> memref<32x1024xf32, #tpu.memory_space<hbm>>
    tpu.wait_dma2 semaphore(%arg12 : memref<!tpu.dma_semaphore, #tpu.memory_space<semaphore_mem>>) src(%arg6 : memref<32x1024xf32, #tpu.memory_space<vmem>>) dst(%dma_wait3A_570 : memref<32x1024xf32, #tpu.memory_space<hbm>>)
    %dma_start3A_571 = arith.constant 960 : i32
    %dma_start3A_572 = tpu.memref_slice %arg5[%dma_start3A_571] : memref<1024xi32, #tpu.memory_space<vmem>> -> memref<32xi32, #tpu.memory_space<vmem>>
    %dma_start3A_573 = arith.constant 0 : i32
    %dma_start3A_574 = arith.constant 0 : i32
    %dma_start3A_575 = tpu.memref_slice %arg2[%dma_start3A_573, %dma_start3A_574] : memref<576x1024xf32, #tpu.memory_space<hbm>> -> memref<576x1024xf32, #tpu.memory_space<hbm>>
    tpu.enqueue_indirect_dma source(%dma_start3A_575 : memref<576x1024xf32, #tpu.memory_space<hbm>>) target(%arg6 : memref<32x1024xf32, #tpu.memory_space<vmem>>) offsets(%dma_start3A_572 : memref<32xi32, #tpu.memory_space<vmem>>) semaphore(%arg9 : memref<!tpu.dma_semaphore, #tpu.memory_space<semaphore_mem>>)
    %dma_wait3A_576 = arith.constant 896 : i32
    %dma_wait3A_577 = tpu.memref_slice %arg5[%dma_wait3A_576] : memref<1024xi32, #tpu.memory_space<vmem>> -> memref<32xi32, #tpu.memory_space<vmem>>
    %dma_wait3A_578 = arith.constant 0 : i32
    %dma_wait3A_579 = arith.constant 0 : i32
    %dma_wait3A_580 = tpu.memref_slice %arg2[%dma_wait3A_578, %dma_wait3A_579] : memref<576x1024xf32, #tpu.memory_space<hbm>> -> memref<576x1024xf32, #tpu.memory_space<hbm>>
    tpu.wait_indirect_dma semaphore(%arg10 : memref<!tpu.dma_semaphore, #tpu.memory_space<semaphore_mem>>) src(%dma_wait3A_580 : memref<576x1024xf32, #tpu.memory_space<hbm>>) dst(%arg7 : memref<32x1024xf32, #tpu.memory_space<vmem>>)
    %add3A_581 = arith.constant 896 : i32
    %add3A_582 = arith.addi %mul3A_2, %add3A_581 : i32
    %dma_start3A_583 = arith.constant 0 : i32
    %dma_start3A_584 = tpu.memref_slice %arg4[%add3A_582, %dma_start3A_583] : memref<32768x1024xf32, #tpu.memory_space<hbm>> -> memref<32x1024xf32, #tpu.memory_space<hbm>>
    %dma_start3A_585 = arith.constant 0 : i32
    %dma_start3A_586 = tpu.memref_slice %arg4[%add3A_582, %dma_start3A_585] : memref<32768x1024xf32, #tpu.memory_space<hbm>> -> memref<32x1024xf32, #tpu.memory_space<hbm>>
    tpu.enqueue_dma source(%arg7 : memref<32x1024xf32, #tpu.memory_space<vmem>>) target(%dma_start3A_586 : memref<32x1024xf32, #tpu.memory_space<hbm>>) target_semaphore(%arg13 : memref<!tpu.dma_semaphore, #tpu.memory_space<semaphore_mem>>)
    %dma_wait3A_587 = arith.constant 0 : i32
    %dma_wait3A_588 = tpu.memref_slice %arg4[%add3A_582, %dma_wait3A_587] : memref<32768x1024xf32, #tpu.memory_space<hbm>> -> memref<32x1024xf32, #tpu.memory_space<hbm>>
    %dma_wait3A_589 = arith.constant 0 : i32
    %dma_wait3A_590 = tpu.memref_slice %arg4[%add3A_582, %dma_wait3A_589] : memref<32768x1024xf32, #tpu.memory_space<hbm>> -> memref<32x1024xf32, #tpu.memory_space<hbm>>
    tpu.wait_dma2 semaphore(%arg13 : memref<!tpu.dma_semaphore, #tpu.memory_space<semaphore_mem>>) src(%arg7 : memref<32x1024xf32, #tpu.memory_space<vmem>>) dst(%dma_wait3A_590 : memref<32x1024xf32, #tpu.memory_space<hbm>>)
    %dma_start3A_591 = arith.constant 992 : i32
    %dma_start3A_592 = tpu.memref_slice %arg5[%dma_start3A_591] : memref<1024xi32, #tpu.memory_space<vmem>> -> memref<32xi32, #tpu.memory_space<vmem>>
    %dma_start3A_593 = arith.constant 0 : i32
    %dma_start3A_594 = arith.constant 0 : i32
    %dma_start3A_595 = tpu.memref_slice %arg2[%dma_start3A_593, %dma_start3A_594] : memref<576x1024xf32, #tpu.memory_space<hbm>> -> memref<576x1024xf32, #tpu.memory_space<hbm>>
    tpu.enqueue_indirect_dma source(%dma_start3A_595 : memref<576x1024xf32, #tpu.memory_space<hbm>>) target(%arg7 : memref<32x1024xf32, #tpu.memory_space<vmem>>) offsets(%dma_start3A_592 : memref<32xi32, #tpu.memory_space<vmem>>) semaphore(%arg10 : memref<!tpu.dma_semaphore, #tpu.memory_space<semaphore_mem>>)
    %dma_wait3A_596 = arith.constant 928 : i32
    %dma_wait3A_597 = tpu.memref_slice %arg5[%dma_wait3A_596] : memref<1024xi32, #tpu.memory_space<vmem>> -> memref<32xi32, #tpu.memory_space<vmem>>
    %dma_wait3A_598 = arith.constant 0 : i32
    %dma_wait3A_599 = arith.constant 0 : i32
    %dma_wait3A_600 = tpu.memref_slice %arg2[%dma_wait3A_598, %dma_wait3A_599] : memref<576x1024xf32, #tpu.memory_space<hbm>> -> memref<576x1024xf32, #tpu.memory_space<hbm>>
    tpu.wait_indirect_dma semaphore(%arg11 : memref<!tpu.dma_semaphore, #tpu.memory_space<semaphore_mem>>) src(%dma_wait3A_600 : memref<576x1024xf32, #tpu.memory_space<hbm>>) dst(%arg8 : memref<32x1024xf32, #tpu.memory_space<vmem>>)
    %add3A_601 = arith.constant 928 : i32
    %add3A_602 = arith.addi %mul3A_2, %add3A_601 : i32
    %dma_start3A_603 = arith.constant 0 : i32
    %dma_start3A_604 = tpu.memref_slice %arg4[%add3A_602, %dma_start3A_603] : memref<32768x1024xf32, #tpu.memory_space<hbm>> -> memref<32x1024xf32, #tpu.memory_space<hbm>>
    %dma_start3A_605 = arith.constant 0 : i32
    %dma_start3A_606 = tpu.memref_slice %arg4[%add3A_602, %dma_start3A_605] : memref<32768x1024xf32, #tpu.memory_space<hbm>> -> memref<32x1024xf32, #tpu.memory_space<hbm>>
    tpu.enqueue_dma source(%arg8 : memref<32x1024xf32, #tpu.memory_space<vmem>>) target(%dma_start3A_606 : memref<32x1024xf32, #tpu.memory_space<hbm>>) target_semaphore(%arg14 : memref<!tpu.dma_semaphore, #tpu.memory_space<semaphore_mem>>)
    %dma_wait3A_607 = arith.constant 960 : i32
    %dma_wait3A_608 = tpu.memref_slice %arg5[%dma_wait3A_607] : memref<1024xi32, #tpu.memory_space<vmem>> -> memref<32xi32, #tpu.memory_space<vmem>>
    %dma_wait3A_609 = arith.constant 0 : i32
    %dma_wait3A_610 = arith.constant 0 : i32
    %dma_wait3A_611 = tpu.memref_slice %arg2[%dma_wait3A_609, %dma_wait3A_610] : memref<576x1024xf32, #tpu.memory_space<hbm>> -> memref<576x1024xf32, #tpu.memory_space<hbm>>
    tpu.wait_indirect_dma semaphore(%arg9 : memref<!tpu.dma_semaphore, #tpu.memory_space<semaphore_mem>>) src(%dma_wait3A_611 : memref<576x1024xf32, #tpu.memory_space<hbm>>) dst(%arg6 : memref<32x1024xf32, #tpu.memory_space<vmem>>)
    %add3A_612 = arith.constant 960 : i32
    %add3A_613 = arith.addi %mul3A_2, %add3A_612 : i32
    %dma_start3A_614 = arith.constant 0 : i32
    %dma_start3A_615 = tpu.memref_slice %arg4[%add3A_613, %dma_start3A_614] : memref<32768x1024xf32, #tpu.memory_space<hbm>> -> memref<32x1024xf32, #tpu.memory_space<hbm>>
    %dma_start3A_616 = arith.constant 0 : i32
    %dma_start3A_617 = tpu.memref_slice %arg4[%add3A_613, %dma_start3A_616] : memref<32768x1024xf32, #tpu.memory_space<hbm>> -> memref<32x1024xf32, #tpu.memory_space<hbm>>
    tpu.enqueue_dma source(%arg6 : memref<32x1024xf32, #tpu.memory_space<vmem>>) target(%dma_start3A_617 : memref<32x1024xf32, #tpu.memory_space<hbm>>) target_semaphore(%arg12 : memref<!tpu.dma_semaphore, #tpu.memory_space<semaphore_mem>>)
    %dma_wait3A_618 = arith.constant 992 : i32
    %dma_wait3A_619 = tpu.memref_slice %arg5[%dma_wait3A_618] : memref<1024xi32, #tpu.memory_space<vmem>> -> memref<32xi32, #tpu.memory_space<vmem>>
    %dma_wait3A_620 = arith.constant 0 : i32
    %dma_wait3A_621 = arith.constant 0 : i32
    %dma_wait3A_622 = tpu.memref_slice %arg2[%dma_wait3A_620, %dma_wait3A_621] : memref<576x1024xf32, #tpu.memory_space<hbm>> -> memref<576x1024xf32, #tpu.memory_space<hbm>>
    tpu.wait_indirect_dma semaphore(%arg10 : memref<!tpu.dma_semaphore, #tpu.memory_space<semaphore_mem>>) src(%dma_wait3A_622 : memref<576x1024xf32, #tpu.memory_space<hbm>>) dst(%arg7 : memref<32x1024xf32, #tpu.memory_space<vmem>>)
    %add3A_623 = arith.constant 992 : i32
    %add3A_624 = arith.addi %mul3A_2, %add3A_623 : i32
    %dma_start3A_625 = arith.constant 0 : i32
    %dma_start3A_626 = tpu.memref_slice %arg4[%add3A_624, %dma_start3A_625] : memref<32768x1024xf32, #tpu.memory_space<hbm>> -> memref<32x1024xf32, #tpu.memory_space<hbm>>
    %dma_start3A_627 = arith.constant 0 : i32
    %dma_start3A_628 = tpu.memref_slice %arg4[%add3A_624, %dma_start3A_627] : memref<32768x1024xf32, #tpu.memory_space<hbm>> -> memref<32x1024xf32, #tpu.memory_space<hbm>>
    tpu.enqueue_dma source(%arg7 : memref<32x1024xf32, #tpu.memory_space<vmem>>) target(%dma_start3A_628 : memref<32x1024xf32, #tpu.memory_space<hbm>>) target_semaphore(%arg13 : memref<!tpu.dma_semaphore, #tpu.memory_space<semaphore_mem>>)
    %dma_wait3A_629 = arith.constant 0 : i32
    %dma_wait3A_630 = tpu.memref_slice %arg4[%add3A_602, %dma_wait3A_629] : memref<32768x1024xf32, #tpu.memory_space<hbm>> -> memref<32x1024xf32, #tpu.memory_space<hbm>>
    %dma_wait3A_631 = arith.constant 0 : i32
    %dma_wait3A_632 = tpu.memref_slice %arg4[%add3A_602, %dma_wait3A_631] : memref<32768x1024xf32, #tpu.memory_space<hbm>> -> memref<32x1024xf32, #tpu.memory_space<hbm>>
    tpu.wait_dma2 semaphore(%arg14 : memref<!tpu.dma_semaphore, #tpu.memory_space<semaphore_mem>>) src(%arg8 : memref<32x1024xf32, #tpu.memory_space<vmem>>) dst(%dma_wait3A_632 : memref<32x1024xf32, #tpu.memory_space<hbm>>)
    %dma_wait3A_633 = arith.constant 0 : i32
    %dma_wait3A_634 = tpu.memref_slice %arg4[%add3A_613, %dma_wait3A_633] : memref<32768x1024xf32, #tpu.memory_space<hbm>> -> memref<32x1024xf32, #tpu.memory_space<hbm>>
    %dma_wait3A_635 = arith.constant 0 : i32
    %dma_wait3A_636 = tpu.memref_slice %arg4[%add3A_613, %dma_wait3A_635] : memref<32768x1024xf32, #tpu.memory_space<hbm>> -> memref<32x1024xf32, #tpu.memory_space<hbm>>
    tpu.wait_dma2 semaphore(%arg12 : memref<!tpu.dma_semaphore, #tpu.memory_space<semaphore_mem>>) src(%arg6 : memref<32x1024xf32, #tpu.memory_space<vmem>>) dst(%dma_wait3A_636 : memref<32x1024xf32, #tpu.memory_space<hbm>>)
    %dma_wait3A_637 = arith.constant 0 : i32
    %dma_wait3A_638 = tpu.memref_slice %arg4[%add3A_624, %dma_wait3A_637] : memref<32768x1024xf32, #tpu.memory_space<hbm>> -> memref<32x1024xf32, #tpu.memory_space<hbm>>
    %dma_wait3A_639 = arith.constant 0 : i32
    %dma_wait3A_640 = tpu.memref_slice %arg4[%add3A_624, %dma_wait3A_639] : memref<32768x1024xf32, #tpu.memory_space<hbm>> -> memref<32x1024xf32, #tpu.memory_space<hbm>>
    tpu.wait_dma2 semaphore(%arg13 : memref<!tpu.dma_semaphore, #tpu.memory_space<semaphore_mem>>) src(%arg7 : memref<32x1024xf32, #tpu.memory_space<vmem>>) dst(%dma_wait3A_640 : memref<32x1024xf32, #tpu.memory_space<hbm>>)
    return
  }
}

module attributes {stable_mosaic.version = 14 : i64} {
  func.func @_prep_kernel(%arg0: memref<256x128xi32, #tpu.memory_space<vmem>>, %arg1: memref<256x128xi32, #tpu.memory_space<vmem>>, %arg2: memref<9x1024xf32, #tpu.memory_space<vmem>>, %arg3: memref<2x1024xf32, #tpu.memory_space<vmem>>, %arg4: memref<1x1024xf32, #tpu.memory_space<vmem>>, %arg5: memref<1x1024xf32, #tpu.memory_space<vmem>>, %arg6: memref<256x128xi32, #tpu.memory_space<vmem>>, %arg7: memref<576x1024xf32, #tpu.memory_space<vmem>>) attributes {dimension_semantics = [], scalar_prefetch = 0 : i64, scratch_operands = 0 : i64, tpu.core_type = #tpu.core_type<tc>} {
    %get3A = arith.constant 0 : index
    %get3A_0 = arith.constant 0 : index
    %get3A_1 = vector.load %arg2[%get3A, %get3A_0] : memref<9x1024xf32, #tpu.memory_space<vmem>>, vector<9x1024xf32>
    %get3A_2 = arith.constant 0 : index
    %get3A_3 = arith.constant 0 : index
    %get3A_4 = vector.load %arg3[%get3A_2, %get3A_3] : memref<2x1024xf32, #tpu.memory_space<vmem>>, vector<1x1024xf32>
    %get3A_5 = arith.constant 1 : index
    %get3A_6 = arith.constant 0 : index
    %get3A_7 = vector.load %arg3[%get3A_5, %get3A_6] : memref<2x1024xf32, #tpu.memory_space<vmem>>, vector<1x1024xf32>
    %add3A = vector.broadcast %get3A_4 : vector<1x1024xf32> to vector<9x1024xf32>
    %add3A_8 = arith.addf %get3A_1, %add3A : vector<9x1024xf32>
    %add3A_9 = vector.broadcast %get3A_7 : vector<1x1024xf32> to vector<9x1024xf32>
    %add3A_10 = arith.addf %get3A_1, %add3A_9 : vector<9x1024xf32>
    %concatenate3A = tpu.concatenate %add3A_8, %add3A_10 in 0 : vector<9x1024xf32>, vector<9x1024xf32> -> vector<18x1024xf32>
    %reduce_sum3A = arith.constant dense<0.000000e+00> : vector<18xf32>
    %reduce_sum3A_11 = vector.multi_reduction <add>, %concatenate3A, %reduce_sum3A [1] : vector<18x1024xf32> to vector<18xf32>
    %broadcast_in_dim3A = vector.shape_cast %reduce_sum3A_11 : vector<18xf32> to vector<18x1xf32>
    %div3A = arith.constant 1.024000e+03 : f32
    %div3A_12 = vector.broadcast %div3A : f32 to vector<18x1xf32>
    %div3A_13 = arith.divf %broadcast_in_dim3A, %div3A_12 : vector<18x1xf32>
    %sub3A = vector.broadcast %div3A_13 : vector<18x1xf32> to vector<18x1024xf32>
    %sub3A_14 = arith.subf %concatenate3A, %sub3A : vector<18x1024xf32>
    %mul3A = arith.mulf %sub3A_14, %sub3A_14 : vector<18x1024xf32>
    %reduce_sum3A_15 = arith.constant dense<0.000000e+00> : vector<18xf32>
    %reduce_sum3A_16 = vector.multi_reduction <add>, %mul3A, %reduce_sum3A_15 [1] : vector<18x1024xf32> to vector<18xf32>
    %broadcast_in_dim3A_17 = vector.shape_cast %reduce_sum3A_16 : vector<18xf32> to vector<18x1xf32>
    %div3A_18 = arith.constant 1.024000e+03 : f32
    %div3A_19 = vector.broadcast %div3A_18 : f32 to vector<18x1xf32>
    %div3A_20 = arith.divf %broadcast_in_dim3A_17, %div3A_19 : vector<18x1xf32>
    %add3A_21 = arith.constant 9.99999974E-6 : f32
    %add3A_22 = vector.broadcast %add3A_21 : f32 to vector<18x1xf32>
    %add3A_23 = arith.addf %div3A_20, %add3A_22 : vector<18x1xf32>
    %rsqrt3A = math.rsqrt %add3A_23 : vector<18x1xf32>
    %mul3A_24 = vector.broadcast %rsqrt3A : vector<18x1xf32> to vector<18x1024xf32>
    %mul3A_25 = arith.mulf %sub3A_14, %mul3A_24 : vector<18x1024xf32>
    %get3A_26 = arith.constant 0 : index
    %get3A_27 = arith.constant 0 : index
    %get3A_28 = vector.load %arg4[%get3A_26, %get3A_27] : memref<1x1024xf32, #tpu.memory_space<vmem>>, vector<1x1024xf32>
    %mul3A_29 = vector.broadcast %get3A_28 : vector<1x1024xf32> to vector<18x1024xf32>
    %mul3A_30 = arith.mulf %mul3A_25, %mul3A_29 : vector<18x1024xf32>
    %get3A_31 = arith.constant 0 : index
    %get3A_32 = arith.constant 0 : index
    %get3A_33 = vector.load %arg5[%get3A_31, %get3A_32] : memref<1x1024xf32, #tpu.memory_space<vmem>>, vector<1x1024xf32>
    %add3A_34 = vector.broadcast %get3A_33 : vector<1x1024xf32> to vector<18x1024xf32>
    %add3A_35 = arith.addf %mul3A_30, %add3A_34 : vector<18x1024xf32>
    %broadcast_in_dim3A_36 = vector.shape_cast %add3A_35 : vector<18x1024xf32> to vector<1x18x1024xf32>
    %broadcast_in_dim3A_37 = vector.shape_cast %broadcast_in_dim3A_36 : vector<1x18x1024xf32> to vector<1x18x1024xf32>
    %broadcast_in_dim3A_38 = vector.broadcast %broadcast_in_dim3A_37 : vector<1x18x1024xf32> to vector<32x18x1024xf32>
    %reshape3A = vector.shape_cast %broadcast_in_dim3A_38 : vector<32x18x1024xf32> to vector<576x1024xf32>
    %swap3A = arith.constant 0 : index
    %swap3A_39 = arith.constant 0 : index
    %swap3A_40 = vector.load %arg7[%swap3A, %swap3A_39] : memref<576x1024xf32, #tpu.memory_space<vmem>>, vector<576x1024xf32>
    tpu.vector_store %arg7[%swap3A, %swap3A_39], %reshape3A {strides = array<i32>} : memref<576x1024xf32, #tpu.memory_space<vmem>>, vector<576x1024xf32>,
    %iota3A = tpu.iota {dimensions = array<i32: 0>} : vector<256x128xi32>
    %jit3A = arith.constant 8 : i32
    %div3A_41 = vector.broadcast %jit3A : i32 to vector<256x128xi32>
    %div3A_42 = arith.divsi %iota3A, %div3A_41 : vector<256x128xi32>
    %sign3A = arith.constant 0 : i32
    %sign3A_43 = vector.broadcast %sign3A : i32 to vector<256x128xi32>
    %sign3A_44 = arith.cmpi sgt, %iota3A, %sign3A_43 : vector<256x128xi32>
    %sign3A_45 = arith.extui %sign3A_44 : vector<256x128xi1> to vector<256x128xi32>
    %sign3A_46 = arith.constant 0 : i32
    %sign3A_47 = vector.broadcast %sign3A_46 : i32 to vector<256x128xi32>
    %sign3A_48 = arith.cmpi slt, %iota3A, %sign3A_47 : vector<256x128xi32>
    %sign3A_49 = arith.extui %sign3A_48 : vector<256x128xi1> to vector<256x128xi32>
    %sign3A_50 = arith.subi %sign3A_45, %sign3A_49 : vector<256x128xi32>
    %sign3A_51 = arith.constant 0 : i32
    %sign3A_52 = arith.cmpi sgt, %jit3A, %sign3A_51 : i32
    %sign3A_53 = arith.extui %sign3A_52 : i1 to i32
    %sign3A_54 = arith.constant 0 : i32
    %sign3A_55 = arith.cmpi slt, %jit3A, %sign3A_54 : i32
    %sign3A_56 = arith.extui %sign3A_55 : i1 to i32
    %sign3A_57 = arith.subi %sign3A_53, %sign3A_56 : i32
    %ne3A = vector.broadcast %sign3A_57 : i32 to vector<256x128xi32>
    %ne3A_58 = arith.cmpi ne, %sign3A_50, %ne3A : vector<256x128xi32>
    %rem3A = vector.broadcast %jit3A : i32 to vector<256x128xi32>
    %rem3A_59 = arith.remsi %iota3A, %rem3A : vector<256x128xi32>
    %ne3A_60 = arith.constant 0 : i32
    %ne3A_61 = vector.broadcast %ne3A_60 : i32 to vector<256x128xi32>
    %ne3A_62 = arith.cmpi ne, %rem3A_59, %ne3A_61 : vector<256x128xi32>
    %and3A = arith.andi %ne3A_58, %ne3A_62 : vector<256x128xi1>
    %sub3A_63 = arith.constant 1 : i32
    %sub3A_64 = vector.broadcast %sub3A_63 : i32 to vector<256x128xi32>
    %sub3A_65 = arith.subi %div3A_42, %sub3A_64 : vector<256x128xi32>
    %select_n3A = arith.select %and3A, %sub3A_65, %div3A_42 : vector<256x128xi1>, vector<256x128xi32>
    %get3A_66 = arith.constant 0 : index
    %get3A_67 = arith.constant 0 : index
    %get3A_68 = vector.load %arg0[%get3A_66, %get3A_67] : memref<256x128xi32, #tpu.memory_space<vmem>>, vector<256x128xi32>
    %get3A_69 = arith.constant 0 : index
    %get3A_70 = arith.constant 0 : index
    %get3A_71 = vector.load %arg1[%get3A_69, %get3A_70] : memref<256x128xi32, #tpu.memory_space<vmem>>, vector<256x128xi32>
    %mul3A_72 = arith.constant 9 : i32
    %mul3A_73 = vector.broadcast %mul3A_72 : i32 to vector<256x128xi32>
    %mul3A_74 = arith.muli %mul3A_73, %get3A_71 : vector<256x128xi32>
    %add3A_75 = arith.addi %get3A_68, %mul3A_74 : vector<256x128xi32>
    %mul3A_76 = arith.constant 18 : i32
    %mul3A_77 = vector.broadcast %mul3A_76 : i32 to vector<256x128xi32>
    %mul3A_78 = arith.muli %mul3A_77, %select_n3A : vector<256x128xi32>
    %add3A_79 = arith.addi %add3A_75, %mul3A_78 : vector<256x128xi32>
    %swap3A_80 = arith.constant 0 : index
    %swap3A_81 = arith.constant 0 : index
    %swap3A_82 = vector.load %arg6[%swap3A_80, %swap3A_81] : memref<256x128xi32, #tpu.memory_space<vmem>>, vector<256x128xi32>
    tpu.vector_store %arg6[%swap3A_80, %swap3A_81], %add3A_79 {strides = array<i32>} : memref<256x128xi32, #tpu.memory_space<vmem>>, vector<256x128xi32>,
    return
  }
}

</mosaic_0001>

<sc_bundles>
// kernel: kernel.4.cloned.1.call-start
scs
__scs_entry_jumppad:
0x0: {  	(pc) =	sbr.rel $0x88, $3  }
0x1: {  	(tag) =	ssettag $0x0;
	lr =	simm.s32 $0x1  }
0x2: {  	[smem:$0x3F9B] =	sst lr;
	_ =	strace $0xD0000000  }
0x3: {  	_ = 	snop  }
0x4: {  	_ = 	snop  }
0x5: {  	_ = 	snop  }
0x6: {  	_ = 	snop  }
0x7: {  	_ = 	snop  }
__scs_overlays_trampoline_lowered:
0x8: {  	[smem:$0x3FAA] =	sst s0  }
0x9: {  	[smem:$0x3FAB] =	sst s1  }
0xa: {  	[smem:$0x3FAC] =	sst s2  }
0xb: {  	[smem:$0x3FAD] =	sst s3  }
0xc: {  	[smem:$0x3FAE] =	sst s4  }
0xd: {  	[smem:$0x3FAF] =	sst s5  }
0xe: {  	[smem:$0x3FB0] =	sst s6  }
0xf: {  	[smem:$0x3FB1] =	sst s7  }
0x10: {  	[smem:$0x3FB2] =	sst s8  }
0x11: {  	[smem:$0x3FB3] =	sst s9;
	s0 =	simm.s32 @!p0 $0x0  }
0x12: {  	s1 =	sld [smem:$0x3F99];
	s0 =	simm.s32 @p0 $0x1  }
0x13: {  	[smem:$0x3FB4] =	sst s0;
	s0 =	simm.s32 @!p1 $0x0  }
0x14: {  	s2 =	sld [smem:$0x3F98];
	s0 =	simm.s32 @p1 $0x1  }
0x15: {  	[smem:$0x3FB5] =	sst s0;
	s0 =	simm.s32 @!p2 $0x0  }
0x16: {  	s3 =	sld [smem:$0x3FDB];
	s0 =	simm.s32 @p2 $0x1  }
0x17: {  	s4 =	simm.s32 $0x1BF5;
	[smem:$0x3FB7] =	sst s0  }
0x18: {  	s0 =	sld [smem:$0x3F9A];
	_ =	swait.ge [sflag:s4], $0x0  }
0x19: {  	s7 =	sld [smem:$0x3F9B]  }
0x1a: {  	s8 =	sadd.s32 $0xFFFFE003, lr  }
0x1b: {  	s9 =	sadd.s32 $0xFFFFFEF7, lr;
	s5 =	simm.s32 $0xFFFFFFFF;
	p2 =	slt.u32 s8, $0xFFFFF086  }
0x1c: {  	p1 =	slt.u32 s9, $0xF7A;
	s5 =	simm.s32 @!p2 $0x0  }
0x1d: {  	s5 =	simm.s32 @p1 $0x1;
	p0 =	seq.s32 s7, s2  }
0x1e: {  	s7 =	smul.u32 @!p0 $0xF7A, s2;
	p2 =	seq.s32 @!p0 s5, $0x0  }
0x1f: {  	s9 =	smul.u32 $0xF7A, s1;
	s8 =	simm.s32 @!p0 $0x1BF5;
	p2 =	por !p2, p0  }
0x20: {  	[sflag:s8] =	ssyncset.s32 @!p0 $0xFFFFF086;
	s6 =	sadd.s32 @!p0 s3, s7;
	s7 =	simm.s32 @!p0 $0x108  }
0x21: {  	s3 =	sadd.s32 s3, s9;
	s6 =	sadd.s32 @!p0 $0x88, s6;
	s7 =	simm.s32 @p2 $0x1082  }
0x22: {  	[simem:s7], [sflag:s8] =	dma.local @!p0 [hbm:s6], $0xF7A  }
0x23: {  	s9 =	sor.u32 $0xD0000000, s2;
	s6 =	simm.s32 $0x108;
	_ =	swait.ge @!p0 [sflag:s8], $0x0  }
0x24: {  	s3 =	sadd.s32 $0x88, s3;
	s6 =	simm.s32 @!p1 $0x1082;
	[sflag:s4] =	ssyncset.s32 $0xFFFFF086  }
0x25: {  	[simem:s6], [sflag:s4] =	dma.local [hbm:s3], $0xF7A  }
0x26: {  	[smem:$0x3F9B] =	sst s1;
	(tag) =	ssettag s2;
	_ =	strace s9  }
0x27: {  	s1 =	sld [smem:$0x3FAB]  }
0x28: {  	s2 =	sld [smem:$0x3FAC]  }
0x29: {  	s4 =	sld [smem:$0x3FAE]  }
0x2a: {  	p0 =	seq.s32 s5, $0x0;
	s5 =	sld [smem:$0x3FAF]  }
0x2b: {  	s6 =	sld [smem:$0x3FB0]  }
0x2c: {  	s7 =	sld [smem:$0x3FB1]  }
0x2d: {  	s3 =	simm.s32 $0x108;
	s8 =	sld [smem:$0x3FB2]  }
0x2e: {  	s3 =	simm.s32 @!p0 $0x1082;
	s9 =	sld [smem:$0x3FB3]  }
0x2f: {  	lr =	sadd.s32 s0, s3;
	s0 =	sld [smem:$0x3FAA]  }
0x30: {  	s3 =	sld [smem:$0x3FAD]  }
0x31: {  	[smem:$0x3FB6] =	sst s10  }
0x32: {  	s10 =	sld [smem:$0x3FB4];
	_ =	sdelay $0x3  }
0x33: {  	p0 =	seq.s32 s10, $0x1;
	s10 =	sld [smem:$0x3FB6];
	_ =	sdelay $0x3  }
0x34: {  	[smem:$0x3FB6] =	sst s10  }
0x35: {  	s10 =	sld [smem:$0x3FB5];
	_ =	sdelay $0x3  }
0x36: {  	p1 =	seq.s32 s10, $0x1;
	s10 =	sld [smem:$0x3FB6];
	_ =	sdelay $0x3  }
0x37: {  	[smem:$0x3FB6] =	sst s10  }
0x38: {  	s10 =	sld [smem:$0x3FB7]  }
0x39: {  	_ = 	snop;
	(pc) =	sbr.ind lr, $3  }
0x3a: {  	_ = 	snop  }
0x3b: {  	_ = 	snop  }
0x3c: {  	p2 =	seq.s32 s10, $0x1;
	s10 =	sld [smem:$0x3FB6]  }
0x3d: {  	_ =	shalt  }
0x3e: {  	_ =	shalt  }
0x3f: {  	_ =	shalt  }
0x40: {  	_ =	shalt  }
0x41: {  	_ =	shalt  }
0x42: {  	_ =	shalt  }
0x43: {  	_ =	shalt  }
0x44: {  	_ =	shalt  }
0x45: {  	_ =	shalt  }
0x46: {  	_ =	shalt  }
0x47: {  	_ =	shalt  }
0x48: {  	_ =	shalt  }
0x49: {  	_ =	shalt  }
0x4a: {  	_ =	shalt  }
0x4b: {  	_ =	shalt  }
0x4c: {  	_ =	shalt  }
0x4d: {  	_ =	shalt  }
0x4e: {  	_ =	shalt  }
0x4f: {  	_ =	shalt  }
0x50: {  	_ =	shalt  }
0x51: {  	_ =	shalt  }
0x52: {  	_ =	shalt  }
0x53: {  	_ =	shalt  }
0x54: {  	_ =	shalt  }
0x55: {  	_ =	shalt  }
0x56: {  	_ =	shalt  }
0x57: {  	_ =	shalt  }
0x58: {  	_ =	shalt  }
0x59: {  	_ =	shalt  }
0x5a: {  	_ =	shalt  }
0x5b: {  	_ =	shalt  }
0x5c: {  	_ =	shalt  }
0x5d: {  	_ =	shalt  }
0x5e: {  	_ =	shalt  }
0x5f: {  	_ =	shalt  }
0x60: {  	_ =	shalt  }
0x61: {  	_ =	shalt  }
0x62: {  	_ =	shalt  }
0x63: {  	_ =	shalt  }
0x64: {  	_ =	shalt  }
0x65: {  	_ =	shalt  }
0x66: {  	_ =	shalt  }
0x67: {  	_ =	shalt  }
0x68: {  	_ =	shalt  }
0x69: {  	_ =	shalt  }
0x6a: {  	_ =	shalt  }
0x6b: {  	_ =	shalt  }
0x6c: {  	_ =	shalt  }
0x6d: {  	_ =	shalt  }
0x6e: {  	_ =	shalt  }
0x6f: {  	_ =	shalt  }
0x70: {  	_ =	shalt  }
0x71: {  	_ =	shalt  }
0x72: {  	_ =	shalt  }
0x73: {  	_ =	shalt  }
0x74: {  	_ =	shalt  }
0x75: {  	_ =	shalt  }
0x76: {  	_ =	shalt  }
0x77: {  	_ =	shalt  }
0x78: {  	_ =	shalt  }
0x79: {  	_ =	shalt  }
0x7a: {  	_ =	shalt  }
0x7b: {  	_ =	shalt  }
0x7c: {  	_ =	shalt  }
0x7d: {  	_ =	shalt  }
0x7e: {  	_ =	shalt  }
0x7f: {  	_ =	shalt  }
0x80: {  	_ =	shalt  }
0x81: {  	_ =	shalt  }
0x82: {  	_ =	shalt  }
0x83: {  	_ =	shalt  }
0x84: {  	_ =	shalt  }
0x85: {  	_ =	shalt  }
0x86: {  	_ =	shalt  }
0x87: {  	_ =	shalt  }
.Lfunc_end0:
.L_simem_size_0:
called_computation_lowered:
.L_overlay_start_0:
0x88: {  	s2 =	sld [smem:$0x3FD9]  }
0x89: {  	s3 =	sld [smem:$0x3FFE];
	_ =	sdelay $0x1  }
0x8a: {  	s1 =	srdreg.scid  }
0x8b: {  	s0 =	sand.u32 $0x1, s1  }
0x8c: {  	s17 =	sshll.u32 s0, $0xA;
	s2 =	sadd.s32 s3, s2  }
0x8d: {  	s2 =	sadd.s32 s2, s17  }
0x8e: {  	[smem:$0x3FC2] =	sst s2  }
0x8f: {  	_ = 	snop  }
0x90: {  	s2 =	sld [smem:$0x3FD0];
	(tm) =	ssettm $0x1  }
0x91: {  	s18 =	sld [smem:$0x3FFB];
	_ =	sdelay $0x3  }
0x92: {  	_ =	strace s18  }
0x93: {  	s3 =	sld [smem:$0x3FFC];
	_ =	sdelay $0x3  }
0x94: {  	_ =	strace s3  }
0x95: {  	s3 =	sld [smem:$0x3FFD];
	_ =	sdelay $0x3  }
0x96: {  	_ =	strace s3  }
0x97: {  	_ =	strace $0x8FFFFFFF  }
0x98: {  	s19 =	sld [smem:$0x3FDB];
	_ =	sdelay $0x1  }
0x99: {  	s4 =	simm.s32 $_scs_section_size  }
0x9a: {  	s5 =	simm.s32 $_size__tile_overlayer_lowered;
	s6 =	simm.s32 $_tile_overlayer_lowered  }
0x9b: {  	s22 =	simm.s32 $0x1BFF;
	s21 =	sshll.u32 s6, $0x1;
	s3 =	sadd.s32 s4, s19  }
0x9c: {  	s7 =	simm.s32 $0x0;
	s20 =	sshll.u32 s5, $0x1;
	s5 =	sadd.s32 s21, s3  }
0x9d: {  	[timem:s7], [sflag:s22] =	dma.local [hbm:s5], s20  }
0x9e: {  	_ =	swait.ge [sflag:s22], s20  }
0x9f: {  	s4 =	ssub.s32 $0x0, s20;
	[sflag:s22] =	ssyncset.done $0x0  }
0xa0: {  	[sflag:s22] =	ssyncadd.s32 s4;
	_ =	sdelay $0x1  }
0xa1: {  	s23 =	simm.s32 $0x1B8B  }
0xa2: {  	_ =	swait.ge [sflag:s23], $0x1  }
0xa3: {  	[sflag:s23] =	ssyncset.done $0x0  }
0xa4: {  	s25 =	simm.s32 $0x1B8E;
	s24 =	sld [smem:$0x3FFE];
	[sflag:s23] =	ssyncadd.s32 $0xFFFFFFFF  }
0xa5: {  	s26 =	simm.s32 $execute0_lowered;
	[smem:$0x3FD2] =	sst s25  }
0xa6: {  	s5 =	sshll.u32 s26, $0x1;
	_ =	strace $0x80000046;
	[dreg:$0x1] =	wrdreg $0xFFFFFFFF  }
0xa7: {  	s28 =	simm.s32 $_size_execute0_lowered;
	s3 =	sadd.s32 s3, s5;
	[dreg:$0x0] =	wrdreg $0x0  }
0xa8: {  	s5 =	sshll.u32 s28, $0x1;
	[dreg:$0x2] =	wrdreg s3  }
0xa9: {  	[dreg:$0x3] =	wrdreg s5  }
0xaa: {  	[dreg:$0x4] =	wrdreg $0xC0  }
0xab: {  	_ =	task [dreg:s7], $0x5FFFF  }
0xac: {  	[dreg:$0x1] =	wrdreg $0xFFFFFFFF  }
0xad: {  	[dreg:$0x0] =	wrdreg $0x60  }
0xae: {  	[dreg:$0x2] =	wrdreg s24  }
0xaf: {  	[dreg:$0x3] =	wrdreg s2  }
0xb0: {  	[dreg:$0x4] =	wrdreg $0x9  }
0xb1: {  	_ =	task.clear_ibuf [dreg:s7], $0x5FFFF;
	_ =	strace $0x90000046  }
0xb2: {  	s29 =	simm.s32 $0x9;
	_ =	strace $0x80000048  }
0xb3: {  	_ =	swait.ge [sflag:s29], $0x1  }
0xb4: {  	[sflag:s29] =	ssyncadd.s32 $0xFFFFFFFF  }
0xb5: {  	_ =	strace $0x90000048  }
0xb6: {  	_ =	sfence  }
0xb7: {  	s30 =	sld [smem:$0x0];
	_ =	sdelay $0x2  }
0xb8: {  	s31 =	sshll.u32 s1, $0xD;
	s1 =	sshrl.u32 s1, $0x2  }
0xb9: {  	s3 =	sand.u32 $0x4000, s31;
	s1 =	sadd.s32 s1, s30  }
0xba: {  	s0 =	sor.u32 s3, s0;
	s1 =	sshll.u32 s1, $0x11  }
0xbb: {  	s0 =	sor.u32 s1, s0  }
0xbc: {  	s0 =	sadd.s32 $0x8F2B, s0  }
0xbd: {  	[sflag:s0] =	ssyncadd.remote.s32 $0x1  }
0xbe: {  	_ =	sfence.sel $0xFFFF  }
0xbf: {  	[dreg:$0x0] =	wrdreg $0xFFFFFFFF;
	(pc) =	sbr.abs _section_cstart, $3  }
0xc0: {  	[dreg:$0x1] =	wrdreg $0xFFFFFFFF  }
0xc1: {  	_ =	task.clear_ibuf [dreg:s7], $0x2FFFF;
	_ =	strace $0x9FFFFFFF  }
0xc2: {  	(tm) =	ssettm $0x7FFFFFFF  }
0xc3: {  	_ =	shalt  }
tec
execute0_lowered:
.L_overlay_start_1:
0x0: {  	(tag) =	ssettag $0x1  }
0x1: {  	s0 =	srdreg.scid  }
0x2: {  	s2 =	stileid.u32;
	s1 =	sand.u32 $0x1, s0  }
0x3: {  	s4 =	rddreg [dreg:$0x1];
	s2 =	sshll.u32 s2, $0xB;
	s3 =	sshll.u32 s1, $0xA  }
0x4: {  	s0 =	rddreg [dreg:$0x0];
	s3 =	sor.u32 s3, s2  }
0x5: {  	s2 =	simm.s32 $0x0;
	s5 =	sshrl.u32 s3, $0x3;
	s3 =	sshll.u32 s3, $0x7  }
0x6: {  	[smem:$0x7FF] =	sst s2;
	s5 =	sadd.s32 s5, s0;
	s8 =	sadd.s32 s4, s3  }
0x7: {  	_ =	strace $0x80000047;
	s5 =	sadd.s32 $0x13200, s5;
	[smem:$0x7FC] =	sst s8  }
0x8: {  	s3 =	sadd.s32 $0x1000, s8;
	[dreg:$0x3] =	wrdreg s5  }
0x9: {  	s26 =	sadd.s32 $0x2000, s8;
	[dreg:$0x4] =	wrdreg s3  }
0xa: {  	s28 =	sadd.s32 $0x3000, s8;
	[dreg:$0x5] =	wrdreg s26  }
0xb: {  	s29 =	sadd.s32 $0x4000, s8;
	[dreg:$0x6] =	wrdreg s28  }
0xc: {  	s30 =	sadd.s32 $0x5000, s8;
	[dreg:$0x7] =	wrdreg s29  }
0xd: {  	s31 =	sadd.s32 $0x6000, s8;
	[dreg:$0x8] =	wrdreg s30  }
0xe: {  	s4 =	sadd.s32 $0x7000, s8;
	[dreg:$0x9] =	wrdreg s31  }
0xf: {  	s6 =	sadd.s32 $0x9000, s8;
	[dreg:$0xa] =	wrdreg s4  }
0x10: {  	s7 =	sadd.s32 $0xA000, s8;
	[dreg:$0xc] =	wrdreg s6  }
0x11: {  	s9 =	sadd.s32 $0xB000, s8;
	[dreg:$0xd] =	wrdreg s7  }
0x12: {  	s10 =	sadd.s32 $0xC000, s8;
	[dreg:$0xe] =	wrdreg s9  }
0x13: {  	s11 =	sadd.s32 $0xD000, s8;
	[dreg:$0xf] =	wrdreg s10  }
0x14: {  	s12 =	sadd.s32 $0xE000, s8;
	[dreg:$0x10] =	wrdreg s11  }
0x15: {  	s13 =	sadd.s32 $0xF000, s8;
	[dreg:$0x11] =	wrdreg s12  }
0x16: {  	s14 =	sadd.s32 $0x10000, s8;
	[dreg:$0x12] =	wrdreg s13  }
0x17: {  	s15 =	sadd.s32 $0x11000, s8;
	[dreg:$0x13] =	wrdreg s14  }
0x18: {  	s16 =	sadd.s32 $0x12000, s8;
	[dreg:$0x14] =	wrdreg s15  }
0x19: {  	s17 =	sadd.s32 $0x13000, s8;
	[dreg:$0x15] =	wrdreg s16  }
0x1a: {  	s18 =	sadd.s32 $0x14000, s8;
	[dreg:$0x16] =	wrdreg s17  }
0x1b: {  	s19 =	sadd.s32 $0x15000, s8;
	[dreg:$0x17] =	wrdreg s18  }
0x1c: {  	s20 =	sadd.s32 $0x16000, s8;
	[dreg:$0x18] =	wrdreg s19  }
0x1d: {  	s21 =	sadd.s32 $0x17000, s8;
	[dreg:$0x19] =	wrdreg s20  }
0x1e: {  	s1 =	ssub.s32 $0x2, s1;
	s22 =	sadd.s32 $0x18000, s8;
	[dreg:$0x1a] =	wrdreg s21  }
0x1f: {  	s25 =	sshrl.u32 s1, $0x1;
	s23 =	sadd.s32 $0x19000, s8;
	[dreg:$0x1b] =	wrdreg s22  }
0x20: {  	s1 =	ssub.s32 s1, s25;
	s24 =	sadd.s32 $0x1A000, s8;
	[dreg:$0x1c] =	wrdreg s23  }
0x21: {  	s5 =	sadd.s32 $0x8000, s8;
	s4 =	sadd.s32 $0x1200, s0;
	[dreg:$0x1d] =	wrdreg s24  }
0x22: {  	s26 =	sadd.s32 $0x1B000, s8;
	s28 =	sadd.s32 $0x1C000, s8;
	s29 =	sadd.s32 $0x1D000, s8  }
0x23: {  	s6 =	sadd.s32 $0x1400, s0;
	s30 =	sadd.s32 $0x1E000, s8;
	[dreg:$0xb] =	wrdreg s5  }
0x24: {  	s7 =	sadd.s32 $0x1500, s0;
	s31 =	sadd.s32 $0x1F000, s8;
	[dreg:$0x1e] =	wrdreg s26  }
0x25: {  	s19 =	simm.s32 $0x1;
	s20 =	simm.s32 $0x4;
	[dreg:$0x1f] =	wrdreg s28  }
0x26: {  	v2 =	vlaneseq.u32;
	s21 =	simm.s32 $0x2;
	s22 =	simm.s32 $0x5;
	[smem:$0x7FA] =	sst s29  }
0x27: {  	vm0 =	vmmov $0xffff;
	v1 =	vshrl.u32 v2, $0x3;
	s23 =	simm.s32 $0x3;
	s24 =	simm.s32 $0x6;
	[smem:$0x7FB] =	sst s30  }
0x28: {  	v0 =	vand.u32 $0x7, v2;
	v2 =	vor.u32 $0x8, v2;
	v1 =	vmul.u32 $0x8, v1;
	s5 =	sadd.s32 $0x1300, s0;
	[smem:$0x7FD] =	sst s31;
	s0 =	smax.u32 s1, $0x1  }
.LBB2_1:
0x29: {  	[smem:$0x7F9] =	sst s0  }
0x2a: {  	s25 =	rddreg [dreg:$0x3];
	s30 =	simm.s32 $0x7  }
0x2b: {  	[tilespmem:s2], [sflag:$0x7] =	stream.linear.gather [hbm4b:s25+s2], $0x400, $0x38;
	[tilespmem:$0x18400] =	vst v63  }
0x2c: {  	_ =	swait.ge [sflag:s30], $0x400  }
0x2d: {  	[sflag:s30] =	ssyncset.done $0x0  }
0x2e: {  	[sflag:s30] =	ssyncadd.s32 $0xFFFFFC00  }
0x2f: {  	v3 =	vld [tilespmem:$0x0];
	_ =	sdelay $0x4  }
0x30: {  	v4 =	vshll.u32 v3, $0x3  }
0x31: {  	v3 =	vand.u32 $0x7, v3;
	v4 =	vand.u32 $0xFFFFFFC0, v4  }
0x32: {  	v3 =	vor.u32 v3, v4  }
0x33: {  	v4 =	vperm.xlane v3, v0;
	_ =	sdelay $0x1  }
0x34: {  	v4 =	vadd.s32 v1, v4;
	_ =	sdelay $0x3  }
0x35: {  	s31 =	simm.s32 $0x400  }
0x36: {  	[tilespmem:s31], [sflag:$0x1] =	stream.indirect_vreg.gather [hbm4b:s4+s2], $0x80, v4, vm0, $0xb8;
	[tilespmem:$0x18400] =	vst v63  }
0x37: {  	s1 =	simm.s32 $0xC00;
	v3 =	vperm.xlane v3, v2  }
0x38: {  	[tilespmem:s1], [sflag:$0x1] =	stream.indirect_vreg.gather [hbm4b:s5+s2], $0x80, v4, vm0, $0xb8;
	[tilespmem:$0x18400] =	vst v63  }
0x39: {  	s3 =	simm.s32 $0x1400;
	v3 =	vadd.s32 v1, v3  }
0x3a: {  	[tilespmem:s3], [sflag:$0x1] =	stream.indirect_vreg.gather [hbm4b:s6+s2], $0x80, v4, vm0, $0xb8;
	[tilespmem:$0x18400] =	vst v63  }
0x3b: {  	s8 =	simm.s32 $0x1C00  }
0x3c: {  	[tilespmem:s8], [sflag:$0x1] =	stream.indirect_vreg.gather [hbm4b:s7+s2], $0x80, v4, vm0, $0xb8;
	[tilespmem:$0x18400] =	vst v63  }
0x3d: {  	s9 =	simm.s32 $0x2400  }
0x3e: {  	[tilespmem:s9], [sflag:$0x1] =	stream.indirect_vreg.gather [hbm4b:s4+s2], $0x80, v3, vm0, $0xb8;
	[tilespmem:$0x18400] =	vst v63  }
0x3f: {  	s10 =	simm.s32 $0x2C00  }
0x40: {  	[tilespmem:s10], [sflag:$0x1] =	stream.indirect_vreg.gather [hbm4b:s5+s2], $0x80, v3, vm0, $0xb8;
	[tilespmem:$0x18400] =	vst v63  }
0x41: {  	s11 =	simm.s32 $0x3400  }
0x42: {  	[tilespmem:s11], [sflag:$0x1] =	stream.indirect_vreg.gather [hbm4b:s6+s2], $0x80, v3, vm0, $0xb8;
	[tilespmem:$0x18400] =	vst v63  }
0x43: {  	s12 =	simm.s32 $0x3C00  }
0x44: {  	[tilespmem:s12], [sflag:$0x1] =	stream.indirect_vreg.gather [hbm4b:s7+s2], $0x80, v3, vm0, $0xb8;
	[tilespmem:$0x18400] =	vst v63  }
0x45: {  	v3 =	vld [tilespmem:$0x10];
	_ =	sdelay $0x4  }
0x46: {  	v57 =	vshll.u32 v3, $0x3  }
0x47: {  	v3 =	vand.u32 $0x7, v3;
	v4 =	vand.u32 $0xFFFFFFC0, v57  }
0x48: {  	v3 =	vor.u32 v3, v4  }
0x49: {  	v4 =	vperm.xlane v3, v0;
	_ =	sdelay $0x1  }
0x4a: {  	v4 =	vadd.s32 v1, v4;
	_ =	sdelay $0x3  }
0x4b: {  	s13 =	simm.s32 $0x4400  }
0x4c: {  	[tilespmem:s13], [sflag:$0x1] =	stream.indirect_vreg.gather [hbm4b:s4+s2], $0x80, v4, vm0, $0xb8;
	[tilespmem:$0x18400] =	vst v63  }
0x4d: {  	s14 =	simm.s32 $0x4C00;
	v3 =	vperm.xlane v3, v2  }
0x4e: {  	[tilespmem:s14], [sflag:$0x1] =	stream.indirect_vreg.gather [hbm4b:s5+s2], $0x80, v4, vm0, $0xb8;
	[tilespmem:$0x18400] =	vst v63  }
0x4f: {  	s15 =	simm.s32 $0x5400;
	v3 =	vadd.s32 v1, v3  }
0x50: {  	[tilespmem:s15], [sflag:$0x1] =	stream.indirect_vreg.gather [hbm4b:s6+s2], $0x80, v4, vm0, $0xb8;
	[tilespmem:$0x18400] =	vst v63  }
0x51: {  	s16 =	simm.s32 $0x5C00  }
0x52: {  	[tilespmem:s16], [sflag:$0x1] =	stream.indirect_vreg.gather [hbm4b:s7+s2], $0x80, v4, vm0, $0xb8;
	[tilespmem:$0x18400] =	vst v63  }
0x53: {  	s17 =	simm.s32 $0x6400  }
0x54: {  	[tilespmem:s17], [sflag:$0x1] =	stream.indirect_vreg.gather [hbm4b:s4+s2], $0x80, v3, vm0, $0xb8;
	[tilespmem:$0x18400] =	vst v63  }
0x55: {  	s18 =	simm.s32 $0x6C00  }
0x56: {  	[tilespmem:s18], [sflag:$0x1] =	stream.indirect_vreg.gather [hbm4b:s5+s2], $0x80, v3, vm0, $0xb8;
	[tilespmem:$0x18400] =	vst v63  }
0x57: {  	s25 =	simm.s32 $0x7400  }
0x58: {  	[tilespmem:s25], [sflag:$0x1] =	stream.indirect_vreg.gather [hbm4b:s6+s2], $0x80, v3, vm0, $0xb8;
	[tilespmem:$0x18400] =	vst v63  }
0x59: {  	s26 =	simm.s32 $0x7C00  }
0x5a: {  	[tilespmem:s26], [sflag:$0x1] =	stream.indirect_vreg.gather [hbm4b:s7+s2], $0x80, v3, vm0, $0xb8;
	[tilespmem:$0x18400] =	vst v63  }
0x5b: {  	v3 =	vld [tilespmem:$0x20];
	_ =	sdelay $0x4  }
0x5c: {  	v58 =	vshll.u32 v3, $0x3  }
0x5d: {  	v3 =	vand.u32 $0x7, v3;
	v4 =	vand.u32 $0xFFFFFFC0, v58  }
0x5e: {  	v3 =	vor.u32 v3, v4  }
0x5f: {  	v4 =	vperm.xlane v3, v0;
	_ =	sdelay $0x1  }
0x60: {  	v4 =	vadd.s32 v1, v4;
	_ =	sdelay $0x3  }
0x61: {  	s28 =	simm.s32 $0x8400  }
0x62: {  	[tilespmem:s28], [sflag:$0x2] =	stream.indirect_vreg.gather [hbm4b:s4+s2], $0x80, v4, vm0, $0xb8;
	[tilespmem:$0x18400] =	vst v63  }
0x63: {  	s29 =	simm.s32 $0x8C00;
	v3 =	vperm.xlane v3, v2  }
0x64: {  	[tilespmem:s29], [sflag:$0x2] =	stream.indirect_vreg.gather [hbm4b:s5+s2], $0x80, v4, vm0, $0xb8;
	[tilespmem:$0x18400] =	vst v63  }
0x65: {  	s30 =	simm.s32 $0x9400;
	v3 =	vadd.s32 v1, v3  }
0x66: {  	[tilespmem:s30], [sflag:$0x2] =	stream.indirect_vreg.gather [hbm4b:s6+s2], $0x80, v4, vm0, $0xb8;
	[tilespmem:$0x18400] =	vst v63  }
0x67: {  	s3 =	simm.s32 $0x9C00  }
0x68: {  	[tilespmem:s3], [sflag:$0x2] =	stream.indirect_vreg.gather [hbm4b:s7+s2], $0x80, v4, vm0, $0xb8;
	[tilespmem:$0x18400] =	vst v63  }
0x69: {  	s8 =	simm.s32 $0xA400  }
0x6a: {  	[tilespmem:s8], [sflag:$0x2] =	stream.indirect_vreg.gather [hbm4b:s4+s2], $0x80, v3, vm0, $0xb8;
	[tilespmem:$0x18400] =	vst v63  }
0x6b: {  	s13 =	simm.s32 $0xAC00  }
0x6c: {  	[tilespmem:s13], [sflag:$0x2] =	stream.indirect_vreg.gather [hbm4b:s5+s2], $0x80, v3, vm0, $0xb8;
	[tilespmem:$0x18400] =	vst v63  }
0x6d: {  	s14 =	simm.s32 $0xB400  }
0x6e: {  	[tilespmem:s14], [sflag:$0x2] =	stream.indirect_vreg.gather [hbm4b:s6+s2], $0x80, v3, vm0, $0xb8;
	[tilespmem:$0x18400] =	vst v63  }
0x6f: {  	s16 =	simm.s32 $0xBC00  }
0x70: {  	[tilespmem:s16], [sflag:$0x2] =	stream.indirect_vreg.gather [hbm4b:s7+s2], $0x80, v3, vm0, $0xb8;
	[tilespmem:$0x18400] =	vst v63  }
0x71: {  	v3 =	vld [tilespmem:$0x30];
	_ =	sdelay $0x4  }
0x72: {  	v59 =	vshll.u32 v3, $0x3  }
0x73: {  	v3 =	vand.u32 $0x7, v3;
	v4 =	vand.u32 $0xFFFFFFC0, v59  }
0x74: {  	v3 =	vor.u32 v3, v4  }
0x75: {  	v4 =	vperm.xlane v3, v0;
	_ =	sdelay $0x1  }
0x76: {  	v4 =	vadd.s32 v1, v4;
	_ =	sdelay $0x3  }
0x77: {  	s17 =	simm.s32 $0xC400  }
0x78: {  	[tilespmem:s17], [sflag:$0x2] =	stream.indirect_vreg.gather [hbm4b:s4+s2], $0x80, v4, vm0, $0xb8;
	[tilespmem:$0x18400] =	vst v63  }
0x79: {  	s18 =	simm.s32 $0xCC00;
	v3 =	vperm.xlane v3, v2  }
0x7a: {  	[tilespmem:s18], [sflag:$0x2] =	stream.indirect_vreg.gather [hbm4b:s5+s2], $0x80, v4, vm0, $0xb8;
	[tilespmem:$0x18400] =	vst v63  }
0x7b: {  	s25 =	simm.s32 $0xD400;
	v3 =	vadd.s32 v1, v3  }
0x7c: {  	[tilespmem:s25], [sflag:$0x2] =	stream.indirect_vreg.gather [hbm4b:s6+s2], $0x80, v4, vm0, $0xb8;
	[tilespmem:$0x18400] =	vst v63  }
0x7d: {  	s26 =	simm.s32 $0xDC00  }
0x7e: {  	[tilespmem:s26], [sflag:$0x2] =	stream.indirect_vreg.gather [hbm4b:s7+s2], $0x80, v4, vm0, $0xb8;
	[tilespmem:$0x18400] =	vst v63  }
0x7f: {  	s29 =	simm.s32 $0xE400  }
0x80: {  	[tilespmem:s29], [sflag:$0x2] =	stream.indirect_vreg.gather [hbm4b:s4+s2], $0x80, v3, vm0, $0xb8;
	[tilespmem:$0x18400] =	vst v63  }
0x81: {  	s30 =	simm.s32 $0xEC00  }
0x82: {  	[tilespmem:s30], [sflag:$0x2] =	stream.indirect_vreg.gather [hbm4b:s5+s2], $0x80, v3, vm0, $0xb8;
	[tilespmem:$0x18400] =	vst v63  }
0x83: {  	s3 =	simm.s32 $0xF400  }
0x84: {  	[tilespmem:s3], [sflag:$0x2] =	stream.indirect_vreg.gather [hbm4b:s6+s2], $0x80, v3, vm0, $0xb8;
	[tilespmem:$0x18400] =	vst v63  }
0x85: {  	s8 =	simm.s32 $0xFC00  }
0x86: {  	[tilespmem:s8], [sflag:$0x2] =	stream.indirect_vreg.gather [hbm4b:s7+s2], $0x80, v3, vm0, $0xb8;
	[tilespmem:$0x18400] =	vst v63  }
0x87: {  	v3 =	vld [tilespmem:$0x40];
	_ =	sdelay $0x4  }
0x88: {  	v60 =	vshll.u32 v3, $0x3  }
0x89: {  	v3 =	vand.u32 $0x7, v3;
	v4 =	vand.u32 $0xFFFFFFC0, v60  }
0x8a: {  	v3 =	vor.u32 v3, v4  }
0x8b: {  	v4 =	vperm.xlane v3, v0;
	_ =	sdelay $0x1  }
0x8c: {  	v4 =	vadd.s32 v1, v4;
	_ =	sdelay $0x3  }
0x8d: {  	s13 =	simm.s32 $0x10400  }
0x8e: {  	[tilespmem:s13], [sflag:$0x3] =	stream.indirect_vreg.gather [hbm4b:s4+s2], $0x80, v4, vm0, $0xb8;
	[tilespmem:$0x18400] =	vst v63  }
0x8f: {  	s14 =	simm.s32 $0x10C00;
	v3 =	vperm.xlane v3, v2  }
0x90: {  	[tilespmem:s14], [sflag:$0x3] =	stream.indirect_vreg.gather [hbm4b:s5+s2], $0x80, v4, vm0, $0xb8;
	[tilespmem:$0x18400] =	vst v63  }
0x91: {  	s18 =	simm.s32 $0x11400;
	v3 =	vadd.s32 v1, v3  }
0x92: {  	[tilespmem:s18], [sflag:$0x3] =	stream.indirect_vreg.gather [hbm4b:s6+s2], $0x80, v4, vm0, $0xb8;
	[tilespmem:$0x18400] =	vst v63  }
0x93: {  	s25 =	simm.s32 $0x11C00  }
0x94: {  	[tilespmem:s25], [sflag:$0x3] =	stream.indirect_vreg.gather [hbm4b:s7+s2], $0x80, v4, vm0, $0xb8;
	[tilespmem:$0x18400] =	vst v63  }
0x95: {  	s26 =	simm.s32 $0x12400  }
0x96: {  	[tilespmem:s26], [sflag:$0x3] =	stream.indirect_vreg.gather [hbm4b:s4+s2], $0x80, v3, vm0, $0xb8;
	[tilespmem:$0x18400] =	vst v63  }
0x97: {  	s3 =	simm.s32 $0x12C00  }
0x98: {  	[tilespmem:s3], [sflag:$0x3] =	stream.indirect_vreg.gather [hbm4b:s5+s2], $0x80, v3, vm0, $0xb8;
	[tilespmem:$0x18400] =	vst v63  }
0x99: {  	s8 =	simm.s32 $0x13400  }
0x9a: {  	[tilespmem:s8], [sflag:$0x3] =	stream.indirect_vreg.gather [hbm4b:s6+s2], $0x80, v3, vm0, $0xb8;
	[tilespmem:$0x18400] =	vst v63  }
0x9b: {  	s13 =	simm.s32 $0x13C00  }
0x9c: {  	[tilespmem:s13], [sflag:$0x3] =	stream.indirect_vreg.gather [hbm4b:s7+s2], $0x80, v3, vm0, $0xb8;
	[tilespmem:$0x18400] =	vst v63  }
0x9d: {  	v3 =	vld [tilespmem:$0x50];
	_ =	sdelay $0x4  }
0x9e: {  	v61 =	vshll.u32 v3, $0x3  }
0x9f: {  	v3 =	vand.u32 $0x7, v3;
	v4 =	vand.u32 $0xFFFFFFC0, v61  }
0xa0: {  	v3 =	vor.u32 v3, v4  }
0xa1: {  	v4 =	vperm.xlane v3, v0;
	_ =	sdelay $0x1  }
0xa2: {  	v4 =	vadd.s32 v1, v4;
	_ =	sdelay $0x3  }
0xa3: {  	s14 =	simm.s32 $0x14400  }
0xa4: {  	[tilespmem:s14], [sflag:$0x3] =	stream.indirect_vreg.gather [hbm4b:s4+s2], $0x80, v4, vm0, $0xb8;
	[tilespmem:$0x18400] =	vst v63  }
0xa5: {  	s18 =	simm.s32 $0x14C00;
	v3 =	vperm.xlane v3, v2  }
0xa6: {  	[tilespmem:s18], [sflag:$0x3] =	stream.indirect_vreg.gather [hbm4b:s5+s2], $0x80, v4, vm0, $0xb8;
	[tilespmem:$0x18400] =	vst v63  }
0xa7: {  	s25 =	simm.s32 $0x15400;
	v3 =	vadd.s32 v1, v3  }
0xa8: {  	[tilespmem:s25], [sflag:$0x3] =	stream.indirect_vreg.gather [hbm4b:s6+s2], $0x80, v4, vm0, $0xb8;
	[tilespmem:$0x18400] =	vst v63  }
0xa9: {  	s26 =	simm.s32 $0x15C00  }
0xaa: {  	[tilespmem:s26], [sflag:$0x3] =	stream.indirect_vreg.gather [hbm4b:s7+s2], $0x80, v4, vm0, $0xb8;
	[tilespmem:$0x18400] =	vst v63  }
0xab: {  	s3 =	simm.s32 $0x16400  }
0xac: {  	[tilespmem:s3], [sflag:$0x3] =	stream.indirect_vreg.gather [hbm4b:s4+s2], $0x80, v3, vm0, $0xb8;
	[tilespmem:$0x18400] =	vst v63  }
0xad: {  	s8 =	simm.s32 $0x16C00  }
0xae: {  	[tilespmem:s8], [sflag:$0x3] =	stream.indirect_vreg.gather [hbm4b:s5+s2], $0x80, v3, vm0, $0xb8;
	[tilespmem:$0x18400] =	vst v63  }
0xaf: {  	s13 =	simm.s32 $0x17400  }
0xb0: {  	[tilespmem:s13], [sflag:$0x3] =	stream.indirect_vreg.gather [hbm4b:s6+s2], $0x80, v3, vm0, $0xb8;
	[tilespmem:$0x18400] =	vst v63  }
0xb1: {  	s14 =	simm.s32 $0x17C00  }
0xb2: {  	[tilespmem:s14], [sflag:$0x3] =	stream.indirect_vreg.gather [hbm4b:s7+s2], $0x80, v3, vm0, $0xb8;
	[tilespmem:$0x18400] =	vst v63  }
0xb3: {  	_ =	swait.ge [sflag:s19], $0x8000  }
0xb4: {  	s18 =	sld [smem:$0x7FC]  }
0xb5: {  	[sflag:s19] =	ssyncset.done $0x0  }
0xb6: {  	s26 =	simm.s32 $0x400;
	[sflag:s19] =	ssyncadd.s32 $0xFFFF8000  }
0xb7: {  	[hbm4b:s18+s2] =	stream.linear.scatter [tilespmem:s26], [sflag:$0x4], $0x8000, $0x38;
	[tilespmem:$0x18400] =	vst v63  }
0xb8: {  	_ =	swait.ge [sflag:s20], $0x8000  }
0xb9: {  	[sflag:s20] =	ssyncset.done $0x0  }
0xba: {  	[sflag:s20] =	ssyncadd.s32 $0xFFFF8000  }
0xbb: {  	v3 =	vld [tilespmem:$0x60];
	_ =	sdelay $0x4  }
0xbc: {  	v62 =	vshll.u32 v3, $0x3  }
0xbd: {  	v3 =	vand.u32 $0x7, v3;
	v4 =	vand.u32 $0xFFFFFFC0, v62  }
0xbe: {  	v3 =	vor.u32 v3, v4  }
0xbf: {  	v4 =	vperm.xlane v3, v0;
	_ =	sdelay $0x1  }
0xc0: {  	v4 =	vadd.s32 v1, v4;
	_ =	sdelay $0x4  }
0xc1: {  	[tilespmem:s26], [sflag:$0x1] =	stream.indirect_vreg.gather [hbm4b:s4+s2], $0x80, v4, vm0, $0xb8;
	[tilespmem:$0x18400] =	vst v63  }
0xc2: {  	s1 =	simm.s32 $0xC00;
	v3 =	vperm.xlane v3, v2  }
0xc3: {  	[tilespmem:s1], [sflag:$0x1] =	stream.indirect_vreg.gather [hbm4b:s5+s2], $0x80, v4, vm0, $0xb8;
	[tilespmem:$0x18400] =	vst v63  }
0xc4: {  	s31 =	simm.s32 $0x1400;
	v3 =	vadd.s32 v1, v3  }
0xc5: {  	[tilespmem:s31], [sflag:$0x1] =	stream.indirect_vreg.gather [hbm4b:s6+s2], $0x80, v4, vm0, $0xb8;
	[tilespmem:$0x18400] =	vst v63  }
0xc6: {  	s31 =	simm.s32 $0x1C00  }
0xc7: {  	[tilespmem:s31], [sflag:$0x1] =	stream.indirect_vreg.gather [hbm4b:s7+s2], $0x80, v4, vm0, $0xb8;
	[tilespmem:$0x18400] =	vst v63  }
0xc8: {  	s1 =	simm.s32 $0x2400  }
0xc9: {  	[tilespmem:s1], [sflag:$0x1] =	stream.indirect_vreg.gather [hbm4b:s4+s2], $0x80, v3, vm0, $0xb8;
	[tilespmem:$0x18400] =	vst v63  }
0xca: {  	s3 =	simm.s32 $0x2C00  }
0xcb: {  	[tilespmem:s3], [sflag:$0x1] =	stream.indirect_vreg.gather [hbm4b:s5+s2], $0x80, v3, vm0, $0xb8;
	[tilespmem:$0x18400] =	vst v63  }
0xcc: {  	s8 =	simm.s32 $0x3400  }
0xcd: {  	[tilespmem:s8], [sflag:$0x1] =	stream.indirect_vreg.gather [hbm4b:s6+s2], $0x80, v3, vm0, $0xb8;
	[tilespmem:$0x18400] =	vst v63  }
0xce: {  	s9 =	simm.s32 $0x3C00  }
0xcf: {  	[tilespmem:s9], [sflag:$0x1] =	stream.indirect_vreg.gather [hbm4b:s7+s2], $0x80, v3, vm0, $0xb8;
	[tilespmem:$0x18400] =	vst v63  }
0xd0: {  	v3 =	vld [tilespmem:$0x70];
	_ =	sdelay $0x4  }
0xd1: {  	v63 =	vshll.u32 v3, $0x3  }
0xd2: {  	v3 =	vand.u32 $0x7, v3;
	v4 =	vand.u32 $0xFFFFFFC0, v63  }
0xd3: {  	v3 =	vor.u32 v3, v4  }
0xd4: {  	v4 =	vperm.xlane v3, v0;
	_ =	sdelay $0x1  }
0xd5: {  	v4 =	vadd.s32 v1, v4;
	_ =	sdelay $0x3  }
0xd6: {  	s11 =	simm.s32 $0x4400  }
0xd7: {  	[tilespmem:s11], [sflag:$0x1] =	stream.indirect_vreg.gather [hbm4b:s4+s2], $0x80, v4, vm0, $0xb8;
	[tilespmem:$0x18400] =	vst v63  }
0xd8: {  	s12 =	simm.s32 $0x4C00;
	v3 =	vperm.xlane v3, v2  }
0xd9: {  	[tilespmem:s12], [sflag:$0x1] =	stream.indirect_vreg.gather [hbm4b:s5+s2], $0x80, v4, vm0, $0xb8;
	[tilespmem:$0x18400] =	vst v63  }
0xda: {  	s9 =	simm.s32 $0x5400;
	v3 =	vadd.s32 v1, v3  }
0xdb: {  	[tilespmem:s9], [sflag:$0x1] =	stream.indirect_vreg.gather [hbm4b:s6+s2], $0x80, v4, vm0, $0xb8;
	[tilespmem:$0x18400] =	vst v63  }
0xdc: {  	s18 =	simm.s32 $0x5C00  }
0xdd: {  	[tilespmem:s18], [sflag:$0x1] =	stream.indirect_vreg.gather [hbm4b:s7+s2], $0x80, v4, vm0, $0xb8;
	[tilespmem:$0x18400] =	vst v63  }
0xde: {  	s11 =	simm.s32 $0x6400  }
0xdf: {  	[tilespmem:s11], [sflag:$0x1] =	stream.indirect_vreg.gather [hbm4b:s4+s2], $0x80, v3, vm0, $0xb8;
	[tilespmem:$0x18400] =	vst v63  }
0xe0: {  	s12 =	simm.s32 $0x6C00  }
0xe1: {  	[tilespmem:s12], [sflag:$0x1] =	stream.indirect_vreg.gather [hbm4b:s5+s2], $0x80, v3, vm0, $0xb8;
	[tilespmem:$0x18400] =	vst v63  }
0xe2: {  	s13 =	simm.s32 $0x7400  }
0xe3: {  	[tilespmem:s13], [sflag:$0x1] =	stream.indirect_vreg.gather [hbm4b:s6+s2], $0x80, v3, vm0, $0xb8;
	[tilespmem:$0x18400] =	vst v63  }
0xe4: {  	s14 =	simm.s32 $0x7C00  }
0xe5: {  	[tilespmem:s14], [sflag:$0x1] =	stream.indirect_vreg.gather [hbm4b:s7+s2], $0x80, v3, vm0, $0xb8;
	[tilespmem:$0x18400] =	vst v63  }
0xe6: {  	_ =	swait.ge [sflag:s21], $0x8000  }
0xe7: {  	[sflag:s21] =	ssyncset.done $0x0  }
0xe8: {  	s10 =	simm.s32 $0x8400;
	s0 =	rddreg [dreg:$0x4];
	[sflag:s21] =	ssyncadd.s32 $0xFFFF8000  }
0xe9: {  	[hbm4b:s0+s2] =	stream.linear.scatter [tilespmem:s10], [sflag:$0x5], $0x8000, $0x38;
	[tilespmem:$0x18400] =	vst v63  }
0xea: {  	_ =	swait.ge [sflag:s22], $0x8000  }
0xeb: {  	[sflag:s22] =	ssyncset.done $0x0  }
0xec: {  	[sflag:s22] =	ssyncadd.s32 $0xFFFF8000  }
0xed: {  	v3 =	vld [tilespmem:$0x80];
	_ =	sdelay $0x4  }
0xee: {  	v8 =	vshll.u32 v3, $0x3  }
0xef: {  	v3 =	vand.u32 $0x7, v3;
	v4 =	vand.u32 $0xFFFFFFC0, v8  }
0xf0: {  	v3 =	vor.u32 v3, v4  }
0xf1: {  	v4 =	vperm.xlane v3, v0;
	_ =	sdelay $0x1  }
0xf2: {  	v4 =	vadd.s32 v1, v4;
	_ =	sdelay $0x4  }
0xf3: {  	[tilespmem:s10], [sflag:$0x2] =	stream.indirect_vreg.gather [hbm4b:s4+s2], $0x80, v4, vm0, $0xb8;
	[tilespmem:$0x18400] =	vst v63  }
0xf4: {  	s15 =	simm.s32 $0x8C00;
	v3 =	vperm.xlane v3, v2  }
0xf5: {  	[tilespmem:s15], [sflag:$0x2] =	stream.indirect_vreg.gather [hbm4b:s5+s2], $0x80, v4, vm0, $0xb8;
	[tilespmem:$0x18400] =	vst v63  }
0xf6: {  	s26 =	simm.s32 $0x9400;
	v3 =	vadd.s32 v1, v3  }
0xf7: {  	[tilespmem:s26], [sflag:$0x2] =	stream.indirect_vreg.gather [hbm4b:s6+s2], $0x80, v4, vm0, $0xb8;
	[tilespmem:$0x18400] =	vst v63  }
0xf8: {  	s15 =	simm.s32 $0x9C00  }
0xf9: {  	[tilespmem:s15], [sflag:$0x2] =	stream.indirect_vreg.gather [hbm4b:s7+s2], $0x80, v4, vm0, $0xb8;
	[tilespmem:$0x18400] =	vst v63  }
0xfa: {  	s25 =	simm.s32 $0xA400  }
0xfb: {  	[tilespmem:s25], [sflag:$0x2] =	stream.indirect_vreg.gather [hbm4b:s4+s2], $0x80, v3, vm0, $0xb8;
	[tilespmem:$0x18400] =	vst v63  }
0xfc: {  	s10 =	simm.s32 $0xAC00  }
0xfd: {  	[tilespmem:s10], [sflag:$0x2] =	stream.indirect_vreg.gather [hbm4b:s5+s2], $0x80, v3, vm0, $0xb8;
	[tilespmem:$0x18400] =	vst v63  }
0xfe: {  	s15 =	simm.s32 $0xB400  }
0xff: {  	[tilespmem:s15], [sflag:$0x2] =	stream.indirect_vreg.gather [hbm4b:s6+s2], $0x80, v3, vm0, $0xb8;
	[tilespmem:$0x18400] =	vst v63  }
0x100: {  	s16 =	simm.s32 $0xBC00  }
0x101: {  	[tilespmem:s16], [sflag:$0x2] =	stream.indirect_vreg.gather [hbm4b:s7+s2], $0x80, v3, vm0, $0xb8;
	[tilespmem:$0x18400] =	vst v63  }
0x102: {  	v3 =	vld [tilespmem:$0x90];
	_ =	sdelay $0x4  }
0x103: {  	v9 =	vshll.u32 v3, $0x3  }
0x104: {  	v3 =	vand.u32 $0x7, v3;
	v4 =	vand.u32 $0xFFFFFFC0, v9  }
0x105: {  	v3 =	vor.u32 v3, v4  }
0x106: {  	v4 =	vperm.xlane v3, v0;
	_ =	sdelay $0x1  }
0x107: {  	v4 =	vadd.s32 v1, v4;
	_ =	sdelay $0x3  }
0x108: {  	s17 =	simm.s32 $0xC400  }
0x109: {  	[tilespmem:s17], [sflag:$0x2] =	stream.indirect_vreg.gather [hbm4b:s4+s2], $0x80, v4, vm0, $0xb8;
	[tilespmem:$0x18400] =	vst v63  }
0x10a: {  	s28 =	simm.s32 $0xCC00;
	v3 =	vperm.xlane v3, v2  }
0x10b: {  	[tilespmem:s28], [sflag:$0x2] =	stream.indirect_vreg.gather [hbm4b:s5+s2], $0x80, v4, vm0, $0xb8;
	[tilespmem:$0x18400] =	vst v63  }
0x10c: {  	v3 =	vadd.s32 v1, v3;
	s17 =	simm.s32 $0xD400  }
0x10d: {  	[tilespmem:s17], [sflag:$0x2] =	stream.indirect_vreg.gather [hbm4b:s6+s2], $0x80, v4, vm0, $0xb8;
	[tilespmem:$0x18400] =	vst v63  }
0x10e: {  	s25 =	simm.s32 $0xDC00  }
0x10f: {  	[tilespmem:s25], [sflag:$0x2] =	stream.indirect_vreg.gather [hbm4b:s7+s2], $0x80, v4, vm0, $0xb8;
	[tilespmem:$0x18400] =	vst v63  }
0x110: {  	s28 =	simm.s32 $0xE400  }
0x111: {  	[tilespmem:s28], [sflag:$0x2] =	stream.indirect_vreg.gather [hbm4b:s4+s2], $0x80, v3, vm0, $0xb8;
	[tilespmem:$0x18400] =	vst v63  }
0x112: {  	s10 =	simm.s32 $0xEC00  }
0x113: {  	[tilespmem:s10], [sflag:$0x2] =	stream.indirect_vreg.gather [hbm4b:s5+s2], $0x80, v3, vm0, $0xb8;
	[tilespmem:$0x18400] =	vst v63  }
0x114: {  	s15 =	simm.s32 $0xF400  }
0x115: {  	[tilespmem:s15], [sflag:$0x2] =	stream.indirect_vreg.gather [hbm4b:s6+s2], $0x80, v3, vm0, $0xb8;
	[tilespmem:$0x18400] =	vst v63  }
0x116: {  	s29 =	simm.s32 $0xFC00  }
0x117: {  	[tilespmem:s29], [sflag:$0x2] =	stream.indirect_vreg.gather [hbm4b:s7+s2], $0x80, v3, vm0, $0xb8;
	[tilespmem:$0x18400] =	vst v63  }
0x118: {  	_ =	swait.ge [sflag:s23], $0x8000  }
0x119: {  	[sflag:s23] =	ssyncset.done $0x0  }
0x11a: {  	s17 =	simm.s32 $0x10400;
	s16 =	rddreg [dreg:$0x5];
	[sflag:s23] =	ssyncadd.s32 $0xFFFF8000  }
0x11b: {  	[hbm4b:s16+s2] =	stream.linear.scatter [tilespmem:s17], [sflag:$0x6], $0x8000, $0x38;
	[tilespmem:$0x18400] =	vst v63  }
0x11c: {  	_ =	swait.ge [sflag:s24], $0x8000  }
0x11d: {  	[sflag:s24] =	ssyncset.done $0x0  }
0x11e: {  	[sflag:s24] =	ssyncadd.s32 $0xFFFF8000  }
0x11f: {  	v3 =	vld [tilespmem:$0xA0];
	_ =	sdelay $0x4  }
0x120: {  	v10 =	vshll.u32 v3, $0x3  }
0x121: {  	v3 =	vand.u32 $0x7, v3;
	v4 =	vand.u32 $0xFFFFFFC0, v10  }
0x122: {  	v3 =	vor.u32 v3, v4  }
0x123: {  	v4 =	vperm.xlane v3, v0;
	_ =	sdelay $0x1  }
0x124: {  	v4 =	vadd.s32 v1, v4;
	_ =	sdelay $0x4  }
0x125: {  	[tilespmem:s17], [sflag:$0x3] =	stream.indirect_vreg.gather [hbm4b:s4+s2], $0x80, v4, vm0, $0xb8;
	[tilespmem:$0x18400] =	vst v63  }
0x126: {  	s30 =	simm.s32 $0x10C00;
	v3 =	vperm.xlane v3, v2  }
0x127: {  	[tilespmem:s30], [sflag:$0x3] =	stream.indirect_vreg.gather [hbm4b:s5+s2], $0x80, v4, vm0, $0xb8;
	[tilespmem:$0x18400] =	vst v63  }
0x128: {  	s15 =	simm.s32 $0x11400;
	v3 =	vadd.s32 v1, v3  }
0x129: {  	[tilespmem:s15], [sflag:$0x3] =	stream.indirect_vreg.gather [hbm4b:s6+s2], $0x80, v4, vm0, $0xb8;
	[tilespmem:$0x18400] =	vst v63  }
0x12a: {  	s16 =	simm.s32 $0x11C00  }
0x12b: {  	[tilespmem:s16], [sflag:$0x3] =	stream.indirect_vreg.gather [hbm4b:s7+s2], $0x80, v4, vm0, $0xb8;
	[tilespmem:$0x18400] =	vst v63  }
0x12c: {  	s17 =	simm.s32 $0x12400  }
0x12d: {  	[tilespmem:s17], [sflag:$0x3] =	stream.indirect_vreg.gather [hbm4b:s4+s2], $0x80, v3, vm0, $0xb8;
	[tilespmem:$0x18400] =	vst v63  }
0x12e: {  	s28 =	simm.s32 $0x12C00  }
0x12f: {  	[tilespmem:s28], [sflag:$0x3] =	stream.indirect_vreg.gather [hbm4b:s5+s2], $0x80, v3, vm0, $0xb8;
	[tilespmem:$0x18400] =	vst v63  }
0x130: {  	s29 =	simm.s32 $0x13400  }
0x131: {  	[tilespmem:s29], [sflag:$0x3] =	stream.indirect_vreg.gather [hbm4b:s6+s2], $0x80, v3, vm0, $0xb8;
	[tilespmem:$0x18400] =	vst v63  }
0x132: {  	s25 =	simm.s32 $0x13C00  }
0x133: {  	[tilespmem:s25], [sflag:$0x3] =	stream.indirect_vreg.gather [hbm4b:s7+s2], $0x80, v3, vm0, $0xb8;
	[tilespmem:$0x18400] =	vst v63  }
0x134: {  	v3 =	vld [tilespmem:$0xB0];
	_ =	sdelay $0x4  }
0x135: {  	v11 =	vshll.u32 v3, $0x3  }
0x136: {  	v3 =	vand.u32 $0x7, v3;
	v4 =	vand.u32 $0xFFFFFFC0, v11  }
0x137: {  	v3 =	vor.u32 v3, v4  }
0x138: {  	v4 =	vperm.xlane v3, v0;
	_ =	sdelay $0x1  }
0x139: {  	v4 =	vadd.s32 v1, v4;
	_ =	sdelay $0x3  }
0x13a: {  	s30 =	simm.s32 $0x14400  }
0x13b: {  	[tilespmem:s30], [sflag:$0x3] =	stream.indirect_vreg.gather [hbm4b:s4+s2], $0x80, v4, vm0, $0xb8;
	[tilespmem:$0x18400] =	vst v63  }
0x13c: {  	s10 =	simm.s32 $0x14C00;
	v3 =	vperm.xlane v3, v2  }
0x13d: {  	[tilespmem:s10], [sflag:$0x3] =	stream.indirect_vreg.gather [hbm4b:s5+s2], $0x80, v4, vm0, $0xb8;
	[tilespmem:$0x18400] =	vst v63  }
0x13e: {  	v3 =	vadd.s32 v1, v3;
	s30 =	simm.s32 $0x15400  }
0x13f: {  	[tilespmem:s30], [sflag:$0x3] =	stream.indirect_vreg.gather [hbm4b:s6+s2], $0x80, v4, vm0, $0xb8;
	[tilespmem:$0x18400] =	vst v63  }
0x140: {  	s10 =	simm.s32 $0x15C00  }
0x141: {  	[tilespmem:s10], [sflag:$0x3] =	stream.indirect_vreg.gather [hbm4b:s7+s2], $0x80, v4, vm0, $0xb8;
	[tilespmem:$0x18400] =	vst v63  }
0x142: {  	s25 =	simm.s32 $0x16400  }
0x143: {  	[tilespmem:s25], [sflag:$0x3] =	stream.indirect_vreg.gather [hbm4b:s4+s2], $0x80, v3, vm0, $0xb8;
	[tilespmem:$0x18400] =	vst v63  }
0x144: {  	s25 =	simm.s32 $0x16C00  }
0x145: {  	[tilespmem:s25], [sflag:$0x3] =	stream.indirect_vreg.gather [hbm4b:s5+s2], $0x80, v3, vm0, $0xb8;
	[tilespmem:$0x18400] =	vst v63  }
0x146: {  	s25 =	simm.s32 $0x17400  }
0x147: {  	[tilespmem:s25], [sflag:$0x3] =	stream.indirect_vreg.gather [hbm4b:s6+s2], $0x80, v3, vm0, $0xb8;
	[tilespmem:$0x18400] =	vst v63  }
0x148: {  	s25 =	simm.s32 $0x17C00  }
0x149: {  	[tilespmem:s25], [sflag:$0x3] =	stream.indirect_vreg.gather [hbm4b:s7+s2], $0x80, v3, vm0, $0xb8;
	[tilespmem:$0x18400] =	vst v63  }
0x14a: {  	_ =	swait.ge [sflag:s19], $0x8000  }
0x14b: {  	[sflag:s19] =	ssyncset.done $0x0  }
0x14c: {  	s0 =	simm.s32 $0x400;
	s25 =	rddreg [dreg:$0x6];
	[sflag:s19] =	ssyncadd.s32 $0xFFFF8000  }
0x14d: {  	[hbm4b:s25+s2] =	stream.linear.scatter [tilespmem:s0], [sflag:$0x4], $0x8000, $0x38;
	[tilespmem:$0x18400] =	vst v63  }
0x14e: {  	_ =	swait.ge [sflag:s20], $0x8000  }
0x14f: {  	[sflag:s20] =	ssyncset.done $0x0  }
0x150: {  	[sflag:s20] =	ssyncadd.s32 $0xFFFF8000  }
0x151: {  	v3 =	vld [tilespmem:$0xC0];
	_ =	sdelay $0x4  }
0x152: {  	v12 =	vshll.u32 v3, $0x3  }
0x153: {  	v3 =	vand.u32 $0x7, v3;
	v4 =	vand.u32 $0xFFFFFFC0, v12  }
0x154: {  	v3 =	vor.u32 v3, v4  }
0x155: {  	v4 =	vperm.xlane v3, v0;
	_ =	sdelay $0x1  }
0x156: {  	v4 =	vadd.s32 v1, v4;
	_ =	sdelay $0x4  }
0x157: {  	[tilespmem:s0], [sflag:$0x1] =	stream.indirect_vreg.gather [hbm4b:s4+s2], $0x80, v4, vm0, $0xb8;
	[tilespmem:$0x18400] =	vst v63  }
0x158: {  	s25 =	simm.s32 $0xC00;
	v3 =	vperm.xlane v3, v2  }
0x159: {  	[tilespmem:s25], [sflag:$0x1] =	stream.indirect_vreg.gather [hbm4b:s5+s2], $0x80, v4, vm0, $0xb8;
	[tilespmem:$0x18400] =	vst v63  }
0x15a: {  	v3 =	vadd.s32 v1, v3;
	s25 =	simm.s32 $0x1400  }
0x15b: {  	[tilespmem:s25], [sflag:$0x1] =	stream.indirect_vreg.gather [hbm4b:s6+s2], $0x80, v4, vm0, $0xb8;
	[tilespmem:$0x18400] =	vst v63  }
0x15c: {  	_ = 	snop  }
0x15d: {  	[tilespmem:s31], [sflag:$0x1] =	stream.indirect_vreg.gather [hbm4b:s7+s2], $0x80, v4, vm0, $0xb8;
	[tilespmem:$0x18400] =	vst v63  }
0x15e: {  	_ = 	snop  }
0x15f: {  	[tilespmem:s1], [sflag:$0x1] =	stream.indirect_vreg.gather [hbm4b:s4+s2], $0x80, v3, vm0, $0xb8;
	[tilespmem:$0x18400] =	vst v63  }
0x160: {  	_ = 	snop  }
0x161: {  	[tilespmem:s3], [sflag:$0x1] =	stream.indirect_vreg.gather [hbm4b:s5+s2], $0x80, v3, vm0, $0xb8;
	[tilespmem:$0x18400] =	vst v63  }
0x162: {  	_ = 	snop  }
0x163: {  	[tilespmem:s8], [sflag:$0x1] =	stream.indirect_vreg.gather [hbm4b:s6+s2], $0x80, v3, vm0, $0xb8;
	[tilespmem:$0x18400] =	vst v63  }
0x164: {  	s31 =	simm.s32 $0x3C00  }
0x165: {  	[tilespmem:s31], [sflag:$0x1] =	stream.indirect_vreg.gather [hbm4b:s7+s2], $0x80, v3, vm0, $0xb8;
	[tilespmem:$0x18400] =	vst v63  }
0x166: {  	v3 =	vld [tilespmem:$0xD0];
	_ =	sdelay $0x4  }
0x167: {  	v13 =	vshll.u32 v3, $0x3  }
0x168: {  	v3 =	vand.u32 $0x7, v3;
	v4 =	vand.u32 $0xFFFFFFC0, v13  }
0x169: {  	v3 =	vor.u32 v3, v4  }
0x16a: {  	v4 =	vperm.xlane v3, v0;
	_ =	sdelay $0x1  }
0x16b: {  	v4 =	vadd.s32 v1, v4;
	_ =	sdelay $0x3  }
0x16c: {  	s1 =	simm.s32 $0x4400  }
0x16d: {  	[tilespmem:s1], [sflag:$0x1] =	stream.indirect_vreg.gather [hbm4b:s4+s2], $0x80, v4, vm0, $0xb8;
	[tilespmem:$0x18400] =	vst v63  }
0x16e: {  	s3 =	simm.s32 $0x4C00;
	v3 =	vperm.xlane v3, v2  }
0x16f: {  	[tilespmem:s3], [sflag:$0x1] =	stream.indirect_vreg.gather [hbm4b:s5+s2], $0x80, v4, vm0, $0xb8;
	[tilespmem:$0x18400] =	vst v63  }
0x170: {  	v3 =	vadd.s32 v1, v3  }
0x171: {  	[tilespmem:s9], [sflag:$0x1] =	stream.indirect_vreg.gather [hbm4b:s6+s2], $0x80, v4, vm0, $0xb8;
	[tilespmem:$0x18400] =	vst v63  }
0x172: {  	_ = 	snop  }
0x173: {  	[tilespmem:s18], [sflag:$0x1] =	stream.indirect_vreg.gather [hbm4b:s7+s2], $0x80, v4, vm0, $0xb8;
	[tilespmem:$0x18400] =	vst v63  }
0x174: {  	_ = 	snop  }
0x175: {  	[tilespmem:s11], [sflag:$0x1] =	stream.indirect_vreg.gather [hbm4b:s4+s2], $0x80, v3, vm0, $0xb8;
	[tilespmem:$0x18400] =	vst v63  }
0x176: {  	_ = 	snop  }
0x177: {  	[tilespmem:s12], [sflag:$0x1] =	stream.indirect_vreg.gather [hbm4b:s5+s2], $0x80, v3, vm0, $0xb8;
	[tilespmem:$0x18400] =	vst v63  }
0x178: {  	_ = 	snop  }
0x179: {  	[tilespmem:s13], [sflag:$0x1] =	stream.indirect_vreg.gather [hbm4b:s6+s2], $0x80, v3, vm0, $0xb8;
	[tilespmem:$0x18400] =	vst v63  }
0x17a: {  	_ = 	snop  }
0x17b: {  	[tilespmem:s14], [sflag:$0x1] =	stream.indirect_vreg.gather [hbm4b:s7+s2], $0x80, v3, vm0, $0xb8;
	[tilespmem:$0x18400] =	vst v63  }
0x17c: {  	_ =	swait.ge [sflag:s21], $0x8000  }
0x17d: {  	[sflag:s21] =	ssyncset.done $0x0  }
0x17e: {  	s18 =	simm.s32 $0x8400;
	s14 =	rddreg [dreg:$0x7];
	[sflag:s21] =	ssyncadd.s32 $0xFFFF8000  }
0x17f: {  	[hbm4b:s14+s2] =	stream.linear.scatter [tilespmem:s18], [sflag:$0x5], $0x8000, $0x38;
	[tilespmem:$0x18400] =	vst v63  }
0x180: {  	_ =	swait.ge [sflag:s22], $0x8000  }
0x181: {  	[sflag:s22] =	ssyncset.done $0x0  }
0x182: {  	[sflag:s22] =	ssyncadd.s32 $0xFFFF8000  }
0x183: {  	v3 =	vld [tilespmem:$0xE0];
	_ =	sdelay $0x4  }
0x184: {  	v14 =	vshll.u32 v3, $0x3  }
0x185: {  	v3 =	vand.u32 $0x7, v3;
	v4 =	vand.u32 $0xFFFFFFC0, v14  }
0x186: {  	v3 =	vor.u32 v3, v4  }
0x187: {  	v4 =	vperm.xlane v3, v0;
	_ =	sdelay $0x1  }
0x188: {  	v4 =	vadd.s32 v1, v4;
	_ =	sdelay $0x4  }
0x189: {  	[tilespmem:s18], [sflag:$0x2] =	stream.indirect_vreg.gather [hbm4b:s4+s2], $0x80, v4, vm0, $0xb8;
	[tilespmem:$0x18400] =	vst v63  }
0x18a: {  	s25 =	simm.s32 $0x8C00;
	v3 =	vperm.xlane v3, v2  }
0x18b: {  	[tilespmem:s25], [sflag:$0x2] =	stream.indirect_vreg.gather [hbm4b:s5+s2], $0x80, v4, vm0, $0xb8;
	[tilespmem:$0x18400] =	vst v63  }
0x18c: {  	v3 =	vadd.s32 v1, v3  }
0x18d: {  	[tilespmem:s26], [sflag:$0x2] =	stream.indirect_vreg.gather [hbm4b:s6+s2], $0x80, v4, vm0, $0xb8;
	[tilespmem:$0x18400] =	vst v63  }
0x18e: {  	s31 =	simm.s32 $0x9C00  }
0x18f: {  	[tilespmem:s31], [sflag:$0x2] =	stream.indirect_vreg.gather [hbm4b:s7+s2], $0x80, v4, vm0, $0xb8;
	[tilespmem:$0x18400] =	vst v63  }
0x190: {  	s1 =	simm.s32 $0xA400  }
0x191: {  	[tilespmem:s1], [sflag:$0x2] =	stream.indirect_vreg.gather [hbm4b:s4+s2], $0x80, v3, vm0, $0xb8;
	[tilespmem:$0x18400] =	vst v63  }
0x192: {  	s9 =	simm.s32 $0xAC00  }
0x193: {  	[tilespmem:s9], [sflag:$0x2] =	stream.indirect_vreg.gather [hbm4b:s5+s2], $0x80, v3, vm0, $0xb8;
	[tilespmem:$0x18400] =	vst v63  }
0x194: {  	s11 =	simm.s32 $0xB400  }
0x195: {  	[tilespmem:s11], [sflag:$0x2] =	stream.indirect_vreg.gather [hbm4b:s6+s2], $0x80, v3, vm0, $0xb8;
	[tilespmem:$0x18400] =	vst v63  }
0x196: {  	s12 =	simm.s32 $0xBC00  }
0x197: {  	[tilespmem:s12], [sflag:$0x2] =	stream.indirect_vreg.gather [hbm4b:s7+s2], $0x80, v3, vm0, $0xb8;
	[tilespmem:$0x18400] =	vst v63  }
0x198: {  	v3 =	vld [tilespmem:$0xF0];
	_ =	sdelay $0x4  }
0x199: {  	v15 =	vshll.u32 v3, $0x3  }
0x19a: {  	v3 =	vand.u32 $0x7, v3;
	v4 =	vand.u32 $0xFFFFFFC0, v15  }
0x19b: {  	v3 =	vor.u32 v3, v4  }
0x19c: {  	v4 =	vperm.xlane v3, v0;
	_ =	sdelay $0x1  }
0x19d: {  	v4 =	vadd.s32 v1, v4;
	_ =	sdelay $0x3  }
0x19e: {  	s13 =	simm.s32 $0xC400  }
0x19f: {  	[tilespmem:s13], [sflag:$0x2] =	stream.indirect_vreg.gather [hbm4b:s4+s2], $0x80, v4, vm0, $0xb8;
	[tilespmem:$0x18400] =	vst v63  }
0x1a0: {  	s18 =	simm.s32 $0xCC00;
	v3 =	vperm.xlane v3, v2  }
0x1a1: {  	[tilespmem:s18], [sflag:$0x2] =	stream.indirect_vreg.gather [hbm4b:s5+s2], $0x80, v4, vm0, $0xb8;
	[tilespmem:$0x18400] =	vst v63  }
0x1a2: {  	s25 =	simm.s32 $0xD400;
	v3 =	vadd.s32 v1, v3  }
0x1a3: {  	[tilespmem:s25], [sflag:$0x2] =	stream.indirect_vreg.gather [hbm4b:s6+s2], $0x80, v4, vm0, $0xb8;
	[tilespmem:$0x18400] =	vst v63  }
0x1a4: {  	s26 =	simm.s32 $0xDC00  }
0x1a5: {  	[tilespmem:s26], [sflag:$0x2] =	stream.indirect_vreg.gather [hbm4b:s7+s2], $0x80, v4, vm0, $0xb8;
	[tilespmem:$0x18400] =	vst v63  }
0x1a6: {  	s1 =	simm.s32 $0xE400  }
0x1a7: {  	[tilespmem:s1], [sflag:$0x2] =	stream.indirect_vreg.gather [hbm4b:s4+s2], $0x80, v3, vm0, $0xb8;
	[tilespmem:$0x18400] =	vst v63  }
0x1a8: {  	s9 =	simm.s32 $0xEC00  }
0x1a9: {  	[tilespmem:s9], [sflag:$0x2] =	stream.indirect_vreg.gather [hbm4b:s5+s2], $0x80, v3, vm0, $0xb8;
	[tilespmem:$0x18400] =	vst v63  }
0x1aa: {  	s11 =	simm.s32 $0xF400  }
0x1ab: {  	[tilespmem:s11], [sflag:$0x2] =	stream.indirect_vreg.gather [hbm4b:s6+s2], $0x80, v3, vm0, $0xb8;
	[tilespmem:$0x18400] =	vst v63  }
0x1ac: {  	s12 =	simm.s32 $0xFC00  }
0x1ad: {  	[tilespmem:s12], [sflag:$0x2] =	stream.indirect_vreg.gather [hbm4b:s7+s2], $0x80, v3, vm0, $0xb8;
	[tilespmem:$0x18400] =	vst v63  }
0x1ae: {  	_ =	swait.ge [sflag:s23], $0x8000  }
0x1af: {  	[sflag:s23] =	ssyncset.done $0x0  }
0x1b0: {  	s18 =	simm.s32 $0x10400;
	s13 =	rddreg [dreg:$0x8];
	[sflag:s23] =	ssyncadd.s32 $0xFFFF8000  }
0x1b1: {  	[hbm4b:s13+s2] =	stream.linear.scatter [tilespmem:s18], [sflag:$0x6], $0x8000, $0x38;
	[tilespmem:$0x18400] =	vst v63  }
0x1b2: {  	_ =	swait.ge [sflag:s24], $0x8000  }
0x1b3: {  	[sflag:s24] =	ssyncset.done $0x0  }
0x1b4: {  	[sflag:s24] =	ssyncadd.s32 $0xFFFF8000  }
0x1b5: {  	v3 =	vld [tilespmem:$0x100];
	_ =	sdelay $0x4  }
0x1b6: {  	v16 =	vshll.u32 v3, $0x3  }
0x1b7: {  	v3 =	vand.u32 $0x7, v3;
	v4 =	vand.u32 $0xFFFFFFC0, v16  }
0x1b8: {  	v3 =	vor.u32 v3, v4  }
0x1b9: {  	v4 =	vperm.xlane v3, v0;
	_ =	sdelay $0x1  }
0x1ba: {  	v4 =	vadd.s32 v1, v4;
	_ =	sdelay $0x4  }
0x1bb: {  	[tilespmem:s18], [sflag:$0x3] =	stream.indirect_vreg.gather [hbm4b:s4+s2], $0x80, v4, vm0, $0xb8;
	[tilespmem:$0x18400] =	vst v63  }
0x1bc: {  	s26 =	simm.s32 $0x10C00;
	v3 =	vperm.xlane v3, v2  }
0x1bd: {  	[tilespmem:s26], [sflag:$0x3] =	stream.indirect_vreg.gather [hbm4b:s5+s2], $0x80, v4, vm0, $0xb8;
	[tilespmem:$0x18400] =	vst v63  }
0x1be: {  	v3 =	vadd.s32 v1, v3  }
0x1bf: {  	[tilespmem:s15], [sflag:$0x3] =	stream.indirect_vreg.gather [hbm4b:s6+s2], $0x80, v4, vm0, $0xb8;
	[tilespmem:$0x18400] =	vst v63  }
0x1c0: {  	_ = 	snop  }
0x1c1: {  	[tilespmem:s16], [sflag:$0x3] =	stream.indirect_vreg.gather [hbm4b:s7+s2], $0x80, v4, vm0, $0xb8;
	[tilespmem:$0x18400] =	vst v63  }
0x1c2: {  	_ = 	snop  }
0x1c3: {  	[tilespmem:s17], [sflag:$0x3] =	stream.indirect_vreg.gather [hbm4b:s4+s2], $0x80, v3, vm0, $0xb8;
	[tilespmem:$0x18400] =	vst v63  }
0x1c4: {  	_ = 	snop  }
0x1c5: {  	[tilespmem:s28], [sflag:$0x3] =	stream.indirect_vreg.gather [hbm4b:s5+s2], $0x80, v3, vm0, $0xb8;
	[tilespmem:$0x18400] =	vst v63  }
0x1c6: {  	_ = 	snop  }
0x1c7: {  	[tilespmem:s29], [sflag:$0x3] =	stream.indirect_vreg.gather [hbm4b:s6+s2], $0x80, v3, vm0, $0xb8;
	[tilespmem:$0x18400] =	vst v63  }
0x1c8: {  	s29 =	simm.s32 $0x13C00  }
0x1c9: {  	[tilespmem:s29], [sflag:$0x3] =	stream.indirect_vreg.gather [hbm4b:s7+s2], $0x80, v3, vm0, $0xb8;
	[tilespmem:$0x18400] =	vst v63  }
0x1ca: {  	v3 =	vld [tilespmem:$0x110];
	_ =	sdelay $0x4  }
0x1cb: {  	v17 =	vshll.u32 v3, $0x3  }
0x1cc: {  	v3 =	vand.u32 $0x7, v3;
	v4 =	vand.u32 $0xFFFFFFC0, v17  }
0x1cd: {  	v3 =	vor.u32 v3, v4  }
0x1ce: {  	v4 =	vperm.xlane v3, v0;
	_ =	sdelay $0x1  }
0x1cf: {  	v4 =	vadd.s32 v1, v4;
	_ =	sdelay $0x3  }
0x1d0: {  	s1 =	simm.s32 $0x14400  }
0x1d1: {  	[tilespmem:s1], [sflag:$0x3] =	stream.indirect_vreg.gather [hbm4b:s4+s2], $0x80, v4, vm0, $0xb8;
	[tilespmem:$0x18400] =	vst v63  }
0x1d2: {  	s9 =	simm.s32 $0x14C00;
	v3 =	vperm.xlane v3, v2  }
0x1d3: {  	[tilespmem:s9], [sflag:$0x3] =	stream.indirect_vreg.gather [hbm4b:s5+s2], $0x80, v4, vm0, $0xb8;
	[tilespmem:$0x18400] =	vst v63  }
0x1d4: {  	v3 =	vadd.s32 v1, v3  }
0x1d5: {  	[tilespmem:s30], [sflag:$0x3] =	stream.indirect_vreg.gather [hbm4b:s6+s2], $0x80, v4, vm0, $0xb8;
	[tilespmem:$0x18400] =	vst v63  }
0x1d6: {  	_ = 	snop  }
0x1d7: {  	[tilespmem:s10], [sflag:$0x3] =	stream.indirect_vreg.gather [hbm4b:s7+s2], $0x80, v4, vm0, $0xb8;
	[tilespmem:$0x18400] =	vst v63  }
0x1d8: {  	s11 =	simm.s32 $0x16400  }
0x1d9: {  	[tilespmem:s11], [sflag:$0x3] =	stream.indirect_vreg.gather [hbm4b:s4+s2], $0x80, v3, vm0, $0xb8;
	[tilespmem:$0x18400] =	vst v63  }
0x1da: {  	s12 =	simm.s32 $0x16C00  }
0x1db: {  	[tilespmem:s12], [sflag:$0x3] =	stream.indirect_vreg.gather [hbm4b:s5+s2], $0x80, v3, vm0, $0xb8;
	[tilespmem:$0x18400] =	vst v63  }
0x1dc: {  	s13 =	simm.s32 $0x17400  }
0x1dd: {  	[tilespmem:s13], [sflag:$0x3] =	stream.indirect_vreg.gather [hbm4b:s6+s2], $0x80, v3, vm0, $0xb8;
	[tilespmem:$0x18400] =	vst v63  }
0x1de: {  	s15 =	simm.s32 $0x17C00  }
0x1df: {  	[tilespmem:s15], [sflag:$0x3] =	stream.indirect_vreg.gather [hbm4b:s7+s2], $0x80, v3, vm0, $0xb8;
	[tilespmem:$0x18400] =	vst v63  }
0x1e0: {  	_ =	swait.ge [sflag:s19], $0x8000  }
0x1e1: {  	[sflag:s19] =	ssyncset.done $0x0  }
0x1e2: {  	s17 =	simm.s32 $0x400;
	s16 =	rddreg [dreg:$0x9];
	[sflag:s19] =	ssyncadd.s32 $0xFFFF8000  }
0x1e3: {  	[hbm4b:s16+s2] =	stream.linear.scatter [tilespmem:s17], [sflag:$0x4], $0x8000, $0x38;
	[tilespmem:$0x18400] =	vst v63  }
0x1e4: {  	_ =	swait.ge [sflag:s20], $0x8000  }
0x1e5: {  	[sflag:s20] =	ssyncset.done $0x0  }
0x1e6: {  	[sflag:s20] =	ssyncadd.s32 $0xFFFF8000  }
0x1e7: {  	v3 =	vld [tilespmem:$0x120];
	_ =	sdelay $0x4  }
0x1e8: {  	v18 =	vshll.u32 v3, $0x3  }
0x1e9: {  	v3 =	vand.u32 $0x7, v3;
	v4 =	vand.u32 $0xFFFFFFC0, v18  }
0x1ea: {  	v3 =	vor.u32 v3, v4  }
0x1eb: {  	v4 =	vperm.xlane v3, v0;
	_ =	sdelay $0x1  }
0x1ec: {  	v4 =	vadd.s32 v1, v4;
	_ =	sdelay $0x4  }
0x1ed: {  	[tilespmem:s17], [sflag:$0x1] =	stream.indirect_vreg.gather [hbm4b:s4+s2], $0x80, v4, vm0, $0xb8;
	[tilespmem:$0x18400] =	vst v63  }
0x1ee: {  	s18 =	simm.s32 $0xC00;
	v3 =	vperm.xlane v3, v2  }
0x1ef: {  	[tilespmem:s18], [sflag:$0x1] =	stream.indirect_vreg.gather [hbm4b:s5+s2], $0x80, v4, vm0, $0xb8;
	[tilespmem:$0x18400] =	vst v63  }
0x1f0: {  	s25 =	simm.s32 $0x1400;
	v3 =	vadd.s32 v1, v3  }
0x1f1: {  	[tilespmem:s25], [sflag:$0x1] =	stream.indirect_vreg.gather [hbm4b:s6+s2], $0x80, v4, vm0, $0xb8;
	[tilespmem:$0x18400] =	vst v63  }
0x1f2: {  	s9 =	simm.s32 $0x1C00  }
0x1f3: {  	[tilespmem:s9], [sflag:$0x1] =	stream.indirect_vreg.gather [hbm4b:s7+s2], $0x80, v4, vm0, $0xb8;
	[tilespmem:$0x18400] =	vst v63  }
0x1f4: {  	s10 =	simm.s32 $0x2400  }
0x1f5: {  	[tilespmem:s10], [sflag:$0x1] =	stream.indirect_vreg.gather [hbm4b:s4+s2], $0x80, v3, vm0, $0xb8;
	[tilespmem:$0x18400] =	vst v63  }
0x1f6: {  	s11 =	simm.s32 $0x2C00  }
0x1f7: {  	[tilespmem:s11], [sflag:$0x1] =	stream.indirect_vreg.gather [hbm4b:s5+s2], $0x80, v3, vm0, $0xb8;
	[tilespmem:$0x18400] =	vst v63  }
0x1f8: {  	s8 =	simm.s32 $0x3400  }
0x1f9: {  	[tilespmem:s8], [sflag:$0x1] =	stream.indirect_vreg.gather [hbm4b:s6+s2], $0x80, v3, vm0, $0xb8;
	[tilespmem:$0x18400] =	vst v63  }
0x1fa: {  	s1 =	simm.s32 $0x3C00  }
0x1fb: {  	[tilespmem:s1], [sflag:$0x1] =	stream.indirect_vreg.gather [hbm4b:s7+s2], $0x80, v3, vm0, $0xb8;
	[tilespmem:$0x18400] =	vst v63  }
0x1fc: {  	v3 =	vld [tilespmem:$0x130];
	_ =	sdelay $0x4  }
0x1fd: {  	v19 =	vshll.u32 v3, $0x3  }
0x1fe: {  	v3 =	vand.u32 $0x7, v3;
	v4 =	vand.u32 $0xFFFFFFC0, v19  }
0x1ff: {  	v3 =	vor.u32 v3, v4  }
0x200: {  	v4 =	vperm.xlane v3, v0;
	_ =	sdelay $0x1  }
0x201: {  	v4 =	vadd.s32 v1, v4;
	_ =	sdelay $0x3  }
0x202: {  	s26 =	simm.s32 $0x4400  }
0x203: {  	[tilespmem:s26], [sflag:$0x1] =	stream.indirect_vreg.gather [hbm4b:s4+s2], $0x80, v4, vm0, $0xb8;
	[tilespmem:$0x18400] =	vst v63  }
0x204: {  	s28 =	simm.s32 $0x4C00;
	v3 =	vperm.xlane v3, v2  }
0x205: {  	[tilespmem:s28], [sflag:$0x1] =	stream.indirect_vreg.gather [hbm4b:s5+s2], $0x80, v4, vm0, $0xb8;
	[tilespmem:$0x18400] =	vst v63  }
0x206: {  	s12 =	simm.s32 $0x5400;
	v3 =	vadd.s32 v1, v3  }
0x207: {  	[tilespmem:s12], [sflag:$0x1] =	stream.indirect_vreg.gather [hbm4b:s6+s2], $0x80, v4, vm0, $0xb8;
	[tilespmem:$0x18400] =	vst v63  }
0x208: {  	s13 =	simm.s32 $0x5C00  }
0x209: {  	[tilespmem:s13], [sflag:$0x1] =	stream.indirect_vreg.gather [hbm4b:s7+s2], $0x80, v4, vm0, $0xb8;
	[tilespmem:$0x18400] =	vst v63  }
0x20a: {  	s15 =	simm.s32 $0x6400  }
0x20b: {  	[tilespmem:s15], [sflag:$0x1] =	stream.indirect_vreg.gather [hbm4b:s4+s2], $0x80, v3, vm0, $0xb8;
	[tilespmem:$0x18400] =	vst v63  }
0x20c: {  	s16 =	simm.s32 $0x6C00  }
0x20d: {  	[tilespmem:s16], [sflag:$0x1] =	stream.indirect_vreg.gather [hbm4b:s5+s2], $0x80, v3, vm0, $0xb8;
	[tilespmem:$0x18400] =	vst v63  }
0x20e: {  	s17 =	simm.s32 $0x7400  }
0x20f: {  	[tilespmem:s17], [sflag:$0x1] =	stream.indirect_vreg.gather [hbm4b:s6+s2], $0x80, v3, vm0, $0xb8;
	[tilespmem:$0x18400] =	vst v63  }
0x210: {  	s18 =	simm.s32 $0x7C00  }
0x211: {  	[tilespmem:s18], [sflag:$0x1] =	stream.indirect_vreg.gather [hbm4b:s7+s2], $0x80, v3, vm0, $0xb8;
	[tilespmem:$0x18400] =	vst v63  }
0x212: {  	_ =	swait.ge [sflag:s21], $0x8000  }
0x213: {  	[sflag:s21] =	ssyncset.done $0x0  }
0x214: {  	s30 =	simm.s32 $0x8400;
	s29 =	rddreg [dreg:$0xa];
	[sflag:s21] =	ssyncadd.s32 $0xFFFF8000  }
0x215: {  	[hbm4b:s29+s2] =	stream.linear.scatter [tilespmem:s30], [sflag:$0x5], $0x8000, $0x38;
	[tilespmem:$0x18400] =	vst v63  }
0x216: {  	_ =	swait.ge [sflag:s22], $0x8000  }
0x217: {  	[sflag:s22] =	ssyncset.done $0x0  }
0x218: {  	[sflag:s22] =	ssyncadd.s32 $0xFFFF8000  }
0x219: {  	v3 =	vld [tilespmem:$0x140];
	_ =	sdelay $0x4  }
0x21a: {  	v20 =	vshll.u32 v3, $0x3  }
0x21b: {  	v3 =	vand.u32 $0x7, v3;
	v4 =	vand.u32 $0xFFFFFFC0, v20  }
0x21c: {  	v3 =	vor.u32 v3, v4  }
0x21d: {  	v4 =	vperm.xlane v3, v0;
	_ =	sdelay $0x1  }
0x21e: {  	v4 =	vadd.s32 v1, v4;
	_ =	sdelay $0x4  }
0x21f: {  	[tilespmem:s30], [sflag:$0x2] =	stream.indirect_vreg.gather [hbm4b:s4+s2], $0x80, v4, vm0, $0xb8;
	[tilespmem:$0x18400] =	vst v63  }
0x220: {  	s3 =	simm.s32 $0x8C00;
	v3 =	vperm.xlane v3, v2  }
0x221: {  	[tilespmem:s3], [sflag:$0x2] =	stream.indirect_vreg.gather [hbm4b:s5+s2], $0x80, v4, vm0, $0xb8;
	[tilespmem:$0x18400] =	vst v63  }
0x222: {  	s8 =	simm.s32 $0x9400;
	v3 =	vadd.s32 v1, v3  }
0x223: {  	[tilespmem:s8], [sflag:$0x2] =	stream.indirect_vreg.gather [hbm4b:s6+s2], $0x80, v4, vm0, $0xb8;
	[tilespmem:$0x18400] =	vst v63  }
0x224: {  	s26 =	simm.s32 $0x9C00  }
0x225: {  	[tilespmem:s26], [sflag:$0x2] =	stream.indirect_vreg.gather [hbm4b:s7+s2], $0x80, v4, vm0, $0xb8;
	[tilespmem:$0x18400] =	vst v63  }
0x226: {  	s28 =	simm.s32 $0xA400  }
0x227: {  	[tilespmem:s28], [sflag:$0x2] =	stream.indirect_vreg.gather [hbm4b:s4+s2], $0x80, v3, vm0, $0xb8;
	[tilespmem:$0x18400] =	vst v63  }
0x228: {  	s29 =	simm.s32 $0xAC00  }
0x229: {  	[tilespmem:s29], [sflag:$0x2] =	stream.indirect_vreg.gather [hbm4b:s5+s2], $0x80, v3, vm0, $0xb8;
	[tilespmem:$0x18400] =	vst v63  }
0x22a: {  	s30 =	simm.s32 $0xB400  }
0x22b: {  	[tilespmem:s30], [sflag:$0x2] =	stream.indirect_vreg.gather [hbm4b:s6+s2], $0x80, v3, vm0, $0xb8;
	[tilespmem:$0x18400] =	vst v63  }
0x22c: {  	s14 =	simm.s32 $0xBC00  }
0x22d: {  	[tilespmem:s14], [sflag:$0x2] =	stream.indirect_vreg.gather [hbm4b:s7+s2], $0x80, v3, vm0, $0xb8;
	[tilespmem:$0x18400] =	vst v63  }
0x22e: {  	v3 =	vld [tilespmem:$0x150];
	_ =	sdelay $0x4  }
0x22f: {  	v21 =	vshll.u32 v3, $0x3  }
0x230: {  	v3 =	vand.u32 $0x7, v3;
	v4 =	vand.u32 $0xFFFFFFC0, v21  }
0x231: {  	v3 =	vor.u32 v3, v4  }
0x232: {  	v4 =	vperm.xlane v3, v0;
	_ =	sdelay $0x1  }
0x233: {  	v4 =	vadd.s32 v1, v4;
	_ =	sdelay $0x3  }
0x234: {  	s31 =	simm.s32 $0xC400  }
0x235: {  	[tilespmem:s31], [sflag:$0x2] =	stream.indirect_vreg.gather [hbm4b:s4+s2], $0x80, v4, vm0, $0xb8;
	[tilespmem:$0x18400] =	vst v63  }
0x236: {  	v3 =	vperm.xlane v3, v2;
	s31 =	simm.s32 $0xCC00  }
0x237: {  	[tilespmem:s31], [sflag:$0x2] =	stream.indirect_vreg.gather [hbm4b:s5+s2], $0x80, v4, vm0, $0xb8;
	[tilespmem:$0x18400] =	vst v63  }
0x238: {  	v3 =	vadd.s32 v1, v3;
	s31 =	simm.s32 $0xD400  }
0x239: {  	[tilespmem:s31], [sflag:$0x2] =	stream.indirect_vreg.gather [hbm4b:s6+s2], $0x80, v4, vm0, $0xb8;
	[tilespmem:$0x18400] =	vst v63  }
0x23a: {  	s3 =	simm.s32 $0xDC00  }
0x23b: {  	[tilespmem:s3], [sflag:$0x2] =	stream.indirect_vreg.gather [hbm4b:s7+s2], $0x80, v4, vm0, $0xb8;
	[tilespmem:$0x18400] =	vst v63  }
0x23c: {  	s14 =	simm.s32 $0xE400  }
0x23d: {  	[tilespmem:s14], [sflag:$0x2] =	stream.indirect_vreg.gather [hbm4b:s4+s2], $0x80, v3, vm0, $0xb8;
	[tilespmem:$0x18400] =	vst v63  }
0x23e: {  	s3 =	simm.s32 $0xEC00  }
0x23f: {  	[tilespmem:s3], [sflag:$0x2] =	stream.indirect_vreg.gather [hbm4b:s5+s2], $0x80, v3, vm0, $0xb8;
	[tilespmem:$0x18400] =	vst v63  }
0x240: {  	s14 =	simm.s32 $0xF400  }
0x241: {  	[tilespmem:s14], [sflag:$0x2] =	stream.indirect_vreg.gather [hbm4b:s6+s2], $0x80, v3, vm0, $0xb8;
	[tilespmem:$0x18400] =	vst v63  }
0x242: {  	s25 =	simm.s32 $0xFC00  }
0x243: {  	[tilespmem:s25], [sflag:$0x2] =	stream.indirect_vreg.gather [hbm4b:s7+s2], $0x80, v3, vm0, $0xb8;
	[tilespmem:$0x18400] =	vst v63  }
0x244: {  	_ =	swait.ge [sflag:s23], $0x8000  }
0x245: {  	[sflag:s23] =	ssyncset.done $0x0  }
0x246: {  	s0 =	simm.s32 $0x10400;
	s25 =	rddreg [dreg:$0xb];
	[sflag:s23] =	ssyncadd.s32 $0xFFFF8000  }
0x247: {  	[hbm4b:s25+s2] =	stream.linear.scatter [tilespmem:s0], [sflag:$0x6], $0x8000, $0x38;
	[tilespmem:$0x18400] =	vst v63  }
0x248: {  	_ =	swait.ge [sflag:s24], $0x8000  }
0x249: {  	[sflag:s24] =	ssyncset.done $0x0  }
0x24a: {  	[sflag:s24] =	ssyncadd.s32 $0xFFFF8000  }
0x24b: {  	v3 =	vld [tilespmem:$0x160];
	_ =	sdelay $0x4  }
0x24c: {  	v22 =	vshll.u32 v3, $0x3  }
0x24d: {  	v3 =	vand.u32 $0x7, v3;
	v4 =	vand.u32 $0xFFFFFFC0, v22  }
0x24e: {  	v3 =	vor.u32 v3, v4  }
0x24f: {  	v4 =	vperm.xlane v3, v0;
	_ =	sdelay $0x1  }
0x250: {  	v4 =	vadd.s32 v1, v4;
	_ =	sdelay $0x4  }
0x251: {  	[tilespmem:s0], [sflag:$0x3] =	stream.indirect_vreg.gather [hbm4b:s4+s2], $0x80, v4, vm0, $0xb8;
	[tilespmem:$0x18400] =	vst v63  }
0x252: {  	s25 =	simm.s32 $0x10C00;
	v3 =	vperm.xlane v3, v2  }
0x253: {  	[tilespmem:s25], [sflag:$0x3] =	stream.indirect_vreg.gather [hbm4b:s5+s2], $0x80, v4, vm0, $0xb8;
	[tilespmem:$0x18400] =	vst v63  }
0x254: {  	v3 =	vadd.s32 v1, v3;
	s25 =	simm.s32 $0x11400  }
0x255: {  	[tilespmem:s25], [sflag:$0x3] =	stream.indirect_vreg.gather [hbm4b:s6+s2], $0x80, v4, vm0, $0xb8;
	[tilespmem:$0x18400] =	vst v63  }
0x256: {  	s25 =	simm.s32 $0x11C00  }
0x257: {  	[tilespmem:s25], [sflag:$0x3] =	stream.indirect_vreg.gather [hbm4b:s7+s2], $0x80, v4, vm0, $0xb8;
	[tilespmem:$0x18400] =	vst v63  }
0x258: {  	s25 =	simm.s32 $0x12400  }
0x259: {  	[tilespmem:s25], [sflag:$0x3] =	stream.indirect_vreg.gather [hbm4b:s4+s2], $0x80, v3, vm0, $0xb8;
	[tilespmem:$0x18400] =	vst v63  }
0x25a: {  	s25 =	simm.s32 $0x12C00  }
0x25b: {  	[tilespmem:s25], [sflag:$0x3] =	stream.indirect_vreg.gather [hbm4b:s5+s2], $0x80, v3, vm0, $0xb8;
	[tilespmem:$0x18400] =	vst v63  }
0x25c: {  	s25 =	simm.s32 $0x13400  }
0x25d: {  	[tilespmem:s25], [sflag:$0x3] =	stream.indirect_vreg.gather [hbm4b:s6+s2], $0x80, v3, vm0, $0xb8;
	[tilespmem:$0x18400] =	vst v63  }
0x25e: {  	s25 =	simm.s32 $0x13C00  }
0x25f: {  	[tilespmem:s25], [sflag:$0x3] =	stream.indirect_vreg.gather [hbm4b:s7+s2], $0x80, v3, vm0, $0xb8;
	[tilespmem:$0x18400] =	vst v63  }
0x260: {  	v3 =	vld [tilespmem:$0x170];
	_ =	sdelay $0x4  }
0x261: {  	v23 =	vshll.u32 v3, $0x3  }
0x262: {  	v3 =	vand.u32 $0x7, v3;
	v4 =	vand.u32 $0xFFFFFFC0, v23  }
0x263: {  	v3 =	vor.u32 v3, v4  }
0x264: {  	v4 =	vperm.xlane v3, v0;
	_ =	sdelay $0x1  }
0x265: {  	v4 =	vadd.s32 v1, v4;
	_ =	sdelay $0x3  }
0x266: {  	s25 =	simm.s32 $0x14400  }
0x267: {  	[tilespmem:s25], [sflag:$0x3] =	stream.indirect_vreg.gather [hbm4b:s4+s2], $0x80, v4, vm0, $0xb8;
	[tilespmem:$0x18400] =	vst v63  }
0x268: {  	v3 =	vperm.xlane v3, v2;
	s25 =	simm.s32 $0x14C00  }
0x269: {  	[tilespmem:s25], [sflag:$0x3] =	stream.indirect_vreg.gather [hbm4b:s5+s2], $0x80, v4, vm0, $0xb8;
	[tilespmem:$0x18400] =	vst v63  }
0x26a: {  	v3 =	vadd.s32 v1, v3;
	s25 =	simm.s32 $0x15400  }
0x26b: {  	[tilespmem:s25], [sflag:$0x3] =	stream.indirect_vreg.gather [hbm4b:s6+s2], $0x80, v4, vm0, $0xb8;
	[tilespmem:$0x18400] =	vst v63  }
0x26c: {  	s25 =	simm.s32 $0x15C00  }
0x26d: {  	[tilespmem:s25], [sflag:$0x3] =	stream.indirect_vreg.gather [hbm4b:s7+s2], $0x80, v4, vm0, $0xb8;
	[tilespmem:$0x18400] =	vst v63  }
0x26e: {  	s25 =	simm.s32 $0x16400  }
0x26f: {  	[tilespmem:s25], [sflag:$0x3] =	stream.indirect_vreg.gather [hbm4b:s4+s2], $0x80, v3, vm0, $0xb8;
	[tilespmem:$0x18400] =	vst v63  }
0x270: {  	s25 =	simm.s32 $0x16C00  }
0x271: {  	[tilespmem:s25], [sflag:$0x3] =	stream.indirect_vreg.gather [hbm4b:s5+s2], $0x80, v3, vm0, $0xb8;
	[tilespmem:$0x18400] =	vst v63  }
0x272: {  	s25 =	simm.s32 $0x17400  }
0x273: {  	[tilespmem:s25], [sflag:$0x3] =	stream.indirect_vreg.gather [hbm4b:s6+s2], $0x80, v3, vm0, $0xb8;
	[tilespmem:$0x18400] =	vst v63  }
0x274: {  	s25 =	simm.s32 $0x17C00  }
0x275: {  	[tilespmem:s25], [sflag:$0x3] =	stream.indirect_vreg.gather [hbm4b:s7+s2], $0x80, v3, vm0, $0xb8;
	[tilespmem:$0x18400] =	vst v63  }
0x276: {  	_ =	swait.ge [sflag:s19], $0x8000  }
0x277: {  	[sflag:s19] =	ssyncset.done $0x0  }
0x278: {  	s0 =	simm.s32 $0x400;
	s25 =	rddreg [dreg:$0xc];
	[sflag:s19] =	ssyncadd.s32 $0xFFFF8000  }
0x279: {  	[hbm4b:s25+s2] =	stream.linear.scatter [tilespmem:s0], [sflag:$0x4], $0x8000, $0x38;
	[tilespmem:$0x18400] =	vst v63  }
0x27a: {  	_ =	swait.ge [sflag:s20], $0x8000  }
0x27b: {  	[sflag:s20] =	ssyncset.done $0x0  }
0x27c: {  	[sflag:s20] =	ssyncadd.s32 $0xFFFF8000  }
0x27d: {  	v3 =	vld [tilespmem:$0x180];
	_ =	sdelay $0x4  }
0x27e: {  	v24 =	vshll.u32 v3, $0x3  }
0x27f: {  	v3 =	vand.u32 $0x7, v3;
	v4 =	vand.u32 $0xFFFFFFC0, v24  }
0x280: {  	v3 =	vor.u32 v3, v4  }
0x281: {  	v4 =	vperm.xlane v3, v0;
	_ =	sdelay $0x1  }
0x282: {  	v4 =	vadd.s32 v1, v4;
	_ =	sdelay $0x4  }
0x283: {  	[tilespmem:s0], [sflag:$0x1] =	stream.indirect_vreg.gather [hbm4b:s4+s2], $0x80, v4, vm0, $0xb8;
	[tilespmem:$0x18400] =	vst v63  }
0x284: {  	s25 =	simm.s32 $0xC00;
	v3 =	vperm.xlane v3, v2  }
0x285: {  	[tilespmem:s25], [sflag:$0x1] =	stream.indirect_vreg.gather [hbm4b:s5+s2], $0x80, v4, vm0, $0xb8;
	[tilespmem:$0x18400] =	vst v63  }
0x286: {  	v3 =	vadd.s32 v1, v3;
	s25 =	simm.s32 $0x1400  }
0x287: {  	[tilespmem:s25], [sflag:$0x1] =	stream.indirect_vreg.gather [hbm4b:s6+s2], $0x80, v4, vm0, $0xb8;
	[tilespmem:$0x18400] =	vst v63  }
0x288: {  	_ = 	snop  }
0x289: {  	[tilespmem:s9], [sflag:$0x1] =	stream.indirect_vreg.gather [hbm4b:s7+s2], $0x80, v4, vm0, $0xb8;
	[tilespmem:$0x18400] =	vst v63  }
0x28a: {  	_ = 	snop  }
0x28b: {  	[tilespmem:s10], [sflag:$0x1] =	stream.indirect_vreg.gather [hbm4b:s4+s2], $0x80, v3, vm0, $0xb8;
	[tilespmem:$0x18400] =	vst v63  }
0x28c: {  	_ = 	snop  }
0x28d: {  	[tilespmem:s11], [sflag:$0x1] =	stream.indirect_vreg.gather [hbm4b:s5+s2], $0x80, v3, vm0, $0xb8;
	[tilespmem:$0x18400] =	vst v63  }
0x28e: {  	s9 =	simm.s32 $0x3400  }
0x28f: {  	[tilespmem:s9], [sflag:$0x1] =	stream.indirect_vreg.gather [hbm4b:s6+s2], $0x80, v3, vm0, $0xb8;
	[tilespmem:$0x18400] =	vst v63  }
0x290: {  	_ = 	snop  }
0x291: {  	[tilespmem:s1], [sflag:$0x1] =	stream.indirect_vreg.gather [hbm4b:s7+s2], $0x80, v3, vm0, $0xb8;
	[tilespmem:$0x18400] =	vst v63  }
0x292: {  	v3 =	vld [tilespmem:$0x190];
	_ =	sdelay $0x4  }
0x293: {  	v25 =	vshll.u32 v3, $0x3  }
0x294: {  	v3 =	vand.u32 $0x7, v3;
	v4 =	vand.u32 $0xFFFFFFC0, v25  }
0x295: {  	v3 =	vor.u32 v3, v4  }
0x296: {  	v4 =	vperm.xlane v3, v0;
	_ =	sdelay $0x1  }
0x297: {  	v4 =	vadd.s32 v1, v4;
	_ =	sdelay $0x3  }
0x298: {  	s10 =	simm.s32 $0x4400  }
0x299: {  	[tilespmem:s10], [sflag:$0x1] =	stream.indirect_vreg.gather [hbm4b:s4+s2], $0x80, v4, vm0, $0xb8;
	[tilespmem:$0x18400] =	vst v63  }
0x29a: {  	s11 =	simm.s32 $0x4C00;
	v3 =	vperm.xlane v3, v2  }
0x29b: {  	[tilespmem:s11], [sflag:$0x1] =	stream.indirect_vreg.gather [hbm4b:s5+s2], $0x80, v4, vm0, $0xb8;
	[tilespmem:$0x18400] =	vst v63  }
0x29c: {  	v3 =	vadd.s32 v1, v3  }
0x29d: {  	[tilespmem:s12], [sflag:$0x1] =	stream.indirect_vreg.gather [hbm4b:s6+s2], $0x80, v4, vm0, $0xb8;
	[tilespmem:$0x18400] =	vst v63  }
0x29e: {  	_ = 	snop  }
0x29f: {  	[tilespmem:s13], [sflag:$0x1] =	stream.indirect_vreg.gather [hbm4b:s7+s2], $0x80, v4, vm0, $0xb8;
	[tilespmem:$0x18400] =	vst v63  }
0x2a0: {  	_ = 	snop  }
0x2a1: {  	[tilespmem:s15], [sflag:$0x1] =	stream.indirect_vreg.gather [hbm4b:s4+s2], $0x80, v3, vm0, $0xb8;
	[tilespmem:$0x18400] =	vst v63  }
0x2a2: {  	_ = 	snop  }
0x2a3: {  	[tilespmem:s16], [sflag:$0x1] =	stream.indirect_vreg.gather [hbm4b:s5+s2], $0x80, v3, vm0, $0xb8;
	[tilespmem:$0x18400] =	vst v63  }
0x2a4: {  	_ = 	snop  }
0x2a5: {  	[tilespmem:s17], [sflag:$0x1] =	stream.indirect_vreg.gather [hbm4b:s6+s2], $0x80, v3, vm0, $0xb8;
	[tilespmem:$0x18400] =	vst v63  }
0x2a6: {  	_ = 	snop  }
0x2a7: {  	[tilespmem:s18], [sflag:$0x1] =	stream.indirect_vreg.gather [hbm4b:s7+s2], $0x80, v3, vm0, $0xb8;
	[tilespmem:$0x18400] =	vst v63  }
0x2a8: {  	_ =	swait.ge [sflag:s21], $0x8000  }
0x2a9: {  	[sflag:s21] =	ssyncset.done $0x0  }
0x2aa: {  	s13 =	simm.s32 $0x8400;
	s12 =	rddreg [dreg:$0xd];
	[sflag:s21] =	ssyncadd.s32 $0xFFFF8000  }
0x2ab: {  	[hbm4b:s12+s2] =	stream.linear.scatter [tilespmem:s13], [sflag:$0x5], $0x8000, $0x38;
	[tilespmem:$0x18400] =	vst v63  }
0x2ac: {  	_ =	swait.ge [sflag:s22], $0x8000  }
0x2ad: {  	[sflag:s22] =	ssyncset.done $0x0  }
0x2ae: {  	[sflag:s22] =	ssyncadd.s32 $0xFFFF8000  }
0x2af: {  	v3 =	vld [tilespmem:$0x1A0];
	_ =	sdelay $0x4  }
0x2b0: {  	v26 =	vshll.u32 v3, $0x3  }
0x2b1: {  	v3 =	vand.u32 $0x7, v3;
	v4 =	vand.u32 $0xFFFFFFC0, v26  }
0x2b2: {  	v3 =	vor.u32 v3, v4  }
0x2b3: {  	v4 =	vperm.xlane v3, v0;
	_ =	sdelay $0x1  }
0x2b4: {  	v4 =	vadd.s32 v1, v4;
	_ =	sdelay $0x4  }
0x2b5: {  	[tilespmem:s13], [sflag:$0x2] =	stream.indirect_vreg.gather [hbm4b:s4+s2], $0x80, v4, vm0, $0xb8;
	[tilespmem:$0x18400] =	vst v63  }
0x2b6: {  	s15 =	simm.s32 $0x8C00;
	v3 =	vperm.xlane v3, v2  }
0x2b7: {  	[tilespmem:s15], [sflag:$0x2] =	stream.indirect_vreg.gather [hbm4b:s5+s2], $0x80, v4, vm0, $0xb8;
	[tilespmem:$0x18400] =	vst v63  }
0x2b8: {  	v3 =	vadd.s32 v1, v3  }
0x2b9: {  	[tilespmem:s8], [sflag:$0x2] =	stream.indirect_vreg.gather [hbm4b:s6+s2], $0x80, v4, vm0, $0xb8;
	[tilespmem:$0x18400] =	vst v63  }
0x2ba: {  	_ = 	snop  }
0x2bb: {  	[tilespmem:s26], [sflag:$0x2] =	stream.indirect_vreg.gather [hbm4b:s7+s2], $0x80, v4, vm0, $0xb8;
	[tilespmem:$0x18400] =	vst v63  }
0x2bc: {  	_ = 	snop  }
0x2bd: {  	[tilespmem:s28], [sflag:$0x2] =	stream.indirect_vreg.gather [hbm4b:s4+s2], $0x80, v3, vm0, $0xb8;
	[tilespmem:$0x18400] =	vst v63  }
0x2be: {  	_ = 	snop  }
0x2bf: {  	[tilespmem:s29], [sflag:$0x2] =	stream.indirect_vreg.gather [hbm4b:s5+s2], $0x80, v3, vm0, $0xb8;
	[tilespmem:$0x18400] =	vst v63  }
0x2c0: {  	_ = 	snop  }
0x2c1: {  	[tilespmem:s30], [sflag:$0x2] =	stream.indirect_vreg.gather [hbm4b:s6+s2], $0x80, v3, vm0, $0xb8;
	[tilespmem:$0x18400] =	vst v63  }
0x2c2: {  	s0 =	simm.s32 $0xBC00  }
0x2c3: {  	[tilespmem:s0], [sflag:$0x2] =	stream.indirect_vreg.gather [hbm4b:s7+s2], $0x80, v3, vm0, $0xb8;
	[tilespmem:$0x18400] =	vst v63  }
0x2c4: {  	v3 =	vld [tilespmem:$0x1B0];
	_ =	sdelay $0x4  }
0x2c5: {  	v27 =	vshll.u32 v3, $0x3  }
0x2c6: {  	v3 =	vand.u32 $0x7, v3;
	v4 =	vand.u32 $0xFFFFFFC0, v27  }
0x2c7: {  	v3 =	vor.u32 v3, v4  }
0x2c8: {  	v4 =	vperm.xlane v3, v0;
	_ =	sdelay $0x1  }
0x2c9: {  	v4 =	vadd.s32 v1, v4;
	_ =	sdelay $0x3  }
0x2ca: {  	s29 =	simm.s32 $0xC400  }
0x2cb: {  	[tilespmem:s29], [sflag:$0x2] =	stream.indirect_vreg.gather [hbm4b:s4+s2], $0x80, v4, vm0, $0xb8;
	[tilespmem:$0x18400] =	vst v63  }
0x2cc: {  	s16 =	simm.s32 $0xCC00;
	v3 =	vperm.xlane v3, v2  }
0x2cd: {  	[tilespmem:s16], [sflag:$0x2] =	stream.indirect_vreg.gather [hbm4b:s5+s2], $0x80, v4, vm0, $0xb8;
	[tilespmem:$0x18400] =	vst v63  }
0x2ce: {  	v3 =	vadd.s32 v1, v3  }
0x2cf: {  	[tilespmem:s31], [sflag:$0x2] =	stream.indirect_vreg.gather [hbm4b:s6+s2], $0x80, v4, vm0, $0xb8;
	[tilespmem:$0x18400] =	vst v63  }
0x2d0: {  	s17 =	simm.s32 $0xDC00  }
0x2d1: {  	[tilespmem:s17], [sflag:$0x2] =	stream.indirect_vreg.gather [hbm4b:s7+s2], $0x80, v4, vm0, $0xb8;
	[tilespmem:$0x18400] =	vst v63  }
0x2d2: {  	s18 =	simm.s32 $0xE400  }
0x2d3: {  	[tilespmem:s18], [sflag:$0x2] =	stream.indirect_vreg.gather [hbm4b:s4+s2], $0x80, v3, vm0, $0xb8;
	[tilespmem:$0x18400] =	vst v63  }
0x2d4: {  	_ = 	snop  }
0x2d5: {  	[tilespmem:s3], [sflag:$0x2] =	stream.indirect_vreg.gather [hbm4b:s5+s2], $0x80, v3, vm0, $0xb8;
	[tilespmem:$0x18400] =	vst v63  }
0x2d6: {  	_ = 	snop  }
0x2d7: {  	[tilespmem:s14], [sflag:$0x2] =	stream.indirect_vreg.gather [hbm4b:s6+s2], $0x80, v3, vm0, $0xb8;
	[tilespmem:$0x18400] =	vst v63  }
0x2d8: {  	s25 =	simm.s32 $0xFC00  }
0x2d9: {  	[tilespmem:s25], [sflag:$0x2] =	stream.indirect_vreg.gather [hbm4b:s7+s2], $0x80, v3, vm0, $0xb8;
	[tilespmem:$0x18400] =	vst v63  }
0x2da: {  	_ =	swait.ge [sflag:s23], $0x8000  }
0x2db: {  	[sflag:s23] =	ssyncset.done $0x0  }
0x2dc: {  	s28 =	simm.s32 $0x10400;
	s26 =	rddreg [dreg:$0xe];
	[sflag:s23] =	ssyncadd.s32 $0xFFFF8000  }
0x2dd: {  	[hbm4b:s26+s2] =	stream.linear.scatter [tilespmem:s28], [sflag:$0x6], $0x8000, $0x38;
	[tilespmem:$0x18400] =	vst v63  }
0x2de: {  	_ =	swait.ge [sflag:s24], $0x8000  }
0x2df: {  	[sflag:s24] =	ssyncset.done $0x0  }
0x2e0: {  	[sflag:s24] =	ssyncadd.s32 $0xFFFF8000  }
0x2e1: {  	v3 =	vld [tilespmem:$0x1C0];
	_ =	sdelay $0x4  }
0x2e2: {  	v28 =	vshll.u32 v3, $0x3  }
0x2e3: {  	v3 =	vand.u32 $0x7, v3;
	v4 =	vand.u32 $0xFFFFFFC0, v28  }
0x2e4: {  	v3 =	vor.u32 v3, v4  }
0x2e5: {  	v4 =	vperm.xlane v3, v0;
	_ =	sdelay $0x1  }
0x2e6: {  	v4 =	vadd.s32 v1, v4;
	_ =	sdelay $0x4  }
0x2e7: {  	[tilespmem:s28], [sflag:$0x3] =	stream.indirect_vreg.gather [hbm4b:s4+s2], $0x80, v4, vm0, $0xb8;
	[tilespmem:$0x18400] =	vst v63  }
0x2e8: {  	s30 =	simm.s32 $0x10C00;
	v3 =	vperm.xlane v3, v2  }
0x2e9: {  	[tilespmem:s30], [sflag:$0x3] =	stream.indirect_vreg.gather [hbm4b:s5+s2], $0x80, v4, vm0, $0xb8;
	[tilespmem:$0x18400] =	vst v63  }
0x2ea: {  	s1 =	simm.s32 $0x11400;
	v3 =	vadd.s32 v1, v3  }
0x2eb: {  	[tilespmem:s1], [sflag:$0x3] =	stream.indirect_vreg.gather [hbm4b:s6+s2], $0x80, v4, vm0, $0xb8;
	[tilespmem:$0x18400] =	vst v63  }
0x2ec: {  	s3 =	simm.s32 $0x11C00  }
0x2ed: {  	[tilespmem:s3], [sflag:$0x3] =	stream.indirect_vreg.gather [hbm4b:s7+s2], $0x80, v4, vm0, $0xb8;
	[tilespmem:$0x18400] =	vst v63  }
0x2ee: {  	s8 =	simm.s32 $0x12400  }
0x2ef: {  	[tilespmem:s8], [sflag:$0x3] =	stream.indirect_vreg.gather [hbm4b:s4+s2], $0x80, v3, vm0, $0xb8;
	[tilespmem:$0x18400] =	vst v63  }
0x2f0: {  	s9 =	simm.s32 $0x12C00  }
0x2f1: {  	[tilespmem:s9], [sflag:$0x3] =	stream.indirect_vreg.gather [hbm4b:s5+s2], $0x80, v3, vm0, $0xb8;
	[tilespmem:$0x18400] =	vst v63  }
0x2f2: {  	s10 =	simm.s32 $0x13400  }
0x2f3: {  	[tilespmem:s10], [sflag:$0x3] =	stream.indirect_vreg.gather [hbm4b:s6+s2], $0x80, v3, vm0, $0xb8;
	[tilespmem:$0x18400] =	vst v63  }
0x2f4: {  	s16 =	simm.s32 $0x13C00  }
0x2f5: {  	[tilespmem:s16], [sflag:$0x3] =	stream.indirect_vreg.gather [hbm4b:s7+s2], $0x80, v3, vm0, $0xb8;
	[tilespmem:$0x18400] =	vst v63  }
0x2f6: {  	v3 =	vld [tilespmem:$0x1D0];
	_ =	sdelay $0x4  }
0x2f7: {  	v29 =	vshll.u32 v3, $0x3  }
0x2f8: {  	v3 =	vand.u32 $0x7, v3;
	v4 =	vand.u32 $0xFFFFFFC0, v29  }
0x2f9: {  	v3 =	vor.u32 v3, v4  }
0x2fa: {  	v4 =	vperm.xlane v3, v0;
	_ =	sdelay $0x1  }
0x2fb: {  	v4 =	vadd.s32 v1, v4;
	_ =	sdelay $0x3  }
0x2fc: {  	s17 =	simm.s32 $0x14400  }
0x2fd: {  	[tilespmem:s17], [sflag:$0x3] =	stream.indirect_vreg.gather [hbm4b:s4+s2], $0x80, v4, vm0, $0xb8;
	[tilespmem:$0x18400] =	vst v63  }
0x2fe: {  	s18 =	simm.s32 $0x14C00;
	v3 =	vperm.xlane v3, v2  }
0x2ff: {  	[tilespmem:s18], [sflag:$0x3] =	stream.indirect_vreg.gather [hbm4b:s5+s2], $0x80, v4, vm0, $0xb8;
	[tilespmem:$0x18400] =	vst v63  }
0x300: {  	s11 =	simm.s32 $0x15400;
	v3 =	vadd.s32 v1, v3  }
0x301: {  	[tilespmem:s11], [sflag:$0x3] =	stream.indirect_vreg.gather [hbm4b:s6+s2], $0x80, v4, vm0, $0xb8;
	[tilespmem:$0x18400] =	vst v63  }
0x302: {  	s12 =	simm.s32 $0x15C00  }
0x303: {  	[tilespmem:s12], [sflag:$0x3] =	stream.indirect_vreg.gather [hbm4b:s7+s2], $0x80, v4, vm0, $0xb8;
	[tilespmem:$0x18400] =	vst v63  }
0x304: {  	s13 =	simm.s32 $0x16400  }
0x305: {  	[tilespmem:s13], [sflag:$0x3] =	stream.indirect_vreg.gather [hbm4b:s4+s2], $0x80, v3, vm0, $0xb8;
	[tilespmem:$0x18400] =	vst v63  }
0x306: {  	s14 =	simm.s32 $0x16C00  }
0x307: {  	[tilespmem:s14], [sflag:$0x3] =	stream.indirect_vreg.gather [hbm4b:s5+s2], $0x80, v3, vm0, $0xb8;
	[tilespmem:$0x18400] =	vst v63  }
0x308: {  	s15 =	simm.s32 $0x17400  }
0x309: {  	[tilespmem:s15], [sflag:$0x3] =	stream.indirect_vreg.gather [hbm4b:s6+s2], $0x80, v3, vm0, $0xb8;
	[tilespmem:$0x18400] =	vst v63  }
0x30a: {  	s26 =	simm.s32 $0x17C00  }
0x30b: {  	[tilespmem:s26], [sflag:$0x3] =	stream.indirect_vreg.gather [hbm4b:s7+s2], $0x80, v3, vm0, $0xb8;
	[tilespmem:$0x18400] =	vst v63  }
0x30c: {  	_ =	swait.ge [sflag:s19], $0x8000  }
0x30d: {  	[sflag:s19] =	ssyncset.done $0x0  }
0x30e: {  	s30 =	simm.s32 $0x400;
	s31 =	rddreg [dreg:$0xf];
	[sflag:s19] =	ssyncadd.s32 $0xFFFF8000  }
0x30f: {  	[hbm4b:s31+s2] =	stream.linear.scatter [tilespmem:s30], [sflag:$0x4], $0x8000, $0x38;
	[tilespmem:$0x18400] =	vst v63  }
0x310: {  	_ =	swait.ge [sflag:s20], $0x8000  }
0x311: {  	[sflag:s20] =	ssyncset.done $0x0  }
0x312: {  	[sflag:s20] =	ssyncadd.s32 $0xFFFF8000  }
0x313: {  	v3 =	vld [tilespmem:$0x1E0];
	_ =	sdelay $0x4  }
0x314: {  	v30 =	vshll.u32 v3, $0x3  }
0x315: {  	v3 =	vand.u32 $0x7, v3;
	v4 =	vand.u32 $0xFFFFFFC0, v30  }
0x316: {  	v3 =	vor.u32 v3, v4  }
0x317: {  	v4 =	vperm.xlane v3, v0;
	_ =	sdelay $0x1  }
0x318: {  	v4 =	vadd.s32 v1, v4;
	_ =	sdelay $0x4  }
0x319: {  	[tilespmem:s30], [sflag:$0x1] =	stream.indirect_vreg.gather [hbm4b:s4+s2], $0x80, v4, vm0, $0xb8;
	[tilespmem:$0x18400] =	vst v63  }
0x31a: {  	s31 =	simm.s32 $0xC00;
	v3 =	vperm.xlane v3, v2  }
0x31b: {  	[tilespmem:s31], [sflag:$0x1] =	stream.indirect_vreg.gather [hbm4b:s5+s2], $0x80, v4, vm0, $0xb8;
	[tilespmem:$0x18400] =	vst v63  }
0x31c: {  	s28 =	simm.s32 $0x1400;
	v3 =	vadd.s32 v1, v3  }
0x31d: {  	[tilespmem:s28], [sflag:$0x1] =	stream.indirect_vreg.gather [hbm4b:s6+s2], $0x80, v4, vm0, $0xb8;
	[tilespmem:$0x18400] =	vst v63  }
0x31e: {  	s30 =	simm.s32 $0x1C00  }
0x31f: {  	[tilespmem:s30], [sflag:$0x1] =	stream.indirect_vreg.gather [hbm4b:s7+s2], $0x80, v4, vm0, $0xb8;
	[tilespmem:$0x18400] =	vst v63  }
0x320: {  	s31 =	simm.s32 $0x2400  }
0x321: {  	[tilespmem:s31], [sflag:$0x1] =	stream.indirect_vreg.gather [hbm4b:s4+s2], $0x80, v3, vm0, $0xb8;
	[tilespmem:$0x18400] =	vst v63  }
0x322: {  	s28 =	simm.s32 $0x2C00  }
0x323: {  	[tilespmem:s28], [sflag:$0x1] =	stream.indirect_vreg.gather [hbm4b:s5+s2], $0x80, v3, vm0, $0xb8;
	[tilespmem:$0x18400] =	vst v63  }
0x324: {  	s28 =	simm.s32 $0x3400  }
0x325: {  	[tilespmem:s28], [sflag:$0x1] =	stream.indirect_vreg.gather [hbm4b:s6+s2], $0x80, v3, vm0, $0xb8;
	[tilespmem:$0x18400] =	vst v63  }
0x326: {  	s30 =	simm.s32 $0x3C00  }
0x327: {  	[tilespmem:s30], [sflag:$0x1] =	stream.indirect_vreg.gather [hbm4b:s7+s2], $0x80, v3, vm0, $0xb8;
	[tilespmem:$0x18400] =	vst v63  }
0x328: {  	v3 =	vld [tilespmem:$0x1F0];
	_ =	sdelay $0x4  }
0x329: {  	v31 =	vshll.u32 v3, $0x3  }
0x32a: {  	v3 =	vand.u32 $0x7, v3;
	v4 =	vand.u32 $0xFFFFFFC0, v31  }
0x32b: {  	v3 =	vor.u32 v3, v4  }
0x32c: {  	v4 =	vperm.xlane v3, v0;
	_ =	sdelay $0x1  }
0x32d: {  	v4 =	vadd.s32 v1, v4;
	_ =	sdelay $0x3  }
0x32e: {  	s31 =	simm.s32 $0x4400  }
0x32f: {  	[tilespmem:s31], [sflag:$0x1] =	stream.indirect_vreg.gather [hbm4b:s4+s2], $0x80, v4, vm0, $0xb8;
	[tilespmem:$0x18400] =	vst v63  }
0x330: {  	s30 =	simm.s32 $0x4C00;
	v3 =	vperm.xlane v3, v2  }
0x331: {  	[tilespmem:s30], [sflag:$0x1] =	stream.indirect_vreg.gather [hbm4b:s5+s2], $0x80, v4, vm0, $0xb8;
	[tilespmem:$0x18400] =	vst v63  }
0x332: {  	v3 =	vadd.s32 v1, v3;
	s31 =	simm.s32 $0x5400  }
0x333: {  	[tilespmem:s31], [sflag:$0x1] =	stream.indirect_vreg.gather [hbm4b:s6+s2], $0x80, v4, vm0, $0xb8;
	[tilespmem:$0x18400] =	vst v63  }
0x334: {  	s30 =	simm.s32 $0x5C00  }
0x335: {  	[tilespmem:s30], [sflag:$0x1] =	stream.indirect_vreg.gather [hbm4b:s7+s2], $0x80, v4, vm0, $0xb8;
	[tilespmem:$0x18400] =	vst v63  }
0x336: {  	s31 =	simm.s32 $0x6400  }
0x337: {  	[tilespmem:s31], [sflag:$0x1] =	stream.indirect_vreg.gather [hbm4b:s4+s2], $0x80, v3, vm0, $0xb8;
	[tilespmem:$0x18400] =	vst v63  }
0x338: {  	s30 =	simm.s32 $0x6C00  }
0x339: {  	[tilespmem:s30], [sflag:$0x1] =	stream.indirect_vreg.gather [hbm4b:s5+s2], $0x80, v3, vm0, $0xb8;
	[tilespmem:$0x18400] =	vst v63  }
0x33a: {  	s31 =	simm.s32 $0x7400  }
0x33b: {  	[tilespmem:s31], [sflag:$0x1] =	stream.indirect_vreg.gather [hbm4b:s6+s2], $0x80, v3, vm0, $0xb8;
	[tilespmem:$0x18400] =	vst v63  }
0x33c: {  	s30 =	simm.s32 $0x7C00  }
0x33d: {  	[tilespmem:s30], [sflag:$0x1] =	stream.indirect_vreg.gather [hbm4b:s7+s2], $0x80, v3, vm0, $0xb8;
	[tilespmem:$0x18400] =	vst v63  }
0x33e: {  	_ =	swait.ge [sflag:s21], $0x8000  }
0x33f: {  	[sflag:s21] =	ssyncset.done $0x0  }
0x340: {  	s31 =	simm.s32 $0x8400;
	s25 =	rddreg [dreg:$0x10];
	[sflag:s21] =	ssyncadd.s32 $0xFFFF8000  }
0x341: {  	[hbm4b:s25+s2] =	stream.linear.scatter [tilespmem:s31], [sflag:$0x5], $0x8000, $0x38;
	[tilespmem:$0x18400] =	vst v63  }
0x342: {  	_ =	swait.ge [sflag:s22], $0x8000  }
0x343: {  	[sflag:s22] =	ssyncset.done $0x0  }
0x344: {  	[sflag:s22] =	ssyncadd.s32 $0xFFFF8000  }
0x345: {  	v3 =	vld [tilespmem:$0x200];
	_ =	sdelay $0x4  }
0x346: {  	v32 =	vshll.u32 v3, $0x3  }
0x347: {  	v3 =	vand.u32 $0x7, v3;
	v4 =	vand.u32 $0xFFFFFFC0, v32  }
0x348: {  	v3 =	vor.u32 v3, v4  }
0x349: {  	v4 =	vperm.xlane v3, v0;
	_ =	sdelay $0x1  }
0x34a: {  	v4 =	vadd.s32 v1, v4;
	_ =	sdelay $0x4  }
0x34b: {  	[tilespmem:s31], [sflag:$0x2] =	stream.indirect_vreg.gather [hbm4b:s4+s2], $0x80, v4, vm0, $0xb8;
	[tilespmem:$0x18400] =	vst v63  }
0x34c: {  	v3 =	vperm.xlane v3, v2;
	s31 =	simm.s32 $0x8C00  }
0x34d: {  	[tilespmem:s31], [sflag:$0x2] =	stream.indirect_vreg.gather [hbm4b:s5+s2], $0x80, v4, vm0, $0xb8;
	[tilespmem:$0x18400] =	vst v63  }
0x34e: {  	s30 =	simm.s32 $0x9400;
	v3 =	vadd.s32 v1, v3  }
0x34f: {  	[tilespmem:s30], [sflag:$0x2] =	stream.indirect_vreg.gather [hbm4b:s6+s2], $0x80, v4, vm0, $0xb8;
	[tilespmem:$0x18400] =	vst v63  }
0x350: {  	s31 =	simm.s32 $0x9C00  }
0x351: {  	[tilespmem:s31], [sflag:$0x2] =	stream.indirect_vreg.gather [hbm4b:s7+s2], $0x80, v4, vm0, $0xb8;
	[tilespmem:$0x18400] =	vst v63  }
0x352: {  	s25 =	simm.s32 $0xA400  }
0x353: {  	[tilespmem:s25], [sflag:$0x2] =	stream.indirect_vreg.gather [hbm4b:s4+s2], $0x80, v3, vm0, $0xb8;
	[tilespmem:$0x18400] =	vst v63  }
0x354: {  	s25 =	simm.s32 $0xAC00  }
0x355: {  	[tilespmem:s25], [sflag:$0x2] =	stream.indirect_vreg.gather [hbm4b:s5+s2], $0x80, v3, vm0, $0xb8;
	[tilespmem:$0x18400] =	vst v63  }
0x356: {  	s25 =	simm.s32 $0xB400  }
0x357: {  	[tilespmem:s25], [sflag:$0x2] =	stream.indirect_vreg.gather [hbm4b:s6+s2], $0x80, v3, vm0, $0xb8;
	[tilespmem:$0x18400] =	vst v63  }
0x358: {  	_ = 	snop  }
0x359: {  	[tilespmem:s0], [sflag:$0x2] =	stream.indirect_vreg.gather [hbm4b:s7+s2], $0x80, v3, vm0, $0xb8;
	[tilespmem:$0x18400] =	vst v63  }
0x35a: {  	v3 =	vld [tilespmem:$0x210];
	_ =	sdelay $0x4  }
0x35b: {  	v33 =	vshll.u32 v3, $0x3  }
0x35c: {  	v3 =	vand.u32 $0x7, v3;
	v4 =	vand.u32 $0xFFFFFFC0, v33  }
0x35d: {  	v3 =	vor.u32 v3, v4  }
0x35e: {  	v4 =	vperm.xlane v3, v0;
	_ =	sdelay $0x1  }
0x35f: {  	v4 =	vadd.s32 v1, v4;
	_ =	sdelay $0x4  }
0x360: {  	[tilespmem:s29], [sflag:$0x2] =	stream.indirect_vreg.gather [hbm4b:s4+s2], $0x80, v4, vm0, $0xb8;
	[tilespmem:$0x18400] =	vst v63  }
0x361: {  	v3 =	vperm.xlane v3, v2;
	s29 =	simm.s32 $0xCC00  }
0x362: {  	[tilespmem:s29], [sflag:$0x2] =	stream.indirect_vreg.gather [hbm4b:s5+s2], $0x80, v4, vm0, $0xb8;
	[tilespmem:$0x18400] =	vst v63  }
0x363: {  	v3 =	vadd.s32 v1, v3;
	s29 =	simm.s32 $0xD400  }
0x364: {  	[tilespmem:s29], [sflag:$0x2] =	stream.indirect_vreg.gather [hbm4b:s6+s2], $0x80, v4, vm0, $0xb8;
	[tilespmem:$0x18400] =	vst v63  }
0x365: {  	s25 =	simm.s32 $0xDC00  }
0x366: {  	[tilespmem:s25], [sflag:$0x2] =	stream.indirect_vreg.gather [hbm4b:s7+s2], $0x80, v4, vm0, $0xb8;
	[tilespmem:$0x18400] =	vst v63  }
0x367: {  	s25 =	simm.s32 $0xE400  }
0x368: {  	[tilespmem:s25], [sflag:$0x2] =	stream.indirect_vreg.gather [hbm4b:s4+s2], $0x80, v3, vm0, $0xb8;
	[tilespmem:$0x18400] =	vst v63  }
0x369: {  	s25 =	simm.s32 $0xEC00  }
0x36a: {  	[tilespmem:s25], [sflag:$0x2] =	stream.indirect_vreg.gather [hbm4b:s5+s2], $0x80, v3, vm0, $0xb8;
	[tilespmem:$0x18400] =	vst v63  }
0x36b: {  	s25 =	simm.s32 $0xF400  }
0x36c: {  	[tilespmem:s25], [sflag:$0x2] =	stream.indirect_vreg.gather [hbm4b:s6+s2], $0x80, v3, vm0, $0xb8;
	[tilespmem:$0x18400] =	vst v63  }
0x36d: {  	s25 =	simm.s32 $0xFC00  }
0x36e: {  	[tilespmem:s25], [sflag:$0x2] =	stream.indirect_vreg.gather [hbm4b:s7+s2], $0x80, v3, vm0, $0xb8;
	[tilespmem:$0x18400] =	vst v63  }
0x36f: {  	_ =	swait.ge [sflag:s23], $0x8000  }
0x370: {  	[sflag:s23] =	ssyncset.done $0x0  }
0x371: {  	s0 =	simm.s32 $0x10400;
	s25 =	rddreg [dreg:$0x11];
	[sflag:s23] =	ssyncadd.s32 $0xFFFF8000  }
0x372: {  	[hbm4b:s25+s2] =	stream.linear.scatter [tilespmem:s0], [sflag:$0x6], $0x8000, $0x38;
	[tilespmem:$0x18400] =	vst v63  }
0x373: {  	_ =	swait.ge [sflag:s24], $0x8000  }
0x374: {  	[sflag:s24] =	ssyncset.done $0x0  }
0x375: {  	[sflag:s24] =	ssyncadd.s32 $0xFFFF8000  }
0x376: {  	v3 =	vld [tilespmem:$0x220];
	_ =	sdelay $0x4  }
0x377: {  	v34 =	vshll.u32 v3, $0x3  }
0x378: {  	v3 =	vand.u32 $0x7, v3;
	v4 =	vand.u32 $0xFFFFFFC0, v34  }
0x379: {  	v3 =	vor.u32 v3, v4  }
0x37a: {  	v4 =	vperm.xlane v3, v0;
	_ =	sdelay $0x1  }
0x37b: {  	v4 =	vadd.s32 v1, v4;
	_ =	sdelay $0x4  }
0x37c: {  	[tilespmem:s0], [sflag:$0x3] =	stream.indirect_vreg.gather [hbm4b:s4+s2], $0x80, v4, vm0, $0xb8;
	[tilespmem:$0x18400] =	vst v63  }
0x37d: {  	s25 =	simm.s32 $0x10C00;
	v3 =	vperm.xlane v3, v2  }
0x37e: {  	[tilespmem:s25], [sflag:$0x3] =	stream.indirect_vreg.gather [hbm4b:s5+s2], $0x80, v4, vm0, $0xb8;
	[tilespmem:$0x18400] =	vst v63  }
0x37f: {  	v3 =	vadd.s32 v1, v3  }
0x380: {  	[tilespmem:s1], [sflag:$0x3] =	stream.indirect_vreg.gather [hbm4b:s6+s2], $0x80, v4, vm0, $0xb8;
	[tilespmem:$0x18400] =	vst v63  }
0x381: {  	_ = 	snop  }
0x382: {  	[tilespmem:s3], [sflag:$0x3] =	stream.indirect_vreg.gather [hbm4b:s7+s2], $0x80, v4, vm0, $0xb8;
	[tilespmem:$0x18400] =	vst v63  }
0x383: {  	_ = 	snop  }
0x384: {  	[tilespmem:s8], [sflag:$0x3] =	stream.indirect_vreg.gather [hbm4b:s4+s2], $0x80, v3, vm0, $0xb8;
	[tilespmem:$0x18400] =	vst v63  }
0x385: {  	_ = 	snop  }
0x386: {  	[tilespmem:s9], [sflag:$0x3] =	stream.indirect_vreg.gather [hbm4b:s5+s2], $0x80, v3, vm0, $0xb8;
	[tilespmem:$0x18400] =	vst v63  }
0x387: {  	_ = 	snop  }
0x388: {  	[tilespmem:s10], [sflag:$0x3] =	stream.indirect_vreg.gather [hbm4b:s6+s2], $0x80, v3, vm0, $0xb8;
	[tilespmem:$0x18400] =	vst v63  }
0x389: {  	_ = 	snop  }
0x38a: {  	[tilespmem:s16], [sflag:$0x3] =	stream.indirect_vreg.gather [hbm4b:s7+s2], $0x80, v3, vm0, $0xb8;
	[tilespmem:$0x18400] =	vst v63  }
0x38b: {  	v3 =	vld [tilespmem:$0x230];
	_ =	sdelay $0x4  }
0x38c: {  	v35 =	vshll.u32 v3, $0x3  }
0x38d: {  	v3 =	vand.u32 $0x7, v3;
	v4 =	vand.u32 $0xFFFFFFC0, v35  }
0x38e: {  	v3 =	vor.u32 v3, v4  }
0x38f: {  	v4 =	vperm.xlane v3, v0;
	_ =	sdelay $0x1  }
0x390: {  	v4 =	vadd.s32 v1, v4;
	_ =	sdelay $0x4  }
0x391: {  	[tilespmem:s17], [sflag:$0x3] =	stream.indirect_vreg.gather [hbm4b:s4+s2], $0x80, v4, vm0, $0xb8;
	[tilespmem:$0x18400] =	vst v63  }
0x392: {  	v3 =	vperm.xlane v3, v2  }
0x393: {  	[tilespmem:s18], [sflag:$0x3] =	stream.indirect_vreg.gather [hbm4b:s5+s2], $0x80, v4, vm0, $0xb8;
	[tilespmem:$0x18400] =	vst v63  }
0x394: {  	v3 =	vadd.s32 v1, v3  }
0x395: {  	[tilespmem:s11], [sflag:$0x3] =	stream.indirect_vreg.gather [hbm4b:s6+s2], $0x80, v4, vm0, $0xb8;
	[tilespmem:$0x18400] =	vst v63  }
0x396: {  	_ = 	snop  }
0x397: {  	[tilespmem:s12], [sflag:$0x3] =	stream.indirect_vreg.gather [hbm4b:s7+s2], $0x80, v4, vm0, $0xb8;
	[tilespmem:$0x18400] =	vst v63  }
0x398: {  	_ = 	snop  }
0x399: {  	[tilespmem:s13], [sflag:$0x3] =	stream.indirect_vreg.gather [hbm4b:s4+s2], $0x80, v3, vm0, $0xb8;
	[tilespmem:$0x18400] =	vst v63  }
0x39a: {  	_ = 	snop  }
0x39b: {  	[tilespmem:s14], [sflag:$0x3] =	stream.indirect_vreg.gather [hbm4b:s5+s2], $0x80, v3, vm0, $0xb8;
	[tilespmem:$0x18400] =	vst v63  }
0x39c: {  	_ = 	snop  }
0x39d: {  	[tilespmem:s15], [sflag:$0x3] =	stream.indirect_vreg.gather [hbm4b:s6+s2], $0x80, v3, vm0, $0xb8;
	[tilespmem:$0x18400] =	vst v63  }
0x39e: {  	_ = 	snop  }
0x39f: {  	[tilespmem:s26], [sflag:$0x3] =	stream.indirect_vreg.gather [hbm4b:s7+s2], $0x80, v3, vm0, $0xb8;
	[tilespmem:$0x18400] =	vst v63  }
0x3a0: {  	_ =	swait.ge [sflag:s19], $0x8000  }
0x3a1: {  	[sflag:s19] =	ssyncset.done $0x0  }
0x3a2: {  	s18 =	simm.s32 $0x400;
	s17 =	rddreg [dreg:$0x12];
	[sflag:s19] =	ssyncadd.s32 $0xFFFF8000  }
0x3a3: {  	[hbm4b:s17+s2] =	stream.linear.scatter [tilespmem:s18], [sflag:$0x4], $0x8000, $0x38;
	[tilespmem:$0x18400] =	vst v63  }
0x3a4: {  	_ =	swait.ge [sflag:s20], $0x8000  }
0x3a5: {  	[sflag:s20] =	ssyncset.done $0x0  }
0x3a6: {  	[sflag:s20] =	ssyncadd.s32 $0xFFFF8000  }
0x3a7: {  	v3 =	vld [tilespmem:$0x240];
	_ =	sdelay $0x4  }
0x3a8: {  	v36 =	vshll.u32 v3, $0x3  }
0x3a9: {  	v3 =	vand.u32 $0x7, v3;
	v4 =	vand.u32 $0xFFFFFFC0, v36  }
0x3aa: {  	v3 =	vor.u32 v3, v4  }
0x3ab: {  	v4 =	vperm.xlane v3, v0;
	_ =	sdelay $0x1  }
0x3ac: {  	v4 =	vadd.s32 v1, v4;
	_ =	sdelay $0x4  }
0x3ad: {  	[tilespmem:s18], [sflag:$0x1] =	stream.indirect_vreg.gather [hbm4b:s4+s2], $0x80, v4, vm0, $0xb8;
	[tilespmem:$0x18400] =	vst v63  }
0x3ae: {  	s15 =	simm.s32 $0xC00;
	v3 =	vperm.xlane v3, v2  }
0x3af: {  	[tilespmem:s15], [sflag:$0x1] =	stream.indirect_vreg.gather [hbm4b:s5+s2], $0x80, v4, vm0, $0xb8;
	[tilespmem:$0x18400] =	vst v63  }
0x3b0: {  	s14 =	simm.s32 $0x1400;
	v3 =	vadd.s32 v1, v3  }
0x3b1: {  	[tilespmem:s14], [sflag:$0x1] =	stream.indirect_vreg.gather [hbm4b:s6+s2], $0x80, v4, vm0, $0xb8;
	[tilespmem:$0x18400] =	vst v63  }
0x3b2: {  	s8 =	simm.s32 $0x1C00  }
0x3b3: {  	[tilespmem:s8], [sflag:$0x1] =	stream.indirect_vreg.gather [hbm4b:s7+s2], $0x80, v4, vm0, $0xb8;
	[tilespmem:$0x18400] =	vst v63  }
0x3b4: {  	s1 =	simm.s32 $0x2400  }
0x3b5: {  	[tilespmem:s1], [sflag:$0x1] =	stream.indirect_vreg.gather [hbm4b:s4+s2], $0x80, v3, vm0, $0xb8;
	[tilespmem:$0x18400] =	vst v63  }
0x3b6: {  	s3 =	simm.s32 $0x2C00  }
0x3b7: {  	[tilespmem:s3], [sflag:$0x1] =	stream.indirect_vreg.gather [hbm4b:s5+s2], $0x80, v3, vm0, $0xb8;
	[tilespmem:$0x18400] =	vst v63  }
0x3b8: {  	_ = 	snop  }
0x3b9: {  	[tilespmem:s28], [sflag:$0x1] =	stream.indirect_vreg.gather [hbm4b:s6+s2], $0x80, v3, vm0, $0xb8;
	[tilespmem:$0x18400] =	vst v63  }
0x3ba: {  	s16 =	simm.s32 $0x3C00  }
0x3bb: {  	[tilespmem:s16], [sflag:$0x1] =	stream.indirect_vreg.gather [hbm4b:s7+s2], $0x80, v3, vm0, $0xb8;
	[tilespmem:$0x18400] =	vst v63  }
0x3bc: {  	v3 =	vld [tilespmem:$0x250];
	_ =	sdelay $0x4  }
0x3bd: {  	v37 =	vshll.u32 v3, $0x3  }
0x3be: {  	v3 =	vand.u32 $0x7, v3;
	v4 =	vand.u32 $0xFFFFFFC0, v37  }
0x3bf: {  	v3 =	vor.u32 v3, v4  }
0x3c0: {  	v4 =	vperm.xlane v3, v0;
	_ =	sdelay $0x1  }
0x3c1: {  	v4 =	vadd.s32 v1, v4;
	_ =	sdelay $0x3  }
0x3c2: {  	s17 =	simm.s32 $0x4400  }
0x3c3: {  	[tilespmem:s17], [sflag:$0x1] =	stream.indirect_vreg.gather [hbm4b:s4+s2], $0x80, v4, vm0, $0xb8;
	[tilespmem:$0x18400] =	vst v63  }
0x3c4: {  	s18 =	simm.s32 $0x4C00;
	v3 =	vperm.xlane v3, v2  }
0x3c5: {  	[tilespmem:s18], [sflag:$0x1] =	stream.indirect_vreg.gather [hbm4b:s5+s2], $0x80, v4, vm0, $0xb8;
	[tilespmem:$0x18400] =	vst v63  }
0x3c6: {  	s25 =	simm.s32 $0x5400;
	v3 =	vadd.s32 v1, v3  }
0x3c7: {  	[tilespmem:s25], [sflag:$0x1] =	stream.indirect_vreg.gather [hbm4b:s6+s2], $0x80, v4, vm0, $0xb8;
	[tilespmem:$0x18400] =	vst v63  }
0x3c8: {  	s9 =	simm.s32 $0x5C00  }
0x3c9: {  	[tilespmem:s9], [sflag:$0x1] =	stream.indirect_vreg.gather [hbm4b:s7+s2], $0x80, v4, vm0, $0xb8;
	[tilespmem:$0x18400] =	vst v63  }
0x3ca: {  	s10 =	simm.s32 $0x6400  }
0x3cb: {  	[tilespmem:s10], [sflag:$0x1] =	stream.indirect_vreg.gather [hbm4b:s4+s2], $0x80, v3, vm0, $0xb8;
	[tilespmem:$0x18400] =	vst v63  }
0x3cc: {  	s11 =	simm.s32 $0x6C00  }
0x3cd: {  	[tilespmem:s11], [sflag:$0x1] =	stream.indirect_vreg.gather [hbm4b:s5+s2], $0x80, v3, vm0, $0xb8;
	[tilespmem:$0x18400] =	vst v63  }
0x3ce: {  	s12 =	simm.s32 $0x7400  }
0x3cf: {  	[tilespmem:s12], [sflag:$0x1] =	stream.indirect_vreg.gather [hbm4b:s6+s2], $0x80, v3, vm0, $0xb8;
	[tilespmem:$0x18400] =	vst v63  }
0x3d0: {  	s13 =	simm.s32 $0x7C00  }
0x3d1: {  	[tilespmem:s13], [sflag:$0x1] =	stream.indirect_vreg.gather [hbm4b:s7+s2], $0x80, v3, vm0, $0xb8;
	[tilespmem:$0x18400] =	vst v63  }
0x3d2: {  	_ =	swait.ge [sflag:s21], $0x8000  }
0x3d3: {  	[sflag:s21] =	ssyncset.done $0x0  }
0x3d4: {  	s28 =	simm.s32 $0x8400;
	s26 =	rddreg [dreg:$0x13];
	[sflag:s21] =	ssyncadd.s32 $0xFFFF8000  }
0x3d5: {  	[hbm4b:s26+s2] =	stream.linear.scatter [tilespmem:s28], [sflag:$0x5], $0x8000, $0x38;
	[tilespmem:$0x18400] =	vst v63  }
0x3d6: {  	_ =	swait.ge [sflag:s22], $0x8000  }
0x3d7: {  	[sflag:s22] =	ssyncset.done $0x0  }
0x3d8: {  	[sflag:s22] =	ssyncadd.s32 $0xFFFF8000  }
0x3d9: {  	v3 =	vld [tilespmem:$0x260];
	_ =	sdelay $0x4  }
0x3da: {  	v38 =	vshll.u32 v3, $0x3  }
0x3db: {  	v3 =	vand.u32 $0x7, v3;
	v4 =	vand.u32 $0xFFFFFFC0, v38  }
0x3dc: {  	v3 =	vor.u32 v3, v4  }
0x3dd: {  	v4 =	vperm.xlane v3, v0;
	_ =	sdelay $0x1  }
0x3de: {  	v4 =	vadd.s32 v1, v4;
	_ =	sdelay $0x4  }
0x3df: {  	[tilespmem:s28], [sflag:$0x2] =	stream.indirect_vreg.gather [hbm4b:s4+s2], $0x80, v4, vm0, $0xb8;
	[tilespmem:$0x18400] =	vst v63  }
0x3e0: {  	v3 =	vperm.xlane v3, v2;
	s28 =	simm.s32 $0x8C00  }
0x3e1: {  	[tilespmem:s28], [sflag:$0x2] =	stream.indirect_vreg.gather [hbm4b:s5+s2], $0x80, v4, vm0, $0xb8;
	[tilespmem:$0x18400] =	vst v63  }
0x3e2: {  	v3 =	vadd.s32 v1, v3  }
0x3e3: {  	[tilespmem:s30], [sflag:$0x2] =	stream.indirect_vreg.gather [hbm4b:s6+s2], $0x80, v4, vm0, $0xb8;
	[tilespmem:$0x18400] =	vst v63  }
0x3e4: {  	_ = 	snop  }
0x3e5: {  	[tilespmem:s31], [sflag:$0x2] =	stream.indirect_vreg.gather [hbm4b:s7+s2], $0x80, v4, vm0, $0xb8;
	[tilespmem:$0x18400] =	vst v63  }
0x3e6: {  	s30 =	simm.s32 $0xA400  }
0x3e7: {  	[tilespmem:s30], [sflag:$0x2] =	stream.indirect_vreg.gather [hbm4b:s4+s2], $0x80, v3, vm0, $0xb8;
	[tilespmem:$0x18400] =	vst v63  }
0x3e8: {  	s31 =	simm.s32 $0xAC00  }
0x3e9: {  	[tilespmem:s31], [sflag:$0x2] =	stream.indirect_vreg.gather [hbm4b:s5+s2], $0x80, v3, vm0, $0xb8;
	[tilespmem:$0x18400] =	vst v63  }
0x3ea: {  	s25 =	simm.s32 $0xB400  }
0x3eb: {  	[tilespmem:s25], [sflag:$0x2] =	stream.indirect_vreg.gather [hbm4b:s6+s2], $0x80, v3, vm0, $0xb8;
	[tilespmem:$0x18400] =	vst v63  }
0x3ec: {  	s0 =	simm.s32 $0xBC00  }
0x3ed: {  	[tilespmem:s0], [sflag:$0x2] =	stream.indirect_vreg.gather [hbm4b:s7+s2], $0x80, v3, vm0, $0xb8;
	[tilespmem:$0x18400] =	vst v63  }
0x3ee: {  	v3 =	vld [tilespmem:$0x270];
	_ =	sdelay $0x4  }
0x3ef: {  	v39 =	vshll.u32 v3, $0x3  }
0x3f0: {  	v3 =	vand.u32 $0x7, v3;
	v4 =	vand.u32 $0xFFFFFFC0, v39  }
0x3f1: {  	v3 =	vor.u32 v3, v4  }
0x3f2: {  	v4 =	vperm.xlane v3, v0;
	_ =	sdelay $0x1  }
0x3f3: {  	v4 =	vadd.s32 v1, v4;
	_ =	sdelay $0x3  }
0x3f4: {  	s30 =	simm.s32 $0xC400  }
0x3f5: {  	[tilespmem:s30], [sflag:$0x2] =	stream.indirect_vreg.gather [hbm4b:s4+s2], $0x80, v4, vm0, $0xb8;
	[tilespmem:$0x18400] =	vst v63  }
0x3f6: {  	s26 =	simm.s32 $0xCC00;
	v3 =	vperm.xlane v3, v2  }
0x3f7: {  	[tilespmem:s26], [sflag:$0x2] =	stream.indirect_vreg.gather [hbm4b:s5+s2], $0x80, v4, vm0, $0xb8;
	[tilespmem:$0x18400] =	vst v63  }
0x3f8: {  	v3 =	vadd.s32 v1, v3  }
0x3f9: {  	[tilespmem:s29], [sflag:$0x2] =	stream.indirect_vreg.gather [hbm4b:s6+s2], $0x80, v4, vm0, $0xb8;
	[tilespmem:$0x18400] =	vst v63  }
0x3fa: {  	s29 =	simm.s32 $0xDC00  }
0x3fb: {  	[tilespmem:s29], [sflag:$0x2] =	stream.indirect_vreg.gather [hbm4b:s7+s2], $0x80, v4, vm0, $0xb8;
	[tilespmem:$0x18400] =	vst v63  }
0x3fc: {  	s31 =	simm.s32 $0xE400  }
0x3fd: {  	[tilespmem:s31], [sflag:$0x2] =	stream.indirect_vreg.gather [hbm4b:s4+s2], $0x80, v3, vm0, $0xb8;
	[tilespmem:$0x18400] =	vst v63  }
0x3fe: {  	s26 =	simm.s32 $0xEC00  }
0x3ff: {  	[tilespmem:s26], [sflag:$0x2] =	stream.indirect_vreg.gather [hbm4b:s5+s2], $0x80, v3, vm0, $0xb8;
	[tilespmem:$0x18400] =	vst v63  }
0x400: {  	s29 =	simm.s32 $0xF400  }
0x401: {  	[tilespmem:s29], [sflag:$0x2] =	stream.indirect_vreg.gather [hbm4b:s6+s2], $0x80, v3, vm0, $0xb8;
	[tilespmem:$0x18400] =	vst v63  }
0x402: {  	s31 =	simm.s32 $0xFC00  }
0x403: {  	[tilespmem:s31], [sflag:$0x2] =	stream.indirect_vreg.gather [hbm4b:s7+s2], $0x80, v3, vm0, $0xb8;
	[tilespmem:$0x18400] =	vst v63  }
0x404: {  	_ =	swait.ge [sflag:s23], $0x8000  }
0x405: {  	[sflag:s23] =	ssyncset.done $0x0  }
0x406: {  	s29 =	simm.s32 $0x10400;
	s26 =	rddreg [dreg:$0x14];
	[sflag:s23] =	ssyncadd.s32 $0xFFFF8000  }
0x407: {  	[hbm4b:s26+s2] =	stream.linear.scatter [tilespmem:s29], [sflag:$0x6], $0x8000, $0x38;
	[tilespmem:$0x18400] =	vst v63  }
0x408: {  	_ =	swait.ge [sflag:s24], $0x8000  }
0x409: {  	[sflag:s24] =	ssyncset.done $0x0  }
0x40a: {  	[sflag:s24] =	ssyncadd.s32 $0xFFFF8000  }
0x40b: {  	v3 =	vld [tilespmem:$0x280];
	_ =	sdelay $0x4  }
0x40c: {  	v40 =	vshll.u32 v3, $0x3  }
0x40d: {  	v3 =	vand.u32 $0x7, v3;
	v4 =	vand.u32 $0xFFFFFFC0, v40  }
0x40e: {  	v3 =	vor.u32 v3, v4  }
0x40f: {  	v4 =	vperm.xlane v3, v0;
	_ =	sdelay $0x1  }
0x410: {  	v4 =	vadd.s32 v1, v4;
	_ =	sdelay $0x4  }
0x411: {  	[tilespmem:s29], [sflag:$0x3] =	stream.indirect_vreg.gather [hbm4b:s4+s2], $0x80, v4, vm0, $0xb8;
	[tilespmem:$0x18400] =	vst v63  }
0x412: {  	s26 =	simm.s32 $0x10C00;
	v3 =	vperm.xlane v3, v2  }
0x413: {  	[tilespmem:s26], [sflag:$0x3] =	stream.indirect_vreg.gather [hbm4b:s5+s2], $0x80, v4, vm0, $0xb8;
	[tilespmem:$0x18400] =	vst v63  }
0x414: {  	s31 =	simm.s32 $0x11400;
	v3 =	vadd.s32 v1, v3  }
0x415: {  	[tilespmem:s31], [sflag:$0x3] =	stream.indirect_vreg.gather [hbm4b:s6+s2], $0x80, v4, vm0, $0xb8;
	[tilespmem:$0x18400] =	vst v63  }
0x416: {  	s29 =	simm.s32 $0x11C00  }
0x417: {  	[tilespmem:s29], [sflag:$0x3] =	stream.indirect_vreg.gather [hbm4b:s7+s2], $0x80, v4, vm0, $0xb8;
	[tilespmem:$0x18400] =	vst v63  }
0x418: {  	s31 =	simm.s32 $0x12400  }
0x419: {  	[tilespmem:s31], [sflag:$0x3] =	stream.indirect_vreg.gather [hbm4b:s4+s2], $0x80, v3, vm0, $0xb8;
	[tilespmem:$0x18400] =	vst v63  }
0x41a: {  	s29 =	simm.s32 $0x12C00  }
0x41b: {  	[tilespmem:s29], [sflag:$0x3] =	stream.indirect_vreg.gather [hbm4b:s5+s2], $0x80, v3, vm0, $0xb8;
	[tilespmem:$0x18400] =	vst v63  }
0x41c: {  	s31 =	simm.s32 $0x13400  }
0x41d: {  	[tilespmem:s31], [sflag:$0x3] =	stream.indirect_vreg.gather [hbm4b:s6+s2], $0x80, v3, vm0, $0xb8;
	[tilespmem:$0x18400] =	vst v63  }
0x41e: {  	s29 =	simm.s32 $0x13C00  }
0x41f: {  	[tilespmem:s29], [sflag:$0x3] =	stream.indirect_vreg.gather [hbm4b:s7+s2], $0x80, v3, vm0, $0xb8;
	[tilespmem:$0x18400] =	vst v63  }
0x420: {  	v3 =	vld [tilespmem:$0x290];
	_ =	sdelay $0x4  }
0x421: {  	v41 =	vshll.u32 v3, $0x3  }
0x422: {  	v3 =	vand.u32 $0x7, v3;
	v4 =	vand.u32 $0xFFFFFFC0, v41  }
0x423: {  	v3 =	vor.u32 v3, v4  }
0x424: {  	v4 =	vperm.xlane v3, v0;
	_ =	sdelay $0x1  }
0x425: {  	v4 =	vadd.s32 v1, v4;
	_ =	sdelay $0x3  }
0x426: {  	s31 =	simm.s32 $0x14400  }
0x427: {  	[tilespmem:s31], [sflag:$0x3] =	stream.indirect_vreg.gather [hbm4b:s4+s2], $0x80, v4, vm0, $0xb8;
	[tilespmem:$0x18400] =	vst v63  }
0x428: {  	s29 =	simm.s32 $0x14C00;
	v3 =	vperm.xlane v3, v2  }
0x429: {  	[tilespmem:s29], [sflag:$0x3] =	stream.indirect_vreg.gather [hbm4b:s5+s2], $0x80, v4, vm0, $0xb8;
	[tilespmem:$0x18400] =	vst v63  }
0x42a: {  	v3 =	vadd.s32 v1, v3;
	s31 =	simm.s32 $0x15400  }
0x42b: {  	[tilespmem:s31], [sflag:$0x3] =	stream.indirect_vreg.gather [hbm4b:s6+s2], $0x80, v4, vm0, $0xb8;
	[tilespmem:$0x18400] =	vst v63  }
0x42c: {  	s29 =	simm.s32 $0x15C00  }
0x42d: {  	[tilespmem:s29], [sflag:$0x3] =	stream.indirect_vreg.gather [hbm4b:s7+s2], $0x80, v4, vm0, $0xb8;
	[tilespmem:$0x18400] =	vst v63  }
0x42e: {  	s31 =	simm.s32 $0x16400  }
0x42f: {  	[tilespmem:s31], [sflag:$0x3] =	stream.indirect_vreg.gather [hbm4b:s4+s2], $0x80, v3, vm0, $0xb8;
	[tilespmem:$0x18400] =	vst v63  }
0x430: {  	s29 =	simm.s32 $0x16C00  }
0x431: {  	[tilespmem:s29], [sflag:$0x3] =	stream.indirect_vreg.gather [hbm4b:s5+s2], $0x80, v3, vm0, $0xb8;
	[tilespmem:$0x18400] =	vst v63  }
0x432: {  	s31 =	simm.s32 $0x17400  }
0x433: {  	[tilespmem:s31], [sflag:$0x3] =	stream.indirect_vreg.gather [hbm4b:s6+s2], $0x80, v3, vm0, $0xb8;
	[tilespmem:$0x18400] =	vst v63  }
0x434: {  	s29 =	simm.s32 $0x17C00  }
0x435: {  	[tilespmem:s29], [sflag:$0x3] =	stream.indirect_vreg.gather [hbm4b:s7+s2], $0x80, v3, vm0, $0xb8;
	[tilespmem:$0x18400] =	vst v63  }
0x436: {  	_ =	swait.ge [sflag:s19], $0x8000  }
0x437: {  	[sflag:s19] =	ssyncset.done $0x0  }
0x438: {  	s31 =	simm.s32 $0x400;
	s25 =	rddreg [dreg:$0x15];
	[sflag:s19] =	ssyncadd.s32 $0xFFFF8000  }
0x439: {  	[hbm4b:s25+s2] =	stream.linear.scatter [tilespmem:s31], [sflag:$0x4], $0x8000, $0x38;
	[tilespmem:$0x18400] =	vst v63  }
0x43a: {  	_ =	swait.ge [sflag:s20], $0x8000  }
0x43b: {  	[sflag:s20] =	ssyncset.done $0x0  }
0x43c: {  	[sflag:s20] =	ssyncadd.s32 $0xFFFF8000  }
0x43d: {  	v3 =	vld [tilespmem:$0x2A0];
	_ =	sdelay $0x4  }
0x43e: {  	v42 =	vshll.u32 v3, $0x3  }
0x43f: {  	v3 =	vand.u32 $0x7, v3;
	v4 =	vand.u32 $0xFFFFFFC0, v42  }
0x440: {  	v3 =	vor.u32 v3, v4  }
0x441: {  	v4 =	vperm.xlane v3, v0;
	_ =	sdelay $0x1  }
0x442: {  	v4 =	vadd.s32 v1, v4;
	_ =	sdelay $0x4  }
0x443: {  	[tilespmem:s31], [sflag:$0x1] =	stream.indirect_vreg.gather [hbm4b:s4+s2], $0x80, v4, vm0, $0xb8;
	[tilespmem:$0x18400] =	vst v63  }
0x444: {  	v3 =	vperm.xlane v3, v2  }
0x445: {  	[tilespmem:s15], [sflag:$0x1] =	stream.indirect_vreg.gather [hbm4b:s5+s2], $0x80, v4, vm0, $0xb8;
	[tilespmem:$0x18400] =	vst v63  }
0x446: {  	v3 =	vadd.s32 v1, v3  }
0x447: {  	[tilespmem:s14], [sflag:$0x1] =	stream.indirect_vreg.gather [hbm4b:s6+s2], $0x80, v4, vm0, $0xb8;
	[tilespmem:$0x18400] =	vst v63  }
0x448: {  	_ = 	snop  }
0x449: {  	[tilespmem:s8], [sflag:$0x1] =	stream.indirect_vreg.gather [hbm4b:s7+s2], $0x80, v4, vm0, $0xb8;
	[tilespmem:$0x18400] =	vst v63  }
0x44a: {  	_ = 	snop  }
0x44b: {  	[tilespmem:s1], [sflag:$0x1] =	stream.indirect_vreg.gather [hbm4b:s4+s2], $0x80, v3, vm0, $0xb8;
	[tilespmem:$0x18400] =	vst v63  }
0x44c: {  	_ = 	snop  }
0x44d: {  	[tilespmem:s3], [sflag:$0x1] =	stream.indirect_vreg.gather [hbm4b:s5+s2], $0x80, v3, vm0, $0xb8;
	[tilespmem:$0x18400] =	vst v63  }
0x44e: {  	s8 =	simm.s32 $0x3400  }
0x44f: {  	[tilespmem:s8], [sflag:$0x1] =	stream.indirect_vreg.gather [hbm4b:s6+s2], $0x80, v3, vm0, $0xb8;
	[tilespmem:$0x18400] =	vst v63  }
0x450: {  	_ = 	snop  }
0x451: {  	[tilespmem:s16], [sflag:$0x1] =	stream.indirect_vreg.gather [hbm4b:s7+s2], $0x80, v3, vm0, $0xb8;
	[tilespmem:$0x18400] =	vst v63  }
0x452: {  	v3 =	vld [tilespmem:$0x2B0];
	_ =	sdelay $0x4  }
0x453: {  	v43 =	vshll.u32 v3, $0x3  }
0x454: {  	v3 =	vand.u32 $0x7, v3;
	v4 =	vand.u32 $0xFFFFFFC0, v43  }
0x455: {  	v3 =	vor.u32 v3, v4  }
0x456: {  	v4 =	vperm.xlane v3, v0;
	_ =	sdelay $0x1  }
0x457: {  	v4 =	vadd.s32 v1, v4;
	_ =	sdelay $0x4  }
0x458: {  	[tilespmem:s17], [sflag:$0x1] =	stream.indirect_vreg.gather [hbm4b:s4+s2], $0x80, v4, vm0, $0xb8;
	[tilespmem:$0x18400] =	vst v63  }
0x459: {  	v3 =	vperm.xlane v3, v2  }
0x45a: {  	[tilespmem:s18], [sflag:$0x1] =	stream.indirect_vreg.gather [hbm4b:s5+s2], $0x80, v4, vm0, $0xb8;
	[tilespmem:$0x18400] =	vst v63  }
0x45b: {  	s16 =	simm.s32 $0x5400;
	v3 =	vadd.s32 v1, v3  }
0x45c: {  	[tilespmem:s16], [sflag:$0x1] =	stream.indirect_vreg.gather [hbm4b:s6+s2], $0x80, v4, vm0, $0xb8;
	[tilespmem:$0x18400] =	vst v63  }
0x45d: {  	_ = 	snop  }
0x45e: {  	[tilespmem:s9], [sflag:$0x1] =	stream.indirect_vreg.gather [hbm4b:s7+s2], $0x80, v4, vm0, $0xb8;
	[tilespmem:$0x18400] =	vst v63  }
0x45f: {  	_ = 	snop  }
0x460: {  	[tilespmem:s10], [sflag:$0x1] =	stream.indirect_vreg.gather [hbm4b:s4+s2], $0x80, v3, vm0, $0xb8;
	[tilespmem:$0x18400] =	vst v63  }
0x461: {  	_ = 	snop  }
0x462: {  	[tilespmem:s11], [sflag:$0x1] =	stream.indirect_vreg.gather [hbm4b:s5+s2], $0x80, v3, vm0, $0xb8;
	[tilespmem:$0x18400] =	vst v63  }
0x463: {  	_ = 	snop  }
0x464: {  	[tilespmem:s12], [sflag:$0x1] =	stream.indirect_vreg.gather [hbm4b:s6+s2], $0x80, v3, vm0, $0xb8;
	[tilespmem:$0x18400] =	vst v63  }
0x465: {  	_ = 	snop  }
0x466: {  	[tilespmem:s13], [sflag:$0x1] =	stream.indirect_vreg.gather [hbm4b:s7+s2], $0x80, v3, vm0, $0xb8;
	[tilespmem:$0x18400] =	vst v63  }
0x467: {  	_ =	swait.ge [sflag:s21], $0x8000  }
0x468: {  	[sflag:s21] =	ssyncset.done $0x0  }
0x469: {  	s18 =	simm.s32 $0x8400;
	s17 =	rddreg [dreg:$0x16];
	[sflag:s21] =	ssyncadd.s32 $0xFFFF8000  }
0x46a: {  	[hbm4b:s17+s2] =	stream.linear.scatter [tilespmem:s18], [sflag:$0x5], $0x8000, $0x38;
	[tilespmem:$0x18400] =	vst v63  }
0x46b: {  	_ =	swait.ge [sflag:s22], $0x8000  }
0x46c: {  	[sflag:s22] =	ssyncset.done $0x0  }
0x46d: {  	[sflag:s22] =	ssyncadd.s32 $0xFFFF8000  }
0x46e: {  	v3 =	vld [tilespmem:$0x2C0];
	_ =	sdelay $0x4  }
0x46f: {  	v44 =	vshll.u32 v3, $0x3  }
0x470: {  	v3 =	vand.u32 $0x7, v3;
	v4 =	vand.u32 $0xFFFFFFC0, v44  }
0x471: {  	v3 =	vor.u32 v3, v4  }
0x472: {  	v4 =	vperm.xlane v3, v0;
	_ =	sdelay $0x1  }
0x473: {  	v4 =	vadd.s32 v1, v4;
	_ =	sdelay $0x4  }
0x474: {  	[tilespmem:s18], [sflag:$0x2] =	stream.indirect_vreg.gather [hbm4b:s4+s2], $0x80, v4, vm0, $0xb8;
	[tilespmem:$0x18400] =	vst v63  }
0x475: {  	v3 =	vperm.xlane v3, v2  }
0x476: {  	[tilespmem:s28], [sflag:$0x2] =	stream.indirect_vreg.gather [hbm4b:s5+s2], $0x80, v4, vm0, $0xb8;
	[tilespmem:$0x18400] =	vst v63  }
0x477: {  	v3 =	vadd.s32 v1, v3;
	s18 =	simm.s32 $0x9400  }
0x478: {  	[tilespmem:s18], [sflag:$0x2] =	stream.indirect_vreg.gather [hbm4b:s6+s2], $0x80, v4, vm0, $0xb8;
	[tilespmem:$0x18400] =	vst v63  }
0x479: {  	s28 =	simm.s32 $0x9C00  }
0x47a: {  	[tilespmem:s28], [sflag:$0x2] =	stream.indirect_vreg.gather [hbm4b:s7+s2], $0x80, v4, vm0, $0xb8;
	[tilespmem:$0x18400] =	vst v63  }
0x47b: {  	s29 =	simm.s32 $0xA400  }
0x47c: {  	[tilespmem:s29], [sflag:$0x2] =	stream.indirect_vreg.gather [hbm4b:s4+s2], $0x80, v3, vm0, $0xb8;
	[tilespmem:$0x18400] =	vst v63  }
0x47d: {  	s31 =	simm.s32 $0xAC00  }
0x47e: {  	[tilespmem:s31], [sflag:$0x2] =	stream.indirect_vreg.gather [hbm4b:s5+s2], $0x80, v3, vm0, $0xb8;
	[tilespmem:$0x18400] =	vst v63  }
0x47f: {  	s25 =	simm.s32 $0xB400  }
0x480: {  	[tilespmem:s25], [sflag:$0x2] =	stream.indirect_vreg.gather [hbm4b:s6+s2], $0x80, v3, vm0, $0xb8;
	[tilespmem:$0x18400] =	vst v63  }
0x481: {  	_ = 	snop  }
0x482: {  	[tilespmem:s0], [sflag:$0x2] =	stream.indirect_vreg.gather [hbm4b:s7+s2], $0x80, v3, vm0, $0xb8;
	[tilespmem:$0x18400] =	vst v63  }
0x483: {  	v3 =	vld [tilespmem:$0x2D0];
	_ =	sdelay $0x4  }
0x484: {  	v45 =	vshll.u32 v3, $0x3  }
0x485: {  	v3 =	vand.u32 $0x7, v3;
	v4 =	vand.u32 $0xFFFFFFC0, v45  }
0x486: {  	v3 =	vor.u32 v3, v4  }
0x487: {  	v4 =	vperm.xlane v3, v0;
	_ =	sdelay $0x1  }
0x488: {  	v4 =	vadd.s32 v1, v4;
	_ =	sdelay $0x4  }
0x489: {  	[tilespmem:s30], [sflag:$0x2] =	stream.indirect_vreg.gather [hbm4b:s4+s2], $0x80, v4, vm0, $0xb8;
	[tilespmem:$0x18400] =	vst v63  }
0x48a: {  	s1 =	simm.s32 $0xCC00;
	v3 =	vperm.xlane v3, v2  }
0x48b: {  	[tilespmem:s1], [sflag:$0x2] =	stream.indirect_vreg.gather [hbm4b:s5+s2], $0x80, v4, vm0, $0xb8;
	[tilespmem:$0x18400] =	vst v63  }
0x48c: {  	s3 =	simm.s32 $0xD400;
	v3 =	vadd.s32 v1, v3  }
0x48d: {  	[tilespmem:s3], [sflag:$0x2] =	stream.indirect_vreg.gather [hbm4b:s6+s2], $0x80, v4, vm0, $0xb8;
	[tilespmem:$0x18400] =	vst v63  }
0x48e: {  	s9 =	simm.s32 $0xDC00  }
0x48f: {  	[tilespmem:s9], [sflag:$0x2] =	stream.indirect_vreg.gather [hbm4b:s7+s2], $0x80, v4, vm0, $0xb8;
	[tilespmem:$0x18400] =	vst v63  }
0x490: {  	s10 =	simm.s32 $0xE400  }
0x491: {  	[tilespmem:s10], [sflag:$0x2] =	stream.indirect_vreg.gather [hbm4b:s4+s2], $0x80, v3, vm0, $0xb8;
	[tilespmem:$0x18400] =	vst v63  }
0x492: {  	s11 =	simm.s32 $0xEC00  }
0x493: {  	[tilespmem:s11], [sflag:$0x2] =	stream.indirect_vreg.gather [hbm4b:s5+s2], $0x80, v3, vm0, $0xb8;
	[tilespmem:$0x18400] =	vst v63  }
0x494: {  	s12 =	simm.s32 $0xF400  }
0x495: {  	[tilespmem:s12], [sflag:$0x2] =	stream.indirect_vreg.gather [hbm4b:s6+s2], $0x80, v3, vm0, $0xb8;
	[tilespmem:$0x18400] =	vst v63  }
0x496: {  	s13 =	simm.s32 $0xFC00  }
0x497: {  	[tilespmem:s13], [sflag:$0x2] =	stream.indirect_vreg.gather [hbm4b:s7+s2], $0x80, v3, vm0, $0xb8;
	[tilespmem:$0x18400] =	vst v63  }
0x498: {  	_ =	swait.ge [sflag:s23], $0x8000  }
0x499: {  	[sflag:s23] =	ssyncset.done $0x0  }
0x49a: {  	s15 =	simm.s32 $0x10400;
	s14 =	rddreg [dreg:$0x17];
	[sflag:s23] =	ssyncadd.s32 $0xFFFF8000  }
0x49b: {  	[hbm4b:s14+s2] =	stream.linear.scatter [tilespmem:s15], [sflag:$0x6], $0x8000, $0x38;
	[tilespmem:$0x18400] =	vst v63  }
0x49c: {  	_ =	swait.ge [sflag:s24], $0x8000  }
0x49d: {  	[sflag:s24] =	ssyncset.done $0x0  }
0x49e: {  	[sflag:s24] =	ssyncadd.s32 $0xFFFF8000  }
0x49f: {  	v3 =	vld [tilespmem:$0x2E0];
	_ =	sdelay $0x4  }
0x4a0: {  	v46 =	vshll.u32 v3, $0x3  }
0x4a1: {  	v3 =	vand.u32 $0x7, v3;
	v4 =	vand.u32 $0xFFFFFFC0, v46  }
0x4a2: {  	v3 =	vor.u32 v3, v4  }
0x4a3: {  	v4 =	vperm.xlane v3, v0;
	_ =	sdelay $0x1  }
0x4a4: {  	v4 =	vadd.s32 v1, v4;
	_ =	sdelay $0x4  }
0x4a5: {  	[tilespmem:s15], [sflag:$0x3] =	stream.indirect_vreg.gather [hbm4b:s4+s2], $0x80, v4, vm0, $0xb8;
	[tilespmem:$0x18400] =	vst v63  }
0x4a6: {  	v3 =	vperm.xlane v3, v2  }
0x4a7: {  	[tilespmem:s26], [sflag:$0x3] =	stream.indirect_vreg.gather [hbm4b:s5+s2], $0x80, v4, vm0, $0xb8;
	[tilespmem:$0x18400] =	vst v63  }
0x4a8: {  	v3 =	vadd.s32 v1, v3;
	s26 =	simm.s32 $0x11400  }
0x4a9: {  	[tilespmem:s26], [sflag:$0x3] =	stream.indirect_vreg.gather [hbm4b:s6+s2], $0x80, v4, vm0, $0xb8;
	[tilespmem:$0x18400] =	vst v63  }
0x4aa: {  	s30 =	simm.s32 $0x11C00  }
0x4ab: {  	[tilespmem:s30], [sflag:$0x3] =	stream.indirect_vreg.gather [hbm4b:s7+s2], $0x80, v4, vm0, $0xb8;
	[tilespmem:$0x18400] =	vst v63  }
0x4ac: {  	s16 =	simm.s32 $0x12400  }
0x4ad: {  	[tilespmem:s16], [sflag:$0x3] =	stream.indirect_vreg.gather [hbm4b:s4+s2], $0x80, v3, vm0, $0xb8;
	[tilespmem:$0x18400] =	vst v63  }
0x4ae: {  	s17 =	simm.s32 $0x12C00  }
0x4af: {  	[tilespmem:s17], [sflag:$0x3] =	stream.indirect_vreg.gather [hbm4b:s5+s2], $0x80, v3, vm0, $0xb8;
	[tilespmem:$0x18400] =	vst v63  }
0x4b0: {  	s17 =	simm.s32 $0x13400  }
0x4b1: {  	[tilespmem:s17], [sflag:$0x3] =	stream.indirect_vreg.gather [hbm4b:s6+s2], $0x80, v3, vm0, $0xb8;
	[tilespmem:$0x18400] =	vst v63  }
0x4b2: {  	s13 =	simm.s32 $0x13C00  }
0x4b3: {  	[tilespmem:s13], [sflag:$0x3] =	stream.indirect_vreg.gather [hbm4b:s7+s2], $0x80, v3, vm0, $0xb8;
	[tilespmem:$0x18400] =	vst v63  }
0x4b4: {  	v3 =	vld [tilespmem:$0x2F0];
	_ =	sdelay $0x4  }
0x4b5: {  	v47 =	vshll.u32 v3, $0x3  }
0x4b6: {  	v3 =	vand.u32 $0x7, v3;
	v4 =	vand.u32 $0xFFFFFFC0, v47  }
0x4b7: {  	v3 =	vor.u32 v3, v4  }
0x4b8: {  	v4 =	vperm.xlane v3, v0;
	_ =	sdelay $0x1  }
0x4b9: {  	v4 =	vadd.s32 v1, v4;
	_ =	sdelay $0x3  }
0x4ba: {  	s14 =	simm.s32 $0x14400  }
0x4bb: {  	[tilespmem:s14], [sflag:$0x3] =	stream.indirect_vreg.gather [hbm4b:s4+s2], $0x80, v4, vm0, $0xb8;
	[tilespmem:$0x18400] =	vst v63  }
0x4bc: {  	s15 =	simm.s32 $0x14C00;
	v3 =	vperm.xlane v3, v2  }
0x4bd: {  	[tilespmem:s15], [sflag:$0x3] =	stream.indirect_vreg.gather [hbm4b:s5+s2], $0x80, v4, vm0, $0xb8;
	[tilespmem:$0x18400] =	vst v63  }
0x4be: {  	s25 =	simm.s32 $0x15400;
	v3 =	vadd.s32 v1, v3  }
0x4bf: {  	[tilespmem:s25], [sflag:$0x3] =	stream.indirect_vreg.gather [hbm4b:s6+s2], $0x80, v4, vm0, $0xb8;
	[tilespmem:$0x18400] =	vst v63  }
0x4c0: {  	s9 =	simm.s32 $0x15C00  }
0x4c1: {  	[tilespmem:s9], [sflag:$0x3] =	stream.indirect_vreg.gather [hbm4b:s7+s2], $0x80, v4, vm0, $0xb8;
	[tilespmem:$0x18400] =	vst v63  }
0x4c2: {  	s10 =	simm.s32 $0x16400  }
0x4c3: {  	[tilespmem:s10], [sflag:$0x3] =	stream.indirect_vreg.gather [hbm4b:s4+s2], $0x80, v3, vm0, $0xb8;
	[tilespmem:$0x18400] =	vst v63  }
0x4c4: {  	s11 =	simm.s32 $0x16C00  }
0x4c5: {  	[tilespmem:s11], [sflag:$0x3] =	stream.indirect_vreg.gather [hbm4b:s5+s2], $0x80, v3, vm0, $0xb8;
	[tilespmem:$0x18400] =	vst v63  }
0x4c6: {  	s12 =	simm.s32 $0x17400  }
0x4c7: {  	[tilespmem:s12], [sflag:$0x3] =	stream.indirect_vreg.gather [hbm4b:s6+s2], $0x80, v3, vm0, $0xb8;
	[tilespmem:$0x18400] =	vst v63  }
0x4c8: {  	s16 =	simm.s32 $0x17C00  }
0x4c9: {  	[tilespmem:s16], [sflag:$0x3] =	stream.indirect_vreg.gather [hbm4b:s7+s2], $0x80, v3, vm0, $0xb8;
	[tilespmem:$0x18400] =	vst v63  }
0x4ca: {  	_ =	swait.ge [sflag:s19], $0x8000  }
0x4cb: {  	[sflag:s19] =	ssyncset.done $0x0  }
0x4cc: {  	s3 =	simm.s32 $0x400;
	s0 =	rddreg [dreg:$0x18];
	[sflag:s19] =	ssyncadd.s32 $0xFFFF8000  }
0x4cd: {  	[hbm4b:s0+s2] =	stream.linear.scatter [tilespmem:s3], [sflag:$0x4], $0x8000, $0x38;
	[tilespmem:$0x18400] =	vst v63  }
0x4ce: {  	_ =	swait.ge [sflag:s20], $0x8000  }
0x4cf: {  	[sflag:s20] =	ssyncset.done $0x0  }
0x4d0: {  	[sflag:s20] =	ssyncadd.s32 $0xFFFF8000  }
0x4d1: {  	v3 =	vld [tilespmem:$0x300];
	_ =	sdelay $0x4  }
0x4d2: {  	v48 =	vshll.u32 v3, $0x3  }
0x4d3: {  	v3 =	vand.u32 $0x7, v3;
	v4 =	vand.u32 $0xFFFFFFC0, v48  }
0x4d4: {  	v3 =	vor.u32 v3, v4  }
0x4d5: {  	v4 =	vperm.xlane v3, v0;
	_ =	sdelay $0x1  }
0x4d6: {  	v4 =	vadd.s32 v1, v4;
	_ =	sdelay $0x4  }
0x4d7: {  	[tilespmem:s3], [sflag:$0x1] =	stream.indirect_vreg.gather [hbm4b:s4+s2], $0x80, v4, vm0, $0xb8;
	[tilespmem:$0x18400] =	vst v63  }
0x4d8: {  	s25 =	simm.s32 $0xC00;
	v3 =	vperm.xlane v3, v2  }
0x4d9: {  	[tilespmem:s25], [sflag:$0x1] =	stream.indirect_vreg.gather [hbm4b:s5+s2], $0x80, v4, vm0, $0xb8;
	[tilespmem:$0x18400] =	vst v63  }
0x4da: {  	v3 =	vadd.s32 v1, v3;
	s25 =	simm.s32 $0x1400  }
0x4db: {  	[tilespmem:s25], [sflag:$0x1] =	stream.indirect_vreg.gather [hbm4b:s6+s2], $0x80, v4, vm0, $0xb8;
	[tilespmem:$0x18400] =	vst v63  }
0x4dc: {  	s25 =	simm.s32 $0x1C00  }
0x4dd: {  	[tilespmem:s25], [sflag:$0x1] =	stream.indirect_vreg.gather [hbm4b:s7+s2], $0x80, v4, vm0, $0xb8;
	[tilespmem:$0x18400] =	vst v63  }
0x4de: {  	s25 =	simm.s32 $0x2400  }
0x4df: {  	[tilespmem:s25], [sflag:$0x1] =	stream.indirect_vreg.gather [hbm4b:s4+s2], $0x80, v3, vm0, $0xb8;
	[tilespmem:$0x18400] =	vst v63  }
0x4e0: {  	s25 =	simm.s32 $0x2C00  }
0x4e1: {  	[tilespmem:s25], [sflag:$0x1] =	stream.indirect_vreg.gather [hbm4b:s5+s2], $0x80, v3, vm0, $0xb8;
	[tilespmem:$0x18400] =	vst v63  }
0x4e2: {  	_ = 	snop  }
0x4e3: {  	[tilespmem:s8], [sflag:$0x1] =	stream.indirect_vreg.gather [hbm4b:s6+s2], $0x80, v3, vm0, $0xb8;
	[tilespmem:$0x18400] =	vst v63  }
0x4e4: {  	s8 =	simm.s32 $0x3C00  }
0x4e5: {  	[tilespmem:s8], [sflag:$0x1] =	stream.indirect_vreg.gather [hbm4b:s7+s2], $0x80, v3, vm0, $0xb8;
	[tilespmem:$0x18400] =	vst v63  }
0x4e6: {  	v3 =	vld [tilespmem:$0x310];
	_ =	sdelay $0x4  }
0x4e7: {  	v49 =	vshll.u32 v3, $0x3  }
0x4e8: {  	v3 =	vand.u32 $0x7, v3;
	v4 =	vand.u32 $0xFFFFFFC0, v49  }
0x4e9: {  	v3 =	vor.u32 v3, v4  }
0x4ea: {  	v4 =	vperm.xlane v3, v0;
	_ =	sdelay $0x1  }
0x4eb: {  	v4 =	vadd.s32 v1, v4;
	_ =	sdelay $0x3  }
0x4ec: {  	s25 =	simm.s32 $0x4400  }
0x4ed: {  	[tilespmem:s25], [sflag:$0x1] =	stream.indirect_vreg.gather [hbm4b:s4+s2], $0x80, v4, vm0, $0xb8;
	[tilespmem:$0x18400] =	vst v63  }
0x4ee: {  	v3 =	vperm.xlane v3, v2;
	s25 =	simm.s32 $0x4C00  }
0x4ef: {  	[tilespmem:s25], [sflag:$0x1] =	stream.indirect_vreg.gather [hbm4b:s5+s2], $0x80, v4, vm0, $0xb8;
	[tilespmem:$0x18400] =	vst v63  }
0x4f0: {  	v3 =	vadd.s32 v1, v3;
	s25 =	simm.s32 $0x5400  }
0x4f1: {  	[tilespmem:s25], [sflag:$0x1] =	stream.indirect_vreg.gather [hbm4b:s6+s2], $0x80, v4, vm0, $0xb8;
	[tilespmem:$0x18400] =	vst v63  }
0x4f2: {  	s25 =	simm.s32 $0x5C00  }
0x4f3: {  	[tilespmem:s25], [sflag:$0x1] =	stream.indirect_vreg.gather [hbm4b:s7+s2], $0x80, v4, vm0, $0xb8;
	[tilespmem:$0x18400] =	vst v63  }
0x4f4: {  	s25 =	simm.s32 $0x6400  }
0x4f5: {  	[tilespmem:s25], [sflag:$0x1] =	stream.indirect_vreg.gather [hbm4b:s4+s2], $0x80, v3, vm0, $0xb8;
	[tilespmem:$0x18400] =	vst v63  }
0x4f6: {  	s25 =	simm.s32 $0x6C00  }
0x4f7: {  	[tilespmem:s25], [sflag:$0x1] =	stream.indirect_vreg.gather [hbm4b:s5+s2], $0x80, v3, vm0, $0xb8;
	[tilespmem:$0x18400] =	vst v63  }
0x4f8: {  	s25 =	simm.s32 $0x7400  }
0x4f9: {  	[tilespmem:s25], [sflag:$0x1] =	stream.indirect_vreg.gather [hbm4b:s6+s2], $0x80, v3, vm0, $0xb8;
	[tilespmem:$0x18400] =	vst v63  }
0x4fa: {  	s25 =	simm.s32 $0x7C00  }
0x4fb: {  	[tilespmem:s25], [sflag:$0x1] =	stream.indirect_vreg.gather [hbm4b:s7+s2], $0x80, v3, vm0, $0xb8;
	[tilespmem:$0x18400] =	vst v63  }
0x4fc: {  	_ =	swait.ge [sflag:s21], $0x8000  }
0x4fd: {  	[sflag:s21] =	ssyncset.done $0x0  }
0x4fe: {  	s0 =	simm.s32 $0x8400;
	s25 =	rddreg [dreg:$0x19];
	[sflag:s21] =	ssyncadd.s32 $0xFFFF8000  }
0x4ff: {  	[hbm4b:s25+s2] =	stream.linear.scatter [tilespmem:s0], [sflag:$0x5], $0x8000, $0x38;
	[tilespmem:$0x18400] =	vst v63  }
0x500: {  	_ =	swait.ge [sflag:s22], $0x8000  }
0x501: {  	[sflag:s22] =	ssyncset.done $0x0  }
0x502: {  	[sflag:s22] =	ssyncadd.s32 $0xFFFF8000  }
0x503: {  	v3 =	vld [tilespmem:$0x320];
	_ =	sdelay $0x4  }
0x504: {  	v50 =	vshll.u32 v3, $0x3  }
0x505: {  	v3 =	vand.u32 $0x7, v3;
	v4 =	vand.u32 $0xFFFFFFC0, v50  }
0x506: {  	v3 =	vor.u32 v3, v4  }
0x507: {  	v4 =	vperm.xlane v3, v0;
	_ =	sdelay $0x1  }
0x508: {  	v4 =	vadd.s32 v1, v4;
	_ =	sdelay $0x4  }
0x509: {  	[tilespmem:s0], [sflag:$0x2] =	stream.indirect_vreg.gather [hbm4b:s4+s2], $0x80, v4, vm0, $0xb8;
	[tilespmem:$0x18400] =	vst v63  }
0x50a: {  	s25 =	simm.s32 $0x8C00;
	v3 =	vperm.xlane v3, v2  }
0x50b: {  	[tilespmem:s25], [sflag:$0x2] =	stream.indirect_vreg.gather [hbm4b:s5+s2], $0x80, v4, vm0, $0xb8;
	[tilespmem:$0x18400] =	vst v63  }
0x50c: {  	v3 =	vadd.s32 v1, v3  }
0x50d: {  	[tilespmem:s18], [sflag:$0x2] =	stream.indirect_vreg.gather [hbm4b:s6+s2], $0x80, v4, vm0, $0xb8;
	[tilespmem:$0x18400] =	vst v63  }
0x50e: {  	_ = 	snop  }
0x50f: {  	[tilespmem:s28], [sflag:$0x2] =	stream.indirect_vreg.gather [hbm4b:s7+s2], $0x80, v4, vm0, $0xb8;
	[tilespmem:$0x18400] =	vst v63  }
0x510: {  	_ = 	snop  }
0x511: {  	[tilespmem:s29], [sflag:$0x2] =	stream.indirect_vreg.gather [hbm4b:s4+s2], $0x80, v3, vm0, $0xb8;
	[tilespmem:$0x18400] =	vst v63  }
0x512: {  	_ = 	snop  }
0x513: {  	[tilespmem:s31], [sflag:$0x2] =	stream.indirect_vreg.gather [hbm4b:s5+s2], $0x80, v3, vm0, $0xb8;
	[tilespmem:$0x18400] =	vst v63  }
0x514: {  	s25 =	simm.s32 $0xB400  }
0x515: {  	[tilespmem:s25], [sflag:$0x2] =	stream.indirect_vreg.gather [hbm4b:s6+s2], $0x80, v3, vm0, $0xb8;
	[tilespmem:$0x18400] =	vst v63  }
0x516: {  	s0 =	simm.s32 $0xBC00  }
0x517: {  	[tilespmem:s0], [sflag:$0x2] =	stream.indirect_vreg.gather [hbm4b:s7+s2], $0x80, v3, vm0, $0xb8;
	[tilespmem:$0x18400] =	vst v63  }
0x518: {  	v3 =	vld [tilespmem:$0x330];
	_ =	sdelay $0x4  }
0x519: {  	v51 =	vshll.u32 v3, $0x3  }
0x51a: {  	v3 =	vand.u32 $0x7, v3;
	v4 =	vand.u32 $0xFFFFFFC0, v51  }
0x51b: {  	v3 =	vor.u32 v3, v4  }
0x51c: {  	v4 =	vperm.xlane v3, v0;
	_ =	sdelay $0x1  }
0x51d: {  	v4 =	vadd.s32 v1, v4;
	_ =	sdelay $0x3  }
0x51e: {  	s18 =	simm.s32 $0xC400  }
0x51f: {  	[tilespmem:s18], [sflag:$0x2] =	stream.indirect_vreg.gather [hbm4b:s4+s2], $0x80, v4, vm0, $0xb8;
	[tilespmem:$0x18400] =	vst v63  }
0x520: {  	s28 =	simm.s32 $0xCC00;
	v3 =	vperm.xlane v3, v2  }
0x521: {  	[tilespmem:s28], [sflag:$0x2] =	stream.indirect_vreg.gather [hbm4b:s5+s2], $0x80, v4, vm0, $0xb8;
	[tilespmem:$0x18400] =	vst v63  }
0x522: {  	s29 =	simm.s32 $0xD400;
	v3 =	vadd.s32 v1, v3  }
0x523: {  	[tilespmem:s29], [sflag:$0x2] =	stream.indirect_vreg.gather [hbm4b:s6+s2], $0x80, v4, vm0, $0xb8;
	[tilespmem:$0x18400] =	vst v63  }
0x524: {  	s31 =	simm.s32 $0xDC00  }
0x525: {  	[tilespmem:s31], [sflag:$0x2] =	stream.indirect_vreg.gather [hbm4b:s7+s2], $0x80, v4, vm0, $0xb8;
	[tilespmem:$0x18400] =	vst v63  }
0x526: {  	s28 =	simm.s32 $0xE400  }
0x527: {  	[tilespmem:s28], [sflag:$0x2] =	stream.indirect_vreg.gather [hbm4b:s4+s2], $0x80, v3, vm0, $0xb8;
	[tilespmem:$0x18400] =	vst v63  }
0x528: {  	s29 =	simm.s32 $0xEC00  }
0x529: {  	[tilespmem:s29], [sflag:$0x2] =	stream.indirect_vreg.gather [hbm4b:s5+s2], $0x80, v3, vm0, $0xb8;
	[tilespmem:$0x18400] =	vst v63  }
0x52a: {  	s31 =	simm.s32 $0xF400  }
0x52b: {  	[tilespmem:s31], [sflag:$0x2] =	stream.indirect_vreg.gather [hbm4b:s6+s2], $0x80, v3, vm0, $0xb8;
	[tilespmem:$0x18400] =	vst v63  }
0x52c: {  	s28 =	simm.s32 $0xFC00  }
0x52d: {  	[tilespmem:s28], [sflag:$0x2] =	stream.indirect_vreg.gather [hbm4b:s7+s2], $0x80, v3, vm0, $0xb8;
	[tilespmem:$0x18400] =	vst v63  }
0x52e: {  	_ =	swait.ge [sflag:s23], $0x8000  }
0x52f: {  	[sflag:s23] =	ssyncset.done $0x0  }
0x530: {  	s1 =	simm.s32 $0x10400;
	s29 =	rddreg [dreg:$0x1a];
	[sflag:s23] =	ssyncadd.s32 $0xFFFF8000  }
0x531: {  	[hbm4b:s29+s2] =	stream.linear.scatter [tilespmem:s1], [sflag:$0x6], $0x8000, $0x38;
	[tilespmem:$0x18400] =	vst v63  }
0x532: {  	_ =	swait.ge [sflag:s24], $0x8000  }
0x533: {  	[sflag:s24] =	ssyncset.done $0x0  }
0x534: {  	[sflag:s24] =	ssyncadd.s32 $0xFFFF8000  }
0x535: {  	v3 =	vld [tilespmem:$0x340];
	_ =	sdelay $0x4  }
0x536: {  	v52 =	vshll.u32 v3, $0x3  }
0x537: {  	v3 =	vand.u32 $0x7, v3;
	v4 =	vand.u32 $0xFFFFFFC0, v52  }
0x538: {  	v3 =	vor.u32 v3, v4  }
0x539: {  	v4 =	vperm.xlane v3, v0;
	_ =	sdelay $0x1  }
0x53a: {  	v4 =	vadd.s32 v1, v4;
	_ =	sdelay $0x4  }
0x53b: {  	[tilespmem:s1], [sflag:$0x3] =	stream.indirect_vreg.gather [hbm4b:s4+s2], $0x80, v4, vm0, $0xb8;
	[tilespmem:$0x18400] =	vst v63  }
0x53c: {  	s31 =	simm.s32 $0x10C00;
	v3 =	vperm.xlane v3, v2  }
0x53d: {  	[tilespmem:s31], [sflag:$0x3] =	stream.indirect_vreg.gather [hbm4b:s5+s2], $0x80, v4, vm0, $0xb8;
	[tilespmem:$0x18400] =	vst v63  }
0x53e: {  	v3 =	vadd.s32 v1, v3  }
0x53f: {  	[tilespmem:s26], [sflag:$0x3] =	stream.indirect_vreg.gather [hbm4b:s6+s2], $0x80, v4, vm0, $0xb8;
	[tilespmem:$0x18400] =	vst v63  }
0x540: {  	_ = 	snop  }
0x541: {  	[tilespmem:s30], [sflag:$0x3] =	stream.indirect_vreg.gather [hbm4b:s7+s2], $0x80, v4, vm0, $0xb8;
	[tilespmem:$0x18400] =	vst v63  }
0x542: {  	s25 =	simm.s32 $0x12400  }
0x543: {  	[tilespmem:s25], [sflag:$0x3] =	stream.indirect_vreg.gather [hbm4b:s4+s2], $0x80, v3, vm0, $0xb8;
	[tilespmem:$0x18400] =	vst v63  }
0x544: {  	s28 =	simm.s32 $0x12C00  }
0x545: {  	[tilespmem:s28], [sflag:$0x3] =	stream.indirect_vreg.gather [hbm4b:s5+s2], $0x80, v3, vm0, $0xb8;
	[tilespmem:$0x18400] =	vst v63  }
0x546: {  	_ = 	snop  }
0x547: {  	[tilespmem:s17], [sflag:$0x3] =	stream.indirect_vreg.gather [hbm4b:s6+s2], $0x80, v3, vm0, $0xb8;
	[tilespmem:$0x18400] =	vst v63  }
0x548: {  	_ = 	snop  }
0x549: {  	[tilespmem:s13], [sflag:$0x3] =	stream.indirect_vreg.gather [hbm4b:s7+s2], $0x80, v3, vm0, $0xb8;
	[tilespmem:$0x18400] =	vst v63  }
0x54a: {  	v3 =	vld [tilespmem:$0x350];
	_ =	sdelay $0x4  }
0x54b: {  	v53 =	vshll.u32 v3, $0x3  }
0x54c: {  	v3 =	vand.u32 $0x7, v3;
	v4 =	vand.u32 $0xFFFFFFC0, v53  }
0x54d: {  	v3 =	vor.u32 v3, v4  }
0x54e: {  	v4 =	vperm.xlane v3, v0;
	_ =	sdelay $0x1  }
0x54f: {  	v4 =	vadd.s32 v1, v4;
	_ =	sdelay $0x4  }
0x550: {  	[tilespmem:s14], [sflag:$0x3] =	stream.indirect_vreg.gather [hbm4b:s4+s2], $0x80, v4, vm0, $0xb8;
	[tilespmem:$0x18400] =	vst v63  }
0x551: {  	v3 =	vperm.xlane v3, v2  }
0x552: {  	[tilespmem:s15], [sflag:$0x3] =	stream.indirect_vreg.gather [hbm4b:s5+s2], $0x80, v4, vm0, $0xb8;
	[tilespmem:$0x18400] =	vst v63  }
0x553: {  	s29 =	simm.s32 $0x15400;
	v3 =	vadd.s32 v1, v3  }
0x554: {  	[tilespmem:s29], [sflag:$0x3] =	stream.indirect_vreg.gather [hbm4b:s6+s2], $0x80, v4, vm0, $0xb8;
	[tilespmem:$0x18400] =	vst v63  }
0x555: {  	_ = 	snop  }
0x556: {  	[tilespmem:s9], [sflag:$0x3] =	stream.indirect_vreg.gather [hbm4b:s7+s2], $0x80, v4, vm0, $0xb8;
	[tilespmem:$0x18400] =	vst v63  }
0x557: {  	_ = 	snop  }
0x558: {  	[tilespmem:s10], [sflag:$0x3] =	stream.indirect_vreg.gather [hbm4b:s4+s2], $0x80, v3, vm0, $0xb8;
	[tilespmem:$0x18400] =	vst v63  }
0x559: {  	_ = 	snop  }
0x55a: {  	[tilespmem:s11], [sflag:$0x3] =	stream.indirect_vreg.gather [hbm4b:s5+s2], $0x80, v3, vm0, $0xb8;
	[tilespmem:$0x18400] =	vst v63  }
0x55b: {  	_ = 	snop  }
0x55c: {  	[tilespmem:s12], [sflag:$0x3] =	stream.indirect_vreg.gather [hbm4b:s6+s2], $0x80, v3, vm0, $0xb8;
	[tilespmem:$0x18400] =	vst v63  }
0x55d: {  	_ = 	snop  }
0x55e: {  	[tilespmem:s16], [sflag:$0x3] =	stream.indirect_vreg.gather [hbm4b:s7+s2], $0x80, v3, vm0, $0xb8;
	[tilespmem:$0x18400] =	vst v63  }
0x55f: {  	_ =	swait.ge [sflag:s19], $0x8000  }
0x560: {  	[sflag:s19] =	ssyncset.done $0x0  }
0x561: {  	s3 =	simm.s32 $0x400;
	s1 =	rddreg [dreg:$0x1b];
	[sflag:s19] =	ssyncadd.s32 $0xFFFF8000  }
0x562: {  	[hbm4b:s1+s2] =	stream.linear.scatter [tilespmem:s3], [sflag:$0x4], $0x8000, $0x38;
	[tilespmem:$0x18400] =	vst v63  }
0x563: {  	_ =	swait.ge [sflag:s20], $0x8000  }
0x564: {  	[sflag:s20] =	ssyncset.done $0x0  }
0x565: {  	[sflag:s20] =	ssyncadd.s32 $0xFFFF8000  }
0x566: {  	v3 =	vld [tilespmem:$0x360];
	_ =	sdelay $0x4  }
0x567: {  	v54 =	vshll.u32 v3, $0x3  }
0x568: {  	v3 =	vand.u32 $0x7, v3;
	v4 =	vand.u32 $0xFFFFFFC0, v54  }
0x569: {  	v3 =	vor.u32 v3, v4  }
0x56a: {  	v4 =	vperm.xlane v3, v0;
	_ =	sdelay $0x1  }
0x56b: {  	v4 =	vadd.s32 v1, v4;
	_ =	sdelay $0x4  }
0x56c: {  	[tilespmem:s3], [sflag:$0x1] =	stream.indirect_vreg.gather [hbm4b:s4+s2], $0x80, v4, vm0, $0xb8;
	[tilespmem:$0x18400] =	vst v63  }
0x56d: {  	s9 =	simm.s32 $0xC00;
	v3 =	vperm.xlane v3, v2  }
0x56e: {  	[tilespmem:s9], [sflag:$0x1] =	stream.indirect_vreg.gather [hbm4b:s5+s2], $0x80, v4, vm0, $0xb8;
	[tilespmem:$0x18400] =	vst v63  }
0x56f: {  	s25 =	simm.s32 $0x1400;
	v3 =	vadd.s32 v1, v3  }
0x570: {  	[tilespmem:s25], [sflag:$0x1] =	stream.indirect_vreg.gather [hbm4b:s6+s2], $0x80, v4, vm0, $0xb8;
	[tilespmem:$0x18400] =	vst v63  }
0x571: {  	s28 =	simm.s32 $0x1C00  }
0x572: {  	[tilespmem:s28], [sflag:$0x1] =	stream.indirect_vreg.gather [hbm4b:s7+s2], $0x80, v4, vm0, $0xb8;
	[tilespmem:$0x18400] =	vst v63  }
0x573: {  	s29 =	simm.s32 $0x2400  }
0x574: {  	[tilespmem:s29], [sflag:$0x1] =	stream.indirect_vreg.gather [hbm4b:s4+s2], $0x80, v3, vm0, $0xb8;
	[tilespmem:$0x18400] =	vst v63  }
0x575: {  	s1 =	simm.s32 $0x2C00  }
0x576: {  	[tilespmem:s1], [sflag:$0x1] =	stream.indirect_vreg.gather [hbm4b:s5+s2], $0x80, v3, vm0, $0xb8;
	[tilespmem:$0x18400] =	vst v63  }
0x577: {  	s9 =	simm.s32 $0x3400  }
0x578: {  	[tilespmem:s9], [sflag:$0x1] =	stream.indirect_vreg.gather [hbm4b:s6+s2], $0x80, v3, vm0, $0xb8;
	[tilespmem:$0x18400] =	vst v63  }
0x579: {  	_ = 	snop  }
0x57a: {  	[tilespmem:s8], [sflag:$0x1] =	stream.indirect_vreg.gather [hbm4b:s7+s2], $0x80, v3, vm0, $0xb8;
	[tilespmem:$0x18400] =	vst v63  }
0x57b: {  	v3 =	vld [tilespmem:$0x370];
	_ =	sdelay $0x4  }
0x57c: {  	v55 =	vshll.u32 v3, $0x3  }
0x57d: {  	v3 =	vand.u32 $0x7, v3;
	v4 =	vand.u32 $0xFFFFFFC0, v55  }
0x57e: {  	v3 =	vor.u32 v3, v4  }
0x57f: {  	v4 =	vperm.xlane v3, v0;
	_ =	sdelay $0x1  }
0x580: {  	v4 =	vadd.s32 v1, v4;
	_ =	sdelay $0x3  }
0x581: {  	s3 =	simm.s32 $0x4400  }
0x582: {  	[tilespmem:s3], [sflag:$0x1] =	stream.indirect_vreg.gather [hbm4b:s4+s2], $0x80, v4, vm0, $0xb8;
	[tilespmem:$0x18400] =	vst v63  }
0x583: {  	s8 =	simm.s32 $0x4C00;
	v3 =	vperm.xlane v3, v2  }
0x584: {  	[tilespmem:s8], [sflag:$0x1] =	stream.indirect_vreg.gather [hbm4b:s5+s2], $0x80, v4, vm0, $0xb8;
	[tilespmem:$0x18400] =	vst v63  }
0x585: {  	s1 =	simm.s32 $0x5400;
	v3 =	vadd.s32 v1, v3  }
0x586: {  	[tilespmem:s1], [sflag:$0x1] =	stream.indirect_vreg.gather [hbm4b:s6+s2], $0x80, v4, vm0, $0xb8;
	[tilespmem:$0x18400] =	vst v63  }
0x587: {  	s3 =	simm.s32 $0x5C00  }
0x588: {  	[tilespmem:s3], [sflag:$0x1] =	stream.indirect_vreg.gather [hbm4b:s7+s2], $0x80, v4, vm0, $0xb8;
	[tilespmem:$0x18400] =	vst v63  }
0x589: {  	s8 =	simm.s32 $0x6400  }
0x58a: {  	[tilespmem:s8], [sflag:$0x1] =	stream.indirect_vreg.gather [hbm4b:s4+s2], $0x80, v3, vm0, $0xb8;
	[tilespmem:$0x18400] =	vst v63  }
0x58b: {  	s1 =	simm.s32 $0x6C00  }
0x58c: {  	[tilespmem:s1], [sflag:$0x1] =	stream.indirect_vreg.gather [hbm4b:s5+s2], $0x80, v3, vm0, $0xb8;
	[tilespmem:$0x18400] =	vst v63  }
0x58d: {  	s3 =	simm.s32 $0x7400  }
0x58e: {  	[tilespmem:s3], [sflag:$0x1] =	stream.indirect_vreg.gather [hbm4b:s6+s2], $0x80, v3, vm0, $0xb8;
	[tilespmem:$0x18400] =	vst v63  }
0x58f: {  	s8 =	simm.s32 $0x7C00  }
0x590: {  	[tilespmem:s8], [sflag:$0x1] =	stream.indirect_vreg.gather [hbm4b:s7+s2], $0x80, v3, vm0, $0xb8;
	[tilespmem:$0x18400] =	vst v63  }
0x591: {  	_ =	swait.ge [sflag:s21], $0x8000  }
0x592: {  	[sflag:s21] =	ssyncset.done $0x0  }
0x593: {  	s3 =	simm.s32 $0x8400;
	s1 =	rddreg [dreg:$0x1c];
	[sflag:s21] =	ssyncadd.s32 $0xFFFF8000  }
0x594: {  	[hbm4b:s1+s2] =	stream.linear.scatter [tilespmem:s3], [sflag:$0x5], $0x8000, $0x38;
	[tilespmem:$0x18400] =	vst v63  }
0x595: {  	_ =	swait.ge [sflag:s22], $0x8000  }
0x596: {  	[sflag:s22] =	ssyncset.done $0x0  }
0x597: {  	[sflag:s22] =	ssyncadd.s32 $0xFFFF8000  }
0x598: {  	v3 =	vld [tilespmem:$0x380];
	_ =	sdelay $0x4  }
0x599: {  	v56 =	vshll.u32 v3, $0x3  }
0x59a: {  	v3 =	vand.u32 $0x7, v3;
	v4 =	vand.u32 $0xFFFFFFC0, v56  }
0x59b: {  	v3 =	vor.u32 v3, v4  }
0x59c: {  	v4 =	vperm.xlane v3, v0;
	_ =	sdelay $0x1  }
0x59d: {  	v4 =	vadd.s32 v1, v4;
	_ =	sdelay $0x4  }
0x59e: {  	[tilespmem:s3], [sflag:$0x2] =	stream.indirect_vreg.gather [hbm4b:s4+s2], $0x80, v4, vm0, $0xb8;
	[tilespmem:$0x18400] =	vst v63  }
0x59f: {  	s8 =	simm.s32 $0x8C00;
	v3 =	vperm.xlane v3, v2  }
0x5a0: {  	[tilespmem:s8], [sflag:$0x2] =	stream.indirect_vreg.gather [hbm4b:s5+s2], $0x80, v4, vm0, $0xb8;
	[tilespmem:$0x18400] =	vst v63  }
0x5a1: {  	v3 =	vadd.s32 v1, v3;
	s3 =	simm.s32 $0x9400  }
0x5a2: {  	[tilespmem:s3], [sflag:$0x2] =	stream.indirect_vreg.gather [hbm4b:s6+s2], $0x80, v4, vm0, $0xb8;
	[tilespmem:$0x18400] =	vst v63  }
0x5a3: {  	s25 =	simm.s32 $0x9C00  }
0x5a4: {  	[tilespmem:s25], [sflag:$0x2] =	stream.indirect_vreg.gather [hbm4b:s7+s2], $0x80, v4, vm0, $0xb8;
	[tilespmem:$0x18400] =	vst v63  }
0x5a5: {  	s25 =	simm.s32 $0xA400  }
0x5a6: {  	[tilespmem:s25], [sflag:$0x2] =	stream.indirect_vreg.gather [hbm4b:s4+s2], $0x80, v3, vm0, $0xb8;
	[tilespmem:$0x18400] =	vst v63  }
0x5a7: {  	s25 =	simm.s32 $0xAC00  }
0x5a8: {  	[tilespmem:s25], [sflag:$0x2] =	stream.indirect_vreg.gather [hbm4b:s5+s2], $0x80, v3, vm0, $0xb8;
	[tilespmem:$0x18400] =	vst v63  }
0x5a9: {  	s25 =	simm.s32 $0xB400  }
0x5aa: {  	[tilespmem:s25], [sflag:$0x2] =	stream.indirect_vreg.gather [hbm4b:s6+s2], $0x80, v3, vm0, $0xb8;
	[tilespmem:$0x18400] =	vst v63  }
0x5ab: {  	_ = 	snop  }
0x5ac: {  	[tilespmem:s0], [sflag:$0x2] =	stream.indirect_vreg.gather [hbm4b:s7+s2], $0x80, v3, vm0, $0xb8;
	[tilespmem:$0x18400] =	vst v63  }
0x5ad: {  	v3 =	vld [tilespmem:$0x390];
	_ =	sdelay $0x4  }
0x5ae: {  	v57 =	vshll.u32 v3, $0x3  }
0x5af: {  	v3 =	vand.u32 $0x7, v3;
	v4 =	vand.u32 $0xFFFFFFC0, v57  }
0x5b0: {  	v3 =	vor.u32 v3, v4  }
0x5b1: {  	v4 =	vperm.xlane v3, v0;
	_ =	sdelay $0x1  }
0x5b2: {  	v4 =	vadd.s32 v1, v4;
	_ =	sdelay $0x4  }
0x5b3: {  	[tilespmem:s18], [sflag:$0x2] =	stream.indirect_vreg.gather [hbm4b:s4+s2], $0x80, v4, vm0, $0xb8;
	[tilespmem:$0x18400] =	vst v63  }
0x5b4: {  	s25 =	simm.s32 $0xCC00;
	v3 =	vperm.xlane v3, v2  }
0x5b5: {  	[tilespmem:s25], [sflag:$0x2] =	stream.indirect_vreg.gather [hbm4b:s5+s2], $0x80, v4, vm0, $0xb8;
	[tilespmem:$0x18400] =	vst v63  }
0x5b6: {  	s8 =	simm.s32 $0xD400;
	v3 =	vadd.s32 v1, v3  }
0x5b7: {  	[tilespmem:s8], [sflag:$0x2] =	stream.indirect_vreg.gather [hbm4b:s6+s2], $0x80, v4, vm0, $0xb8;
	[tilespmem:$0x18400] =	vst v63  }
0x5b8: {  	s25 =	simm.s32 $0xDC00  }
0x5b9: {  	[tilespmem:s25], [sflag:$0x2] =	stream.indirect_vreg.gather [hbm4b:s7+s2], $0x80, v4, vm0, $0xb8;
	[tilespmem:$0x18400] =	vst v63  }
0x5ba: {  	s8 =	simm.s32 $0xE400  }
0x5bb: {  	[tilespmem:s8], [sflag:$0x2] =	stream.indirect_vreg.gather [hbm4b:s4+s2], $0x80, v3, vm0, $0xb8;
	[tilespmem:$0x18400] =	vst v63  }
0x5bc: {  	s25 =	simm.s32 $0xEC00  }
0x5bd: {  	[tilespmem:s25], [sflag:$0x2] =	stream.indirect_vreg.gather [hbm4b:s5+s2], $0x80, v3, vm0, $0xb8;
	[tilespmem:$0x18400] =	vst v63  }
0x5be: {  	s8 =	simm.s32 $0xF400  }
0x5bf: {  	[tilespmem:s8], [sflag:$0x2] =	stream.indirect_vreg.gather [hbm4b:s6+s2], $0x80, v3, vm0, $0xb8;
	[tilespmem:$0x18400] =	vst v63  }
0x5c0: {  	s25 =	simm.s32 $0xFC00  }
0x5c1: {  	[tilespmem:s25], [sflag:$0x2] =	stream.indirect_vreg.gather [hbm4b:s7+s2], $0x80, v3, vm0, $0xb8;
	[tilespmem:$0x18400] =	vst v63  }
0x5c2: {  	_ =	swait.ge [sflag:s23], $0x8000  }
0x5c3: {  	[sflag:s23] =	ssyncset.done $0x0  }
0x5c4: {  	s8 =	simm.s32 $0x10400;
	s0 =	rddreg [dreg:$0x1d];
	[sflag:s23] =	ssyncadd.s32 $0xFFFF8000  }
0x5c5: {  	[hbm4b:s0+s2] =	stream.linear.scatter [tilespmem:s8], [sflag:$0x6], $0x8000, $0x38;
	[tilespmem:$0x18400] =	vst v63  }
0x5c6: {  	_ =	swait.ge [sflag:s24], $0x8000  }
0x5c7: {  	[sflag:s24] =	ssyncset.done $0x0  }
0x5c8: {  	[sflag:s24] =	ssyncadd.s32 $0xFFFF8000  }
0x5c9: {  	v3 =	vld [tilespmem:$0x3A0];
	_ =	sdelay $0x4  }
0x5ca: {  	v58 =	vshll.u32 v3, $0x3  }
0x5cb: {  	v3 =	vand.u32 $0x7, v3;
	v4 =	vand.u32 $0xFFFFFFC0, v58  }
0x5cc: {  	v3 =	vor.u32 v3, v4  }
0x5cd: {  	v4 =	vperm.xlane v3, v0;
	_ =	sdelay $0x1  }
0x5ce: {  	v4 =	vadd.s32 v1, v4;
	_ =	sdelay $0x4  }
0x5cf: {  	[tilespmem:s8], [sflag:$0x3] =	stream.indirect_vreg.gather [hbm4b:s4+s2], $0x80, v4, vm0, $0xb8;
	[tilespmem:$0x18400] =	vst v63  }
0x5d0: {  	s25 =	simm.s32 $0x10C00;
	v3 =	vperm.xlane v3, v2  }
0x5d1: {  	[tilespmem:s25], [sflag:$0x3] =	stream.indirect_vreg.gather [hbm4b:s5+s2], $0x80, v4, vm0, $0xb8;
	[tilespmem:$0x18400] =	vst v63  }
0x5d2: {  	s26 =	simm.s32 $0x11400;
	v3 =	vadd.s32 v1, v3  }
0x5d3: {  	[tilespmem:s26], [sflag:$0x3] =	stream.indirect_vreg.gather [hbm4b:s6+s2], $0x80, v4, vm0, $0xb8;
	[tilespmem:$0x18400] =	vst v63  }
0x5d4: {  	s30 =	simm.s32 $0x11C00  }
0x5d5: {  	[tilespmem:s30], [sflag:$0x3] =	stream.indirect_vreg.gather [hbm4b:s7+s2], $0x80, v4, vm0, $0xb8;
	[tilespmem:$0x18400] =	vst v63  }
0x5d6: {  	s25 =	simm.s32 $0x12400  }
0x5d7: {  	[tilespmem:s25], [sflag:$0x3] =	stream.indirect_vreg.gather [hbm4b:s4+s2], $0x80, v3, vm0, $0xb8;
	[tilespmem:$0x18400] =	vst v63  }
0x5d8: {  	s26 =	simm.s32 $0x12C00  }
0x5d9: {  	[tilespmem:s26], [sflag:$0x3] =	stream.indirect_vreg.gather [hbm4b:s5+s2], $0x80, v3, vm0, $0xb8;
	[tilespmem:$0x18400] =	vst v63  }
0x5da: {  	s31 =	simm.s32 $0x13400  }
0x5db: {  	[tilespmem:s31], [sflag:$0x3] =	stream.indirect_vreg.gather [hbm4b:s6+s2], $0x80, v3, vm0, $0xb8;
	[tilespmem:$0x18400] =	vst v63  }
0x5dc: {  	s13 =	simm.s32 $0x13C00  }
0x5dd: {  	[tilespmem:s13], [sflag:$0x3] =	stream.indirect_vreg.gather [hbm4b:s7+s2], $0x80, v3, vm0, $0xb8;
	[tilespmem:$0x18400] =	vst v63  }
0x5de: {  	v3 =	vld [tilespmem:$0x3B0];
	_ =	sdelay $0x4  }
0x5df: {  	v59 =	vshll.u32 v3, $0x3  }
0x5e0: {  	v3 =	vand.u32 $0x7, v3;
	v4 =	vand.u32 $0xFFFFFFC0, v59  }
0x5e1: {  	v3 =	vor.u32 v3, v4  }
0x5e2: {  	v4 =	vperm.xlane v3, v0;
	_ =	sdelay $0x1  }
0x5e3: {  	v4 =	vadd.s32 v1, v4;
	_ =	sdelay $0x3  }
0x5e4: {  	s14 =	simm.s32 $0x14400  }
0x5e5: {  	[tilespmem:s14], [sflag:$0x3] =	stream.indirect_vreg.gather [hbm4b:s4+s2], $0x80, v4, vm0, $0xb8;
	[tilespmem:$0x18400] =	vst v63  }
0x5e6: {  	s15 =	simm.s32 $0x14C00;
	v3 =	vperm.xlane v3, v2  }
0x5e7: {  	[tilespmem:s15], [sflag:$0x3] =	stream.indirect_vreg.gather [hbm4b:s5+s2], $0x80, v4, vm0, $0xb8;
	[tilespmem:$0x18400] =	vst v63  }
0x5e8: {  	s30 =	simm.s32 $0x15400;
	v3 =	vadd.s32 v1, v3  }
0x5e9: {  	[tilespmem:s30], [sflag:$0x3] =	stream.indirect_vreg.gather [hbm4b:s6+s2], $0x80, v4, vm0, $0xb8;
	[tilespmem:$0x18400] =	vst v63  }
0x5ea: {  	s31 =	simm.s32 $0x15C00  }
0x5eb: {  	[tilespmem:s31], [sflag:$0x3] =	stream.indirect_vreg.gather [hbm4b:s7+s2], $0x80, v4, vm0, $0xb8;
	[tilespmem:$0x18400] =	vst v63  }
0x5ec: {  	s10 =	simm.s32 $0x16400  }
0x5ed: {  	[tilespmem:s10], [sflag:$0x3] =	stream.indirect_vreg.gather [hbm4b:s4+s2], $0x80, v3, vm0, $0xb8;
	[tilespmem:$0x18400] =	vst v63  }
0x5ee: {  	s11 =	simm.s32 $0x16C00  }
0x5ef: {  	[tilespmem:s11], [sflag:$0x3] =	stream.indirect_vreg.gather [hbm4b:s5+s2], $0x80, v3, vm0, $0xb8;
	[tilespmem:$0x18400] =	vst v63  }
0x5f0: {  	s12 =	simm.s32 $0x17400  }
0x5f1: {  	[tilespmem:s12], [sflag:$0x3] =	stream.indirect_vreg.gather [hbm4b:s6+s2], $0x80, v3, vm0, $0xb8;
	[tilespmem:$0x18400] =	vst v63  }
0x5f2: {  	s16 =	simm.s32 $0x17C00  }
0x5f3: {  	[tilespmem:s16], [sflag:$0x3] =	stream.indirect_vreg.gather [hbm4b:s7+s2], $0x80, v3, vm0, $0xb8;
	[tilespmem:$0x18400] =	vst v63  }
0x5f4: {  	_ =	swait.ge [sflag:s19], $0x8000  }
0x5f5: {  	[sflag:s19] =	ssyncset.done $0x0  }
0x5f6: {  	s10 =	simm.s32 $0x400;
	s8 =	rddreg [dreg:$0x1e];
	[sflag:s19] =	ssyncadd.s32 $0xFFFF8000  }
0x5f7: {  	[hbm4b:s8+s2] =	stream.linear.scatter [tilespmem:s10], [sflag:$0x4], $0x8000, $0x38;
	[tilespmem:$0x18400] =	vst v63  }
0x5f8: {  	_ =	swait.ge [sflag:s20], $0x8000  }
0x5f9: {  	[sflag:s20] =	ssyncset.done $0x0  }
0x5fa: {  	[sflag:s20] =	ssyncadd.s32 $0xFFFF8000  }
0x5fb: {  	v3 =	vld [tilespmem:$0x3C0];
	_ =	sdelay $0x4  }
0x5fc: {  	v60 =	vshll.u32 v3, $0x3  }
0x5fd: {  	v3 =	vand.u32 $0x7, v3;
	v4 =	vand.u32 $0xFFFFFFC0, v60  }
0x5fe: {  	v3 =	vor.u32 v3, v4  }
0x5ff: {  	v4 =	vperm.xlane v3, v0;
	_ =	sdelay $0x1  }
0x600: {  	v4 =	vadd.s32 v1, v4;
	_ =	sdelay $0x4  }
0x601: {  	[tilespmem:s10], [sflag:$0x1] =	stream.indirect_vreg.gather [hbm4b:s4+s2], $0x80, v4, vm0, $0xb8;
	[tilespmem:$0x18400] =	vst v63  }
0x602: {  	s11 =	simm.s32 $0xC00;
	v3 =	vperm.xlane v3, v2  }
0x603: {  	[tilespmem:s11], [sflag:$0x1] =	stream.indirect_vreg.gather [hbm4b:s5+s2], $0x80, v4, vm0, $0xb8;
	[tilespmem:$0x18400] =	vst v63  }
0x604: {  	s12 =	simm.s32 $0x1400;
	v3 =	vadd.s32 v1, v3  }
0x605: {  	[tilespmem:s12], [sflag:$0x1] =	stream.indirect_vreg.gather [hbm4b:s6+s2], $0x80, v4, vm0, $0xb8;
	[tilespmem:$0x18400] =	vst v63  }
0x606: {  	s17 =	simm.s32 $0x1C00  }
0x607: {  	[tilespmem:s17], [sflag:$0x1] =	stream.indirect_vreg.gather [hbm4b:s7+s2], $0x80, v4, vm0, $0xb8;
	[tilespmem:$0x18400] =	vst v63  }
0x608: {  	s28 =	simm.s32 $0x2400  }
0x609: {  	[tilespmem:s28], [sflag:$0x1] =	stream.indirect_vreg.gather [hbm4b:s4+s2], $0x80, v3, vm0, $0xb8;
	[tilespmem:$0x18400] =	vst v63  }
0x60a: {  	s29 =	simm.s32 $0x2C00  }
0x60b: {  	[tilespmem:s29], [sflag:$0x1] =	stream.indirect_vreg.gather [hbm4b:s5+s2], $0x80, v3, vm0, $0xb8;
	[tilespmem:$0x18400] =	vst v63  }
0x60c: {  	_ = 	snop  }
0x60d: {  	[tilespmem:s9], [sflag:$0x1] =	stream.indirect_vreg.gather [hbm4b:s6+s2], $0x80, v3, vm0, $0xb8;
	[tilespmem:$0x18400] =	vst v63  }
0x60e: {  	s13 =	simm.s32 $0x3C00  }
0x60f: {  	[tilespmem:s13], [sflag:$0x1] =	stream.indirect_vreg.gather [hbm4b:s7+s2], $0x80, v3, vm0, $0xb8;
	[tilespmem:$0x18400] =	vst v63  }
0x610: {  	v3 =	vld [tilespmem:$0x3D0];
	_ =	sdelay $0x4  }
0x611: {  	v61 =	vshll.u32 v3, $0x3  }
0x612: {  	v3 =	vand.u32 $0x7, v3;
	v4 =	vand.u32 $0xFFFFFFC0, v61  }
0x613: {  	v3 =	vor.u32 v3, v4  }
0x614: {  	v4 =	vperm.xlane v3, v0;
	_ =	sdelay $0x1  }
0x615: {  	v4 =	vadd.s32 v1, v4;
	_ =	sdelay $0x3  }
0x616: {  	s14 =	simm.s32 $0x4400  }
0x617: {  	[tilespmem:s14], [sflag:$0x1] =	stream.indirect_vreg.gather [hbm4b:s4+s2], $0x80, v4, vm0, $0xb8;
	[tilespmem:$0x18400] =	vst v63  }
0x618: {  	s15 =	simm.s32 $0x4C00;
	v3 =	vperm.xlane v3, v2  }
0x619: {  	[tilespmem:s15], [sflag:$0x1] =	stream.indirect_vreg.gather [hbm4b:s5+s2], $0x80, v4, vm0, $0xb8;
	[tilespmem:$0x18400] =	vst v63  }
0x61a: {  	s16 =	simm.s32 $0x5400;
	v3 =	vadd.s32 v1, v3  }
0x61b: {  	[tilespmem:s16], [sflag:$0x1] =	stream.indirect_vreg.gather [hbm4b:s6+s2], $0x80, v4, vm0, $0xb8;
	[tilespmem:$0x18400] =	vst v63  }
0x61c: {  	s17 =	simm.s32 $0x5C00  }
0x61d: {  	[tilespmem:s17], [sflag:$0x1] =	stream.indirect_vreg.gather [hbm4b:s7+s2], $0x80, v4, vm0, $0xb8;
	[tilespmem:$0x18400] =	vst v63  }
0x61e: {  	s25 =	simm.s32 $0x6400  }
0x61f: {  	[tilespmem:s25], [sflag:$0x1] =	stream.indirect_vreg.gather [hbm4b:s4+s2], $0x80, v3, vm0, $0xb8;
	[tilespmem:$0x18400] =	vst v63  }
0x620: {  	s26 =	simm.s32 $0x6C00  }
0x621: {  	[tilespmem:s26], [sflag:$0x1] =	stream.indirect_vreg.gather [hbm4b:s5+s2], $0x80, v3, vm0, $0xb8;
	[tilespmem:$0x18400] =	vst v63  }
0x622: {  	s28 =	simm.s32 $0x7400  }
0x623: {  	[tilespmem:s28], [sflag:$0x1] =	stream.indirect_vreg.gather [hbm4b:s6+s2], $0x80, v3, vm0, $0xb8;
	[tilespmem:$0x18400] =	vst v63  }
0x624: {  	s29 =	simm.s32 $0x7C00  }
0x625: {  	[tilespmem:s29], [sflag:$0x1] =	stream.indirect_vreg.gather [hbm4b:s7+s2], $0x80, v3, vm0, $0xb8;
	[tilespmem:$0x18400] =	vst v63  }
0x626: {  	_ =	swait.ge [sflag:s21], $0x8000  }
0x627: {  	[sflag:s21] =	ssyncset.done $0x0  }
0x628: {  	s1 =	simm.s32 $0x8400;
	s30 =	rddreg [dreg:$0x1f];
	[sflag:s21] =	ssyncadd.s32 $0xFFFF8000  }
0x629: {  	[hbm4b:s30+s2] =	stream.linear.scatter [tilespmem:s1], [sflag:$0x5], $0x8000, $0x38;
	[tilespmem:$0x18400] =	vst v63  }
0x62a: {  	_ =	swait.ge [sflag:s22], $0x8000  }
0x62b: {  	[sflag:s22] =	ssyncset.done $0x0  }
0x62c: {  	[sflag:s22] =	ssyncadd.s32 $0xFFFF8000  }
0x62d: {  	v3 =	vld [tilespmem:$0x3E0];
	_ =	sdelay $0x4  }
0x62e: {  	v62 =	vshll.u32 v3, $0x3  }
0x62f: {  	v3 =	vand.u32 $0x7, v3;
	v4 =	vand.u32 $0xFFFFFFC0, v62  }
0x630: {  	v3 =	vor.u32 v3, v4  }
0x631: {  	v4 =	vperm.xlane v3, v0;
	_ =	sdelay $0x1  }
0x632: {  	v4 =	vadd.s32 v1, v4;
	_ =	sdelay $0x4  }
0x633: {  	[tilespmem:s1], [sflag:$0x2] =	stream.indirect_vreg.gather [hbm4b:s4+s2], $0x80, v4, vm0, $0xb8;
	[tilespmem:$0x18400] =	vst v63  }
0x634: {  	s31 =	simm.s32 $0x8C00;
	v3 =	vperm.xlane v3, v2  }
0x635: {  	[tilespmem:s31], [sflag:$0x2] =	stream.indirect_vreg.gather [hbm4b:s5+s2], $0x80, v4, vm0, $0xb8;
	[tilespmem:$0x18400] =	vst v63  }
0x636: {  	v3 =	vadd.s32 v1, v3  }
0x637: {  	[tilespmem:s3], [sflag:$0x2] =	stream.indirect_vreg.gather [hbm4b:s6+s2], $0x80, v4, vm0, $0xb8;
	[tilespmem:$0x18400] =	vst v63  }
0x638: {  	s9 =	simm.s32 $0x9C00  }
0x639: {  	[tilespmem:s9], [sflag:$0x2] =	stream.indirect_vreg.gather [hbm4b:s7+s2], $0x80, v4, vm0, $0xb8;
	[tilespmem:$0x18400] =	vst v63  }
0x63a: {  	s10 =	simm.s32 $0xA400  }
0x63b: {  	[tilespmem:s10], [sflag:$0x2] =	stream.indirect_vreg.gather [hbm4b:s4+s2], $0x80, v3, vm0, $0xb8;
	[tilespmem:$0x18400] =	vst v63  }
0x63c: {  	s11 =	simm.s32 $0xAC00  }
0x63d: {  	[tilespmem:s11], [sflag:$0x2] =	stream.indirect_vreg.gather [hbm4b:s5+s2], $0x80, v3, vm0, $0xb8;
	[tilespmem:$0x18400] =	vst v63  }
0x63e: {  	s12 =	simm.s32 $0xB400  }
0x63f: {  	[tilespmem:s12], [sflag:$0x2] =	stream.indirect_vreg.gather [hbm4b:s6+s2], $0x80, v3, vm0, $0xb8;
	[tilespmem:$0x18400] =	vst v63  }
0x640: {  	s13 =	simm.s32 $0xBC00  }
0x641: {  	[tilespmem:s13], [sflag:$0x2] =	stream.indirect_vreg.gather [hbm4b:s7+s2], $0x80, v3, vm0, $0xb8;
	[tilespmem:$0x18400] =	vst v63  }
0x642: {  	v3 =	vld [tilespmem:$0x3F0];
	_ =	sdelay $0x4  }
0x643: {  	v63 =	vshll.u32 v3, $0x3  }
0x644: {  	v3 =	vand.u32 $0x7, v3;
	v4 =	vand.u32 $0xFFFFFFC0, v63  }
0x645: {  	v3 =	vor.u32 v3, v4  }
0x646: {  	v4 =	vperm.xlane v3, v0;
	_ =	sdelay $0x1  }
0x647: {  	v4 =	vadd.s32 v1, v4;
	_ =	sdelay $0x3  }
0x648: {  	s18 =	simm.s32 $0xC400  }
0x649: {  	[tilespmem:s18], [sflag:$0x2] =	stream.indirect_vreg.gather [hbm4b:s4+s2], $0x80, v4, vm0, $0xb8;
	[tilespmem:$0x18400] =	vst v63  }
0x64a: {  	s14 =	simm.s32 $0xCC00;
	v3 =	vperm.xlane v3, v2  }
0x64b: {  	[tilespmem:s14], [sflag:$0x2] =	stream.indirect_vreg.gather [hbm4b:s5+s2], $0x80, v4, vm0, $0xb8;
	[tilespmem:$0x18400] =	vst v63  }
0x64c: {  	s15 =	simm.s32 $0xD400;
	v3 =	vadd.s32 v1, v3  }
0x64d: {  	[tilespmem:s15], [sflag:$0x2] =	stream.indirect_vreg.gather [hbm4b:s6+s2], $0x80, v4, vm0, $0xb8;
	[tilespmem:$0x18400] =	vst v63  }
0x64e: {  	s16 =	simm.s32 $0xDC00  }
0x64f: {  	[tilespmem:s16], [sflag:$0x2] =	stream.indirect_vreg.gather [hbm4b:s7+s2], $0x80, v4, vm0, $0xb8;
	[tilespmem:$0x18400] =	vst v63  }
0x650: {  	s17 =	simm.s32 $0xE400  }
0x651: {  	[tilespmem:s17], [sflag:$0x2] =	stream.indirect_vreg.gather [hbm4b:s4+s2], $0x80, v3, vm0, $0xb8;
	[tilespmem:$0x18400] =	vst v63  }
0x652: {  	s18 =	simm.s32 $0xEC00  }
0x653: {  	[tilespmem:s18], [sflag:$0x2] =	stream.indirect_vreg.gather [hbm4b:s5+s2], $0x80, v3, vm0, $0xb8;
	[tilespmem:$0x18400] =	vst v63  }
0x654: {  	s25 =	simm.s32 $0xF400  }
0x655: {  	[tilespmem:s25], [sflag:$0x2] =	stream.indirect_vreg.gather [hbm4b:s6+s2], $0x80, v3, vm0, $0xb8;
	[tilespmem:$0x18400] =	vst v63  }
0x656: {  	s26 =	simm.s32 $0xFC00  }
0x657: {  	[tilespmem:s26], [sflag:$0x2] =	stream.indirect_vreg.gather [hbm4b:s7+s2], $0x80, v3, vm0, $0xb8;
	[tilespmem:$0x18400] =	vst v63  }
0x658: {  	_ =	swait.ge [sflag:s23], $0x8000  }
0x659: {  	s28 =	sld [smem:$0x7FA]  }
0x65a: {  	[sflag:s23] =	ssyncset.done $0x0  }
0x65b: {  	s0 =	simm.s32 $0x10400;
	[sflag:s23] =	ssyncadd.s32 $0xFFFF8000  }
0x65c: {  	[hbm4b:s28+s2] =	stream.linear.scatter [tilespmem:s0], [sflag:$0x6], $0x8000, $0x38;
	[tilespmem:$0x18400] =	vst v63  }
0x65d: {  	_ =	swait.ge [sflag:s19], $0x8000  }
0x65e: {  	s29 =	sld [smem:$0x7FB]  }
0x65f: {  	[sflag:s19] =	ssyncset.done $0x0  }
0x660: {  	s8 =	simm.s32 $0x400;
	[sflag:s19] =	ssyncadd.s32 $0xFFFF8000  }
0x661: {  	[hbm4b:s29+s2] =	stream.linear.scatter [tilespmem:s8], [sflag:$0x4], $0x8000, $0x38;
	[tilespmem:$0x18400] =	vst v63  }
0x662: {  	_ =	swait.ge [sflag:s21], $0x8000  }
0x663: {  	s30 =	sld [smem:$0x7FD]  }
0x664: {  	[sflag:s21] =	ssyncset.done $0x0  }
0x665: {  	[sflag:s21] =	ssyncadd.s32 $0xFFFF8000  }
0x666: {  	[hbm4b:s30+s2] =	stream.linear.scatter [tilespmem:s1], [sflag:$0x5], $0x8000, $0x38;
	[tilespmem:$0x18400] =	vst v63  }
0x667: {  	_ =	swait.ge [sflag:s24], $0x8000  }
0x668: {  	[sflag:s24] =	ssyncset.done $0x0  }
0x669: {  	[sflag:s24] =	ssyncadd.s32 $0xFFFF8000  }
0x66a: {  	_ =	swait.ge [sflag:s20], $0x8000  }
0x66b: {  	[sflag:s20] =	ssyncset.done $0x0  }
0x66c: {  	[sflag:s20] =	ssyncadd.s32 $0xFFFF8000  }
0x66d: {  	_ =	swait.ge [sflag:s22], $0x8000  }
0x66e: {  	s31 =	sld [smem:$0x7F9];
	_ =	sdelay $0x2  }
0x66f: {  	p0 =	sne.s32 s31, $0x1  }
.Ltmp0:
0x670: {  	_ = 	snop;
	(pc) =	sbr.rel @p0 .LBB2_1-.Ltmp0, $3  }
0x671: {  	_ =	sdelay $0x1  }
0x672: {  	[sflag:s22] =	ssyncset.done $0x0  }
0x673: {  	[sflag:s22] =	ssyncadd.s32 $0xFFFF8000;
	s0 =	sadd.s32 $0xFFFFFFFF, s31  }
0x674: {  	_ =	sfence.sel $0x180000  }
0x675: {  	[bflag:$0x0] =	sbarrier.arrive $0xFFFF  }
0x676: {  	_ =	strace $0x90000047  }
0x677: {  	s0 =	stileid.u32;
	[bflag:$0x2] =	sbarrier.arrive $0xFFFF  }
0x678: {  	p0 =	sne.s32 s0, $0x0;
	s0 =	rddreg [dreg:$0x2]  }
0x679: {  	s0 =	sadd.s32 @!p0 $0x100000, s0  }
0x67a: {  	[sflag:s0] =	ssyncadd.tile.s32 @!p0 $0x1;
	_ =	shalt  }
.Lfunc_end2:
_tile_overlayer_lowered:
.L_overlay_start_2:
0x67b: {  	(tag) =	ssettag $0x2  }
0x67c: {  	s0 =	rddreg [dreg:$0x0];
	s2 =	stileid.u32  }
0x67d: {  	s1 =	rddreg [dreg:$0x1];
	p0 =	sne.s32 s2, $0x0  }
0x67e: {  	s3 =	rddreg [dreg:$0x2];
	[bflag:$0x3] =	sbarrier.arrive $0xFFFF;
	s2 =	simm.s32 @!p0 $0x1C07  }
0x67f: {  	[timem:s3], [sflag:s2] =	dma.local @!p0 [hbm:s0], s1  }
0x680: {  	s0 =	simm.s32 @!p0 $0x7  }
0x681: {  	_ =	swait.ge @!p0 [sflag:s0], s1  }
0x682: {  	s1 =	ssub.s32 @!p0 $0x0, s1;
	[sflag:s0] =	ssyncset.done @!p0 $0x0  }
0x683: {  	[sflag:s0] =	ssyncadd.s32 @!p0 s1  }
0x684: {  	[bflag:$0x3] =	sbarrier.arrive $0xFFFF  }
0x685: {  	_ =	shalt  }

</sc_bundles>
